<compile_context>
chip_gen: v7x
topology: tpu7x:2x2x1
jax: 0.10.2.dev20260603
libtpu: 0.0.44.dev20260713+nightly
codegen_flags: <defaults>
</compile_context>

<pallas_src>
import jax
import jax.numpy as jnp
from jax import lax
from jax.experimental import pallas as pl
from jax.experimental.pallas import tpu as pltpu
from jax.experimental.pallas import tpu_sc as plsc

_N = 10000
_E = 320000
_D = 128
_B = 64
_OUT = 24

_NC = 2
_NS = 16
_NW = _NC * _NS
_EW = _E // _NW
_K = 100
_NCH = _EW // _K
_SG = 25
_NB = 3
_NG = _NCH // _SG
_RPT = _N // _NS

_f32 = jnp.float32

_MESH = plsc.VectorSubcoreMesh(core_axis_name="c", subcore_axis_name="s",
                               num_cores=_NC, num_subcores=_NS)


def _zero_fill(buf, nrows):
    def zrow(i, _):
        def zcol(j, _):
            buf[i, pl.ds(j * 16, 16)] = jnp.zeros((16,), _f32)
            return 0
        return lax.fori_loop(0, _D // 16, zcol, 0)
    lax.fori_loop(0, nrows, zrow, 0)


def _zero_acc_slice(rows, acc, r0):
    nfull, tail = _RPT // _K, _RPT % _K
    for t in range(nfull):
        pltpu.sync_copy(rows, acc.at[pl.ds(r0 + t * _K, _K)])
    if tail:
        pltpu.sync_copy(rows.at[pl.ds(0, tail)],
                        acc.at[pl.ds(r0 + nfull * _K, tail)])


def _make_sc_agg():
    def body(*refs):
        (h_hbm, src_hbm, dst_hbm, out_acc) = refs[:4]
        rows = refs[4:4 + _NB]
        sidx, didx, acc = refs[4 + _NB:7 + _NB]
        gsem = refs[7 + _NB:7 + 2 * _NB]
        ssem = refs[7 + 2 * _NB:7 + 3 * _NB]
        rows0 = rows[0]
        cid = lax.axis_index("c")
        sid = lax.axis_index("s")
        wid = cid * _NS + sid
        r0 = sid * _RPT

        _zero_fill(rows0, _K)
        _zero_acc_slice(rows0, acc, r0)

        plsc.subcore_barrier()

        def group(g, _):
            pltpu.sync_copy(src_hbm.at[wid, g], sidx)
            pltpu.sync_copy(dst_hbm.at[wid, g], didx)
            for pb in range(_NB - 1):
                pltpu.async_copy(h_hbm.at[sidx.at[pb]], rows[pb], gsem[pb])

            def step(c, _):
                def consume(b):
                    p = (b + _NB - 1) % _NB
                    pltpu.make_async_copy(
                        h_hbm.at[sidx.at[c]], rows[b], gsem[b]).wait()

                    @pl.when(c >= 1)
                    def _drain():
                        pltpu.make_async_copy(
                            rows[p], acc.at[didx.at[c]], ssem[p]).wait()

                    @pl.when(c + _NB - 1 < _SG)
                    def _prefetch():
                        pltpu.async_copy(
                            h_hbm.at[sidx.at[c + _NB - 1]], rows[p], gsem[p])
                    pltpu.async_copy(rows[b], acc.at[didx.at[c]], ssem[b],
                                     add=True)

                for b in range(_NB):
                    @pl.when(c % _NB == b)
                    def _go(b=b):
                        consume(b)
                return 0
            lax.fori_loop(0, _SG, step, 0)
            last = (_SG - 1) % _NB
            pltpu.make_async_copy(
                rows[last], acc.at[didx.at[0]], ssem[last]).wait()
            return 0
        lax.fori_loop(0, _NG, group, 0)

        plsc.subcore_barrier()
        pltpu.sync_copy(acc.at[pl.ds(r0, _RPT)], out_acc.at[cid, sid])

    return pl.kernel(
        body,
        out_type=[jax.ShapeDtypeStruct((_NC, _NS, _RPT, _D), _f32)],
        mesh=_MESH,
        scratch_types=(
            [pltpu.VMEM((_K, _D), _f32)] * _NB
            + [pltpu.VMEM((_SG, _K), jnp.int32),
               pltpu.VMEM((_SG, _K), jnp.int32),
               pltpu.VMEM_SHARED((_N, _D), _f32)]
            + [pltpu.SemaphoreType.DMA] * (2 * _NB)))



def _make_sc_cnt():
    def body(dst_hbm, out_cnt, ones_b, didx, acc, sem):
        cid = lax.axis_index("c")
        sid = lax.axis_index("s")
        wid = cid * _NS + sid
        r0 = sid * _RPT

        _zero_fill(ones_b, _K)
        _zero_acc_slice(ones_b, acc, r0)

        def orow(i, _):
            def ocol(j, _):
                ones_b[i, pl.ds(j * 16, 16)] = jnp.ones((16,), _f32)
                return 0
            return lax.fori_loop(0, _D // 16, ocol, 0)
        lax.fori_loop(0, _K, orow, 0)
        plsc.subcore_barrier()

        def group(g, _):
            pltpu.sync_copy(dst_hbm.at[wid, g], didx)

            def step(c, _):
                pltpu.async_copy(ones_b, acc.at[didx.at[c]], sem, add=True)

                @pl.when(c >= 3)
                def _drain():
                    pltpu.make_async_copy(
                        ones_b, acc.at[didx.at[c]], sem).wait()
                return 0
            lax.fori_loop(0, _SG, step, 0)
            for _t in range(3):
                pltpu.make_async_copy(
                    ones_b, acc.at[didx.at[0]], sem).wait()
            return 0
        lax.fori_loop(0, _NG, group, 0)

        plsc.subcore_barrier()
        pltpu.sync_copy(acc.at[pl.ds(r0, _RPT)], out_cnt.at[cid, sid])

    return pl.kernel(
        body,
        out_type=jax.ShapeDtypeStruct((_NC, _NS, _RPT, _D), _f32),
        mesh=_MESH,
        scratch_types=[
            pltpu.VMEM((_K, _D), _f32),
            pltpu.VMEM((_SG, _K), jnp.int32),
            pltpu.VMEM_SHARED((_N, _D), _f32),
            pltpu.SemaphoreType.DMA,
        ])


_BN = 1000


def _inv_count(c0, c1):
    return 1.0 / jnp.maximum(c0[:, 0:1] + c1[:, 0:1], 1.0)


def _tc_layer1_body(x, p0, p1, c0, c1, w1, w2, b, o):
    mean = (p0[...] + p1[...]) * _inv_count(c0[...], c1[...])
    h = (jnp.dot(x[...], w1[...], preferred_element_type=_f32)
         + jnp.dot(mean, w2[...], preferred_element_type=_f32) + b[...])
    o[...] = jnp.maximum(h, 0.0)


def _tc_layer2_body(h1, p0, p1, c0, c1, bat, w1, w2, b, wl1, bl1, wl2, bl2,
                    o, psum, pcnt):
    i = pl.program_id(0)

    @pl.when(i == 0)
    def _init():
        psum[...] = jnp.zeros((_B, _D), _f32)
        pcnt[...] = jnp.zeros((_B, 1), _f32)

    mean = (p0[...] + p1[...]) * _inv_count(c0[...], c1[...])
    h2 = (jnp.dot(h1[...], w1[...], preferred_element_type=_f32)
          + jnp.dot(mean, w2[...], preferred_element_type=_f32) + b[...])
    h2 = jnp.maximum(h2, 0.0)

    onehot = (bat[...] == lax.broadcasted_iota(jnp.int32, (_BN, _B), 1)
              ).astype(_f32)
    psum[...] += lax.dot_general(
        onehot, h2, (((0,), (0,)), ((), ())), preferred_element_type=_f32)
    pcnt[...] += jnp.sum(onehot, axis=0).reshape(_B, 1)

    @pl.when(i == pl.num_programs(0) - 1)
    def _head():
        pooled = psum[...] / jnp.maximum(pcnt[...], 1.0)
        z = jnp.maximum(
            jnp.dot(pooled, wl1[...], preferred_element_type=_f32) + bl1[...],
            0.0)
        o[...] = jnp.dot(z, wl2[...], preferred_element_type=_f32) + bl2[...]


def _row_spec(w):
    return pl.BlockSpec((_BN, w), lambda i: (i, 0))


def _full_spec(shape):
    return pl.BlockSpec(shape, lambda i: (0,) * len(shape))


def kernel(x, edge_index, batch, W1a, W2a, b1, W1b, W2b, b2,
           Wl1, bl1, Wl2, bl2):
    src = edge_index[0].reshape(_NW, _NG, _SG, _K)
    dst = edge_index[1].reshape(_NW, _NG, _SG, _K)

    sc_agg = _make_sc_agg()
    cntp = _make_sc_cnt()(dst).reshape(_NC, _N, _D)
    (agg1,) = sc_agg(x, src, dst)
    agg1 = agg1.reshape(_NC, _N, _D)

    h1 = pl.pallas_call(
        _tc_layer1_body,
        grid=(_N // _BN,),
        in_specs=[_row_spec(_D), _row_spec(_D), _row_spec(_D),
                  _row_spec(_D), _row_spec(_D),
                  _full_spec((_D, _D)), _full_spec((_D, _D)),
                  _full_spec((1, _D))],
        out_specs=_row_spec(_D),
        out_shape=jax.ShapeDtypeStruct((_N, _D), _f32),
    )(x, agg1[0], agg1[1], cntp[0], cntp[1], W1a, W2a, b1.reshape(1, _D))

    (agg2,) = sc_agg(h1, src, dst)
    agg2 = agg2.reshape(_NC, _N, _D)

    out = pl.pallas_call(
        _tc_layer2_body,
        grid=(_N // _BN,),
        in_specs=[_row_spec(_D), _row_spec(_D), _row_spec(_D),
                  _row_spec(_D), _row_spec(_D), _row_spec(1),
                  _full_spec((_D, _D)), _full_spec((_D, _D)),
                  _full_spec((1, _D)),
                  _full_spec((_D, _D // 2)), _full_spec((1, _D // 2)),
                  _full_spec((_D // 2, _OUT)), _full_spec((1, _OUT))],
        out_specs=_full_spec((_B, _OUT)),
        out_shape=jax.ShapeDtypeStruct((_B, _OUT), _f32),
        scratch_shapes=[pltpu.VMEM((_B, _D), _f32),
                        pltpu.VMEM((_B, 1), _f32)],
    )(h1, agg2[0], agg2[1], cntp[0], cntp[1], batch.reshape(_N, 1),
      W1b, W2b, b2.reshape(1, _D), Wl1, bl1.reshape(1, _D // 2),
      Wl2, bl2.reshape(1, _OUT))
    return out

# --- scband reference (transcript-rebuilt; emitter-appended) ---
"""Pipeline reference for scband-sage-gn-network-24670292149153 (READ-ONLY COPY).

The authoritative reference and input builder live on the scoring server;
editing this copy changes nothing except your own understanding.
"""

import jax, jax.numpy as jnp
import numpy as np

N = 10000
E = 320000
D = 128
H = 128
B = 64
OUT = 24


def setup_inputs(seed: int = 0) -> dict:
    key = jax.random.key(seed)
    ks = jax.random.split(key, 14)
    x = jax.random.normal(ks[0], (N, D), dtype=jnp.float32)
    edge_index = jax.random.randint(ks[1], (2, E), 0, N, dtype=jnp.int32)
    batch = jnp.sort(jax.random.randint(ks[2], (N,), 0, B, dtype=jnp.int32))
    s = 0.05
    W1a = jax.random.normal(ks[3], (D, H), dtype=jnp.float32) * s
    W2a = jax.random.normal(ks[4], (D, H), dtype=jnp.float32) * s
    b1 = jnp.zeros((H,), dtype=jnp.float32)
    W1b = jax.random.normal(ks[5], (H, H), dtype=jnp.float32) * s
    W2b = jax.random.normal(ks[6], (H, H), dtype=jnp.float32) * s
    b2 = jnp.zeros((H,), dtype=jnp.float32)
    Wl1 = jax.random.normal(ks[7], (H, H // 2), dtype=jnp.float32) * s
    bl1 = jnp.zeros((H // 2,), dtype=jnp.float32)
    Wl2 = jax.random.normal(ks[8], (H // 2, OUT), dtype=jnp.float32) * s
    bl2 = jnp.zeros((OUT,), dtype=jnp.float32)
    return {"x": x, "edge_index": edge_index, "batch": batch,
            "W1a": W1a, "W2a": W2a, "b1": b1,
            "W1b": W1b, "W2b": W2b, "b2": b2,
            "Wl1": Wl1, "bl1": bl1, "Wl2": Wl2, "bl2": bl2}


def _sage_conv(h, edge_index, W_self, W_neigh, b):
    # SAGEConv with mean aggregation: out = h @ W_self + mean_agg(h) @ W_neigh + b
    src = edge_index[0]
    dst = edge_index[1]
    msg = jnp.take(h, src, axis=0)
    agg = jax.ops.segment_sum(msg, dst, num_segments=h.shape[0])
    cnt = jax.ops.segment_sum(jnp.ones((edge_index.shape[1],), dtype=h.dtype), dst, num_segments=h.shape[0])
    mean = agg / jnp.clip(cnt, 1.0)[:, None]
    return h @ W_self + mean @ W_neigh + b


def reference(x, edge_index, batch, W1a, W2a, b1, W1b, W2b, b2, Wl1, bl1, Wl2, bl2):
    h = _sage_conv(x, edge_index, W1a, W2a, b1)
    h = jax.nn.relu(h)
    # dropout p=0.0 -> identity
    h = _sage_conv(h, edge_index, W1b, W2b, b2)
    h = jax.nn.relu(h)
    # global_mean_pool over graph ids
    pooled_sum = jax.ops.segment_sum(h, batch, num_segments=B)
    counts = jax.ops.segment_sum(jnp.ones((h.shape[0],), dtype=h.dtype), batch, num_segments=B)
    pooled = pooled_sum / jnp.clip(counts, 1.0)[:, None]
    z = jax.nn.relu(pooled @ Wl1 + bl1)
    out = z @ Wl2 + bl2
    return out

if __name__ == "__main__":
    import jax
    _d = setup_inputs()
    print(jax.jit(kernel)(*tuple(_d.values())))

</pallas_src>

<mosaic_0001>
#map = affine_map<(d0, d1) -> (0, 0, 0, 0)>
module attributes {stable_mosaic.version = 14 : i64} {
  func.func @body(%arg0: i32, %arg1: i32, %arg2: memref<32x4x25x100xi32, #tpu.memory_space<hbm>>, %arg3: memref<2x16x625x128xf32, #tpu.memory_space<hbm>>, %arg4: memref<100x128xf32, #tpu.memory_space<vmem>>, %arg5: memref<25x100xi32, #tpu.memory_space<vmem>>, %arg6: memref<10000x128xf32, #tpu.memory_space<vmem_shared>>, %arg7: memref<!tpu.dma_semaphore, #tpu.memory_space<semaphore_mem>>) attributes {dimension_semantics = [#tpu.dimension_semantics<core_parallel>, #tpu.dimension_semantics<subcore_parallel>], iteration_bounds = array<i64: 2, 16>, scalar_prefetch = 0 : i64, scratch_operands = 4 : i64, tpu.core_type = #tpu.core_type<sc_vector_subcore>, window_params = [{transform_indices = #map}, {transform_indices = #map}]} {
    %mul3A = arith.constant 16 : i32
    %mul3A_0 = arith.muli %arg0, %mul3A : i32
    %add3A = arith.addi %mul3A_0, %arg1 : i32
    %mul3A_1 = arith.constant 625 : i32
    %mul3A_2 = arith.muli %arg1, %mul3A_1 : i32
    %scan3A = arith.constant 0 : i32
    %scan3A_3 = arith.constant 0 : i32
    %scan3A_4 = arith.constant 100 : i32
    %scan3A_5 = arith.addi %scan3A_3, %scan3A_4 : i32
    %scan3A_6 = arith.constant 1 : i32
    %scan3A_7 = scf.for %scan3A_38 = %scan3A_3 to %scan3A_5 step %scan3A_6 iter_args(%scan3A_39 = %scan3A) -> (i32)  : i32 {
      %scan3A_40 = arith.constant 0 : i32
      %scan3A_41 = arith.constant 0 : i32
      %scan3A_42 = arith.constant 8 : i32
      %scan3A_43 = arith.addi %scan3A_41, %scan3A_42 : i32
      %scan3A_44 = arith.constant 1 : i32
      %scan3A_45 = scf.for %scan3A_47 = %scan3A_41 to %scan3A_43 step %scan3A_44 iter_args(%scan3A_48 = %scan3A_40) -> (i32)  : i32 {
        %broadcast_in_dim3A = arith.constant 0.000000e+00 : f32
        %broadcast_in_dim3A_49 = vector.broadcast %broadcast_in_dim3A : f32 to vector<16xf32>
        %mul3A_50 = arith.constant 16 : i32
        %mul3A_51 = arith.muli %scan3A_47, %mul3A_50 : i32
        %swap3A = arith.index_cast %scan3A_38 : i32 to index
        %swap3A_52 = arith.index_cast %mul3A_51 : i32 to index
        %swap3A_53 = tpu.vector_load %arg4[%swap3A, %swap3A_52] {strides = array<i32>} : memref<100x128xf32, #tpu.memory_space<vmem>>, vector<1x16xf32>,
        %swap3A_54 = vector.shape_cast %swap3A_53 : vector<1x16xf32> to vector<16xf32>
        %swap3A_55 = vector.shape_cast %broadcast_in_dim3A_49 : vector<16xf32> to vector<1x16xf32>
        tpu.vector_store %arg4[%swap3A, %swap3A_52], %swap3A_55 {strides = array<i32>} : memref<100x128xf32, #tpu.memory_space<vmem>>, vector<1x16xf32>,
        %scan3A_56 = arith.constant 0 : i32
        scf.yield %scan3A_56 : i32
      }
      %scan3A_46 = arith.constant 8 : i32
      scf.yield %scan3A_45 : i32
    }
    %scan3A_8 = arith.constant 100 : i32
    %add3A_9 = arith.constant 0 : i32
    %add3A_10 = arith.addi %mul3A_2, %add3A_9 : i32
    "tpu.region"() ({
      %run_scoped3A = tpu.sem_alloc : memref<!tpu.dma_semaphore, #tpu.memory_space<semaphore_mem>>
      %dma_start3A = arith.constant 0 : i32
      %dma_start3A_38 = tpu.memref_slice %arg6[%add3A_10, %dma_start3A] : memref<10000x128xf32, #tpu.memory_space<vmem_shared>> -> memref<100x128xf32, #tpu.memory_space<vmem_shared>>
      %dma_start3A_39 = arith.constant 0 : i32
      %dma_start3A_40 = tpu.memref_slice %arg6[%add3A_10, %dma_start3A_39] : memref<10000x128xf32, #tpu.memory_space<vmem_shared>> -> memref<100x128xf32, #tpu.memory_space<vmem_shared>>
      tpu.enqueue_dma source(%arg4 : memref<100x128xf32, #tpu.memory_space<vmem>>) target(%dma_start3A_40 : memref<100x128xf32, #tpu.memory_space<vmem_shared>>) target_semaphore(%run_scoped3A : memref<!tpu.dma_semaphore, #tpu.memory_space<semaphore_mem>>)
      %dma_wait3A = arith.constant 0 : i32
      %dma_wait3A_41 = tpu.memref_slice %arg6[%add3A_10, %dma_wait3A] : memref<10000x128xf32, #tpu.memory_space<vmem_shared>> -> memref<100x128xf32, #tpu.memory_space<vmem_shared>>
      %dma_wait3A_42 = arith.constant 0 : i32
      %dma_wait3A_43 = tpu.memref_slice %arg6[%add3A_10, %dma_wait3A_42] : memref<10000x128xf32, #tpu.memory_space<vmem_shared>> -> memref<100x128xf32, #tpu.memory_space<vmem_shared>>
      tpu.wait_dma2 semaphore(%run_scoped3A : memref<!tpu.dma_semaphore, #tpu.memory_space<semaphore_mem>>) src(%arg4 : memref<100x128xf32, #tpu.memory_space<vmem>>) dst(%dma_wait3A_43 : memref<100x128xf32, #tpu.memory_space<vmem_shared>>)
      tpu.yield
    }) : () -> ()
    %add3A_11 = arith.constant 100 : i32
    %add3A_12 = arith.addi %mul3A_2, %add3A_11 : i32
    "tpu.region"() ({
      %run_scoped3A = tpu.sem_alloc : memref<!tpu.dma_semaphore, #tpu.memory_space<semaphore_mem>>
      %dma_start3A = arith.constant 0 : i32
      %dma_start3A_38 = tpu.memref_slice %arg6[%add3A_12, %dma_start3A] : memref<10000x128xf32, #tpu.memory_space<vmem_shared>> -> memref<100x128xf32, #tpu.memory_space<vmem_shared>>
      %dma_start3A_39 = arith.constant 0 : i32
      %dma_start3A_40 = tpu.memref_slice %arg6[%add3A_12, %dma_start3A_39] : memref<10000x128xf32, #tpu.memory_space<vmem_shared>> -> memref<100x128xf32, #tpu.memory_space<vmem_shared>>
      tpu.enqueue_dma source(%arg4 : memref<100x128xf32, #tpu.memory_space<vmem>>) target(%dma_start3A_40 : memref<100x128xf32, #tpu.memory_space<vmem_shared>>) target_semaphore(%run_scoped3A : memref<!tpu.dma_semaphore, #tpu.memory_space<semaphore_mem>>)
      %dma_wait3A = arith.constant 0 : i32
      %dma_wait3A_41 = tpu.memref_slice %arg6[%add3A_12, %dma_wait3A] : memref<10000x128xf32, #tpu.memory_space<vmem_shared>> -> memref<100x128xf32, #tpu.memory_space<vmem_shared>>
      %dma_wait3A_42 = arith.constant 0 : i32
      %dma_wait3A_43 = tpu.memref_slice %arg6[%add3A_12, %dma_wait3A_42] : memref<10000x128xf32, #tpu.memory_space<vmem_shared>> -> memref<100x128xf32, #tpu.memory_space<vmem_shared>>
      tpu.wait_dma2 semaphore(%run_scoped3A : memref<!tpu.dma_semaphore, #tpu.memory_space<semaphore_mem>>) src(%arg4 : memref<100x128xf32, #tpu.memory_space<vmem>>) dst(%dma_wait3A_43 : memref<100x128xf32, #tpu.memory_space<vmem_shared>>)
      tpu.yield
    }) : () -> ()
    %add3A_13 = arith.constant 200 : i32
    %add3A_14 = arith.addi %mul3A_2, %add3A_13 : i32
    "tpu.region"() ({
      %run_scoped3A = tpu.sem_alloc : memref<!tpu.dma_semaphore, #tpu.memory_space<semaphore_mem>>
      %dma_start3A = arith.constant 0 : i32
      %dma_start3A_38 = tpu.memref_slice %arg6[%add3A_14, %dma_start3A] : memref<10000x128xf32, #tpu.memory_space<vmem_shared>> -> memref<100x128xf32, #tpu.memory_space<vmem_shared>>
      %dma_start3A_39 = arith.constant 0 : i32
      %dma_start3A_40 = tpu.memref_slice %arg6[%add3A_14, %dma_start3A_39] : memref<10000x128xf32, #tpu.memory_space<vmem_shared>> -> memref<100x128xf32, #tpu.memory_space<vmem_shared>>
      tpu.enqueue_dma source(%arg4 : memref<100x128xf32, #tpu.memory_space<vmem>>) target(%dma_start3A_40 : memref<100x128xf32, #tpu.memory_space<vmem_shared>>) target_semaphore(%run_scoped3A : memref<!tpu.dma_semaphore, #tpu.memory_space<semaphore_mem>>)
      %dma_wait3A = arith.constant 0 : i32
      %dma_wait3A_41 = tpu.memref_slice %arg6[%add3A_14, %dma_wait3A] : memref<10000x128xf32, #tpu.memory_space<vmem_shared>> -> memref<100x128xf32, #tpu.memory_space<vmem_shared>>
      %dma_wait3A_42 = arith.constant 0 : i32
      %dma_wait3A_43 = tpu.memref_slice %arg6[%add3A_14, %dma_wait3A_42] : memref<10000x128xf32, #tpu.memory_space<vmem_shared>> -> memref<100x128xf32, #tpu.memory_space<vmem_shared>>
      tpu.wait_dma2 semaphore(%run_scoped3A : memref<!tpu.dma_semaphore, #tpu.memory_space<semaphore_mem>>) src(%arg4 : memref<100x128xf32, #tpu.memory_space<vmem>>) dst(%dma_wait3A_43 : memref<100x128xf32, #tpu.memory_space<vmem_shared>>)
      tpu.yield
    }) : () -> ()
    %add3A_15 = arith.constant 300 : i32
    %add3A_16 = arith.addi %mul3A_2, %add3A_15 : i32
    "tpu.region"() ({
      %run_scoped3A = tpu.sem_alloc : memref<!tpu.dma_semaphore, #tpu.memory_space<semaphore_mem>>
      %dma_start3A = arith.constant 0 : i32
      %dma_start3A_38 = tpu.memref_slice %arg6[%add3A_16, %dma_start3A] : memref<10000x128xf32, #tpu.memory_space<vmem_shared>> -> memref<100x128xf32, #tpu.memory_space<vmem_shared>>
      %dma_start3A_39 = arith.constant 0 : i32
      %dma_start3A_40 = tpu.memref_slice %arg6[%add3A_16, %dma_start3A_39] : memref<10000x128xf32, #tpu.memory_space<vmem_shared>> -> memref<100x128xf32, #tpu.memory_space<vmem_shared>>
      tpu.enqueue_dma source(%arg4 : memref<100x128xf32, #tpu.memory_space<vmem>>) target(%dma_start3A_40 : memref<100x128xf32, #tpu.memory_space<vmem_shared>>) target_semaphore(%run_scoped3A : memref<!tpu.dma_semaphore, #tpu.memory_space<semaphore_mem>>)
      %dma_wait3A = arith.constant 0 : i32
      %dma_wait3A_41 = tpu.memref_slice %arg6[%add3A_16, %dma_wait3A] : memref<10000x128xf32, #tpu.memory_space<vmem_shared>> -> memref<100x128xf32, #tpu.memory_space<vmem_shared>>
      %dma_wait3A_42 = arith.constant 0 : i32
      %dma_wait3A_43 = tpu.memref_slice %arg6[%add3A_16, %dma_wait3A_42] : memref<10000x128xf32, #tpu.memory_space<vmem_shared>> -> memref<100x128xf32, #tpu.memory_space<vmem_shared>>
      tpu.wait_dma2 semaphore(%run_scoped3A : memref<!tpu.dma_semaphore, #tpu.memory_space<semaphore_mem>>) src(%arg4 : memref<100x128xf32, #tpu.memory_space<vmem>>) dst(%dma_wait3A_43 : memref<100x128xf32, #tpu.memory_space<vmem_shared>>)
      tpu.yield
    }) : () -> ()
    %add3A_17 = arith.constant 400 : i32
    %add3A_18 = arith.addi %mul3A_2, %add3A_17 : i32
    "tpu.region"() ({
      %run_scoped3A = tpu.sem_alloc : memref<!tpu.dma_semaphore, #tpu.memory_space<semaphore_mem>>
      %dma_start3A = arith.constant 0 : i32
      %dma_start3A_38 = tpu.memref_slice %arg6[%add3A_18, %dma_start3A] : memref<10000x128xf32, #tpu.memory_space<vmem_shared>> -> memref<100x128xf32, #tpu.memory_space<vmem_shared>>
      %dma_start3A_39 = arith.constant 0 : i32
      %dma_start3A_40 = tpu.memref_slice %arg6[%add3A_18, %dma_start3A_39] : memref<10000x128xf32, #tpu.memory_space<vmem_shared>> -> memref<100x128xf32, #tpu.memory_space<vmem_shared>>
      tpu.enqueue_dma source(%arg4 : memref<100x128xf32, #tpu.memory_space<vmem>>) target(%dma_start3A_40 : memref<100x128xf32, #tpu.memory_space<vmem_shared>>) target_semaphore(%run_scoped3A : memref<!tpu.dma_semaphore, #tpu.memory_space<semaphore_mem>>)
      %dma_wait3A = arith.constant 0 : i32
      %dma_wait3A_41 = tpu.memref_slice %arg6[%add3A_18, %dma_wait3A] : memref<10000x128xf32, #tpu.memory_space<vmem_shared>> -> memref<100x128xf32, #tpu.memory_space<vmem_shared>>
      %dma_wait3A_42 = arith.constant 0 : i32
      %dma_wait3A_43 = tpu.memref_slice %arg6[%add3A_18, %dma_wait3A_42] : memref<10000x128xf32, #tpu.memory_space<vmem_shared>> -> memref<100x128xf32, #tpu.memory_space<vmem_shared>>
      tpu.wait_dma2 semaphore(%run_scoped3A : memref<!tpu.dma_semaphore, #tpu.memory_space<semaphore_mem>>) src(%arg4 : memref<100x128xf32, #tpu.memory_space<vmem>>) dst(%dma_wait3A_43 : memref<100x128xf32, #tpu.memory_space<vmem_shared>>)
      tpu.yield
    }) : () -> ()
    %add3A_19 = arith.constant 500 : i32
    %add3A_20 = arith.addi %mul3A_2, %add3A_19 : i32
    "tpu.region"() ({
      %run_scoped3A = tpu.sem_alloc : memref<!tpu.dma_semaphore, #tpu.memory_space<semaphore_mem>>
      %dma_start3A = arith.constant 0 : i32
      %dma_start3A_38 = tpu.memref_slice %arg6[%add3A_20, %dma_start3A] : memref<10000x128xf32, #tpu.memory_space<vmem_shared>> -> memref<100x128xf32, #tpu.memory_space<vmem_shared>>
      %dma_start3A_39 = arith.constant 0 : i32
      %dma_start3A_40 = tpu.memref_slice %arg6[%add3A_20, %dma_start3A_39] : memref<10000x128xf32, #tpu.memory_space<vmem_shared>> -> memref<100x128xf32, #tpu.memory_space<vmem_shared>>
      tpu.enqueue_dma source(%arg4 : memref<100x128xf32, #tpu.memory_space<vmem>>) target(%dma_start3A_40 : memref<100x128xf32, #tpu.memory_space<vmem_shared>>) target_semaphore(%run_scoped3A : memref<!tpu.dma_semaphore, #tpu.memory_space<semaphore_mem>>)
      %dma_wait3A = arith.constant 0 : i32
      %dma_wait3A_41 = tpu.memref_slice %arg6[%add3A_20, %dma_wait3A] : memref<10000x128xf32, #tpu.memory_space<vmem_shared>> -> memref<100x128xf32, #tpu.memory_space<vmem_shared>>
      %dma_wait3A_42 = arith.constant 0 : i32
      %dma_wait3A_43 = tpu.memref_slice %arg6[%add3A_20, %dma_wait3A_42] : memref<10000x128xf32, #tpu.memory_space<vmem_shared>> -> memref<100x128xf32, #tpu.memory_space<vmem_shared>>
      tpu.wait_dma2 semaphore(%run_scoped3A : memref<!tpu.dma_semaphore, #tpu.memory_space<semaphore_mem>>) src(%arg4 : memref<100x128xf32, #tpu.memory_space<vmem>>) dst(%dma_wait3A_43 : memref<100x128xf32, #tpu.memory_space<vmem_shared>>)
      tpu.yield
    }) : () -> ()
    %add3A_21 = arith.constant 600 : i32
    %add3A_22 = arith.addi %mul3A_2, %add3A_21 : i32
    "tpu.region"() ({
      %run_scoped3A = tpu.sem_alloc : memref<!tpu.dma_semaphore, #tpu.memory_space<semaphore_mem>>
      %dma_start3A = arith.constant 0 : i32
      %dma_start3A_38 = arith.constant 0 : i32
      %dma_start3A_39 = tpu.memref_slice %arg4[%dma_start3A, %dma_start3A_38] : memref<100x128xf32, #tpu.memory_space<vmem>> -> memref<25x128xf32, #tpu.memory_space<vmem>>
      %dma_start3A_40 = arith.constant 0 : i32
      %dma_start3A_41 = tpu.memref_slice %arg6[%add3A_22, %dma_start3A_40] : memref<10000x128xf32, #tpu.memory_space<vmem_shared>> -> memref<25x128xf32, #tpu.memory_space<vmem_shared>>
      %dma_start3A_42 = arith.constant 0 : i32
      %dma_start3A_43 = tpu.memref_slice %arg6[%add3A_22, %dma_start3A_42] : memref<10000x128xf32, #tpu.memory_space<vmem_shared>> -> memref<25x128xf32, #tpu.memory_space<vmem_shared>>
      %dma_start3A_44 = arith.constant 0 : i32
      %dma_start3A_45 = arith.constant 0 : i32
      %dma_start3A_46 = tpu.memref_slice %arg4[%dma_start3A_44, %dma_start3A_45] : memref<100x128xf32, #tpu.memory_space<vmem>> -> memref<25x128xf32, #tpu.memory_space<vmem>>
      tpu.enqueue_dma source(%dma_start3A_46 : memref<25x128xf32, #tpu.memory_space<vmem>>) target(%dma_start3A_43 : memref<25x128xf32, #tpu.memory_space<vmem_shared>>) target_semaphore(%run_scoped3A : memref<!tpu.dma_semaphore, #tpu.memory_space<semaphore_mem>>)
      %dma_wait3A = arith.constant 0 : i32
      %dma_wait3A_47 = arith.constant 0 : i32
      %dma_wait3A_48 = tpu.memref_slice %arg4[%dma_wait3A, %dma_wait3A_47] : memref<100x128xf32, #tpu.memory_space<vmem>> -> memref<25x128xf32, #tpu.memory_space<vmem>>
      %dma_wait3A_49 = arith.constant 0 : i32
      %dma_wait3A_50 = tpu.memref_slice %arg6[%add3A_22, %dma_wait3A_49] : memref<10000x128xf32, #tpu.memory_space<vmem_shared>> -> memref<25x128xf32, #tpu.memory_space<vmem_shared>>
      %dma_wait3A_51 = arith.constant 0 : i32
      %dma_wait3A_52 = tpu.memref_slice %arg6[%add3A_22, %dma_wait3A_51] : memref<10000x128xf32, #tpu.memory_space<vmem_shared>> -> memref<25x128xf32, #tpu.memory_space<vmem_shared>>
      %dma_wait3A_53 = arith.constant 0 : i32
      %dma_wait3A_54 = arith.constant 0 : i32
      %dma_wait3A_55 = tpu.memref_slice %arg4[%dma_wait3A_53, %dma_wait3A_54] : memref<100x128xf32, #tpu.memory_space<vmem>> -> memref<25x128xf32, #tpu.memory_space<vmem>>
      tpu.wait_dma2 semaphore(%run_scoped3A : memref<!tpu.dma_semaphore, #tpu.memory_space<semaphore_mem>>) src(%dma_wait3A_55 : memref<25x128xf32, #tpu.memory_space<vmem>>) dst(%dma_wait3A_52 : memref<25x128xf32, #tpu.memory_space<vmem_shared>>)
      tpu.yield
    }) : () -> ()
    %scan3A_23 = arith.constant 0 : i32
    %scan3A_24 = arith.constant 0 : i32
    %scan3A_25 = arith.constant 100 : i32
    %scan3A_26 = arith.addi %scan3A_24, %scan3A_25 : i32
    %scan3A_27 = arith.constant 1 : i32
    %scan3A_28 = scf.for %scan3A_38 = %scan3A_24 to %scan3A_26 step %scan3A_27 iter_args(%scan3A_39 = %scan3A_23) -> (i32)  : i32 {
      %scan3A_40 = arith.constant 0 : i32
      %scan3A_41 = arith.constant 0 : i32
      %scan3A_42 = arith.constant 8 : i32
      %scan3A_43 = arith.addi %scan3A_41, %scan3A_42 : i32
      %scan3A_44 = arith.constant 1 : i32
      %scan3A_45 = scf.for %scan3A_47 = %scan3A_41 to %scan3A_43 step %scan3A_44 iter_args(%scan3A_48 = %scan3A_40) -> (i32)  : i32 {
        %broadcast_in_dim3A = arith.constant 1.000000e+00 : f32
        %broadcast_in_dim3A_49 = vector.broadcast %broadcast_in_dim3A : f32 to vector<16xf32>
        %mul3A_50 = arith.constant 16 : i32
        %mul3A_51 = arith.muli %scan3A_47, %mul3A_50 : i32
        %swap3A = arith.index_cast %scan3A_38 : i32 to index
        %swap3A_52 = arith.index_cast %mul3A_51 : i32 to index
        %swap3A_53 = tpu.vector_load %arg4[%swap3A, %swap3A_52] {strides = array<i32>} : memref<100x128xf32, #tpu.memory_space<vmem>>, vector<1x16xf32>,
        %swap3A_54 = vector.shape_cast %swap3A_53 : vector<1x16xf32> to vector<16xf32>
        %swap3A_55 = vector.shape_cast %broadcast_in_dim3A_49 : vector<16xf32> to vector<1x16xf32>
        tpu.vector_store %arg4[%swap3A, %swap3A_52], %swap3A_55 {strides = array<i32>} : memref<100x128xf32, #tpu.memory_space<vmem>>, vector<1x16xf32>,
        %scan3A_56 = arith.constant 0 : i32
        scf.yield %scan3A_56 : i32
      }
      %scan3A_46 = arith.constant 8 : i32
      scf.yield %scan3A_45 : i32
    }
    %scan3A_29 = arith.constant 100 : i32
    %barrier3A = arith.constant 0 : index
    tpu.barrier barrier_id(%barrier3A)
    %scan3A_30 = arith.constant 0 : i32
    %scan3A_31 = arith.constant 0 : i32
    %scan3A_32 = arith.constant 4 : i32
    %scan3A_33 = arith.addi %scan3A_31, %scan3A_32 : i32
    %scan3A_34 = arith.constant 1 : i32
    %scan3A_35 = scf.for %scan3A_38 = %scan3A_31 to %scan3A_33 step %scan3A_34 iter_args(%scan3A_39 = %scan3A_30) -> (i32)  : i32 {
      "tpu.region"() ({
        %run_scoped3A = tpu.sem_alloc : memref<!tpu.dma_semaphore, #tpu.memory_space<semaphore_mem>>
        %dma_start3A = arith.constant 0 : i32
        %dma_start3A_68 = arith.constant 0 : i32
        %dma_start3A_69 = tpu.memref_slice %arg2[%add3A, %scan3A_38, %dma_start3A, %dma_start3A_68] : memref<32x4x25x100xi32, #tpu.memory_space<hbm>> -> memref<1x1x25x100xi32, #tpu.memory_space<hbm>>
        %dma_start3A_70 = tpu.memref_squeeze %dma_start3A_69 : memref<1x1x25x100xi32, #tpu.memory_space<hbm>> -> memref<25x100xi32, #tpu.memory_space<hbm>>
        %dma_start3A_71 = arith.constant 0 : i32
        %dma_start3A_72 = arith.constant 0 : i32
        %dma_start3A_73 = tpu.memref_slice %arg2[%add3A, %scan3A_38, %dma_start3A_71, %dma_start3A_72] : memref<32x4x25x100xi32, #tpu.memory_space<hbm>> -> memref<1x1x25x100xi32, #tpu.memory_space<hbm>>
        %dma_start3A_74 = tpu.memref_squeeze %dma_start3A_73 : memref<1x1x25x100xi32, #tpu.memory_space<hbm>> -> memref<25x100xi32, #tpu.memory_space<hbm>>
        tpu.enqueue_dma source(%dma_start3A_74 : memref<25x100xi32, #tpu.memory_space<hbm>>) target(%arg5 : memref<25x100xi32, #tpu.memory_space<vmem>>) target_semaphore(%run_scoped3A : memref<!tpu.dma_semaphore, #tpu.memory_space<semaphore_mem>>)
        %dma_wait3A_75 = arith.constant 0 : i32
        %dma_wait3A_76 = arith.constant 0 : i32
        %dma_wait3A_77 = tpu.memref_slice %arg2[%add3A, %scan3A_38, %dma_wait3A_75, %dma_wait3A_76] : memref<32x4x25x100xi32, #tpu.memory_space<hbm>> -> memref<1x1x25x100xi32, #tpu.memory_space<hbm>>
        %dma_wait3A_78 = tpu.memref_squeeze %dma_wait3A_77 : memref<1x1x25x100xi32, #tpu.memory_space<hbm>> -> memref<25x100xi32, #tpu.memory_space<hbm>>
        %dma_wait3A_79 = arith.constant 0 : i32
        %dma_wait3A_80 = arith.constant 0 : i32
        %dma_wait3A_81 = tpu.memref_slice %arg2[%add3A, %scan3A_38, %dma_wait3A_79, %dma_wait3A_80] : memref<32x4x25x100xi32, #tpu.memory_space<hbm>> -> memref<1x1x25x100xi32, #tpu.memory_space<hbm>>
        %dma_wait3A_82 = tpu.memref_squeeze %dma_wait3A_81 : memref<1x1x25x100xi32, #tpu.memory_space<hbm>> -> memref<25x100xi32, #tpu.memory_space<hbm>>
        tpu.wait_dma2 semaphore(%run_scoped3A : memref<!tpu.dma_semaphore, #tpu.memory_space<semaphore_mem>>) src(%dma_wait3A_82 : memref<25x100xi32, #tpu.memory_space<hbm>>) dst(%arg5 : memref<25x100xi32, #tpu.memory_space<vmem>>)
        tpu.yield
      }) : () -> ()
      %scan3A_40 = arith.constant 0 : i32
      %scan3A_41 = arith.constant 0 : i32
      %scan3A_42 = arith.constant 25 : i32
      %scan3A_43 = arith.addi %scan3A_41, %scan3A_42 : i32
      %scan3A_44 = arith.constant 1 : i32
      %scan3A_45 = scf.for %scan3A_68 = %scan3A_41 to %scan3A_43 step %scan3A_44 iter_args(%scan3A_69 = %scan3A_40) -> (i32)  : i32 {
        %dma_start3A = arith.constant 0 : i32
        %dma_start3A_70 = tpu.memref_slice %arg5[%scan3A_68, %dma_start3A] : memref<25x100xi32, #tpu.memory_space<vmem>> -> memref<1x100xi32, #tpu.memory_space<vmem>>
        %dma_start3A_71 = tpu.memref_squeeze %dma_start3A_70 : memref<1x100xi32, #tpu.memory_space<vmem>> -> memref<100xi32, #tpu.memory_space<vmem>>
        %dma_start3A_72 = arith.constant 0 : i32
        %dma_start3A_73 = arith.constant 0 : i32
        %dma_start3A_74 = tpu.memref_slice %arg6[%dma_start3A_72, %dma_start3A_73] : memref<10000x128xf32, #tpu.memory_space<vmem_shared>> -> memref<10000x128xf32, #tpu.memory_space<vmem_shared>>
        tpu.enqueue_indirect_dma source(%arg4 : memref<100x128xf32, #tpu.memory_space<vmem>>) target(%dma_start3A_74 : memref<10000x128xf32, #tpu.memory_space<vmem_shared>>) offsets(%dma_start3A_71 : memref<100xi32, #tpu.memory_space<vmem>>) semaphore(%arg7 : memref<!tpu.dma_semaphore, #tpu.memory_space<semaphore_mem>>) {add = true}
        %ge3A = arith.constant 3 : i32
        %ge3A_75 = arith.cmpi sge, %scan3A_68, %ge3A : i32
        %convert_element_type3A = arith.extui %ge3A_75 : i1 to i32
        %cond3A = arith.constant 0 : i32
        %cond3A_76 = arith.cmpi ne, %convert_element_type3A, %cond3A : i32
        scf.if %cond3A_76 {
          %dma_wait3A_78 = arith.constant 0 : i32
          %dma_wait3A_79 = tpu.memref_slice %arg5[%scan3A_68, %dma_wait3A_78] : memref<25x100xi32, #tpu.memory_space<vmem>> -> memref<1x100xi32, #tpu.memory_space<vmem>>
          %dma_wait3A_80 = tpu.memref_squeeze %dma_wait3A_79 : memref<1x100xi32, #tpu.memory_space<vmem>> -> memref<100xi32, #tpu.memory_space<vmem>>
          %dma_wait3A_81 = arith.constant 0 : i32
          %dma_wait3A_82 = arith.constant 0 : i32
          %dma_wait3A_83 = tpu.memref_slice %arg6[%dma_wait3A_81, %dma_wait3A_82] : memref<10000x128xf32, #tpu.memory_space<vmem_shared>> -> memref<10000x128xf32, #tpu.memory_space<vmem_shared>>
          tpu.wait_indirect_dma semaphore(%arg7 : memref<!tpu.dma_semaphore, #tpu.memory_space<semaphore_mem>>) src(%arg4 : memref<100x128xf32, #tpu.memory_space<vmem>>) dst(%dma_wait3A_83 : memref<10000x128xf32, #tpu.memory_space<vmem_shared>>)
        } else {
        }
        %scan3A_77 = arith.constant 0 : i32
        scf.yield %scan3A_77 : i32
      }
      %scan3A_46 = arith.constant 25 : i32
      %dma_wait3A = arith.constant 0 : i32
      %dma_wait3A_47 = arith.constant 0 : i32
      %dma_wait3A_48 = tpu.memref_slice %arg5[%dma_wait3A, %dma_wait3A_47] : memref<25x100xi32, #tpu.memory_space<vmem>> -> memref<1x100xi32, #tpu.memory_space<vmem>>
      %dma_wait3A_49 = tpu.memref_squeeze %dma_wait3A_48 : memref<1x100xi32, #tpu.memory_space<vmem>> -> memref<100xi32, #tpu.memory_space<vmem>>
      %dma_wait3A_50 = arith.constant 0 : i32
      %dma_wait3A_51 = arith.constant 0 : i32
      %dma_wait3A_52 = tpu.memref_slice %arg6[%dma_wait3A_50, %dma_wait3A_51] : memref<10000x128xf32, #tpu.memory_space<vmem_shared>> -> memref<10000x128xf32, #tpu.memory_space<vmem_shared>>
      tpu.wait_indirect_dma semaphore(%arg7 : memref<!tpu.dma_semaphore, #tpu.memory_space<semaphore_mem>>) src(%arg4 : memref<100x128xf32, #tpu.memory_space<vmem>>) dst(%dma_wait3A_52 : memref<10000x128xf32, #tpu.memory_space<vmem_shared>>)
      %dma_wait3A_53 = arith.constant 0 : i32
      %dma_wait3A_54 = arith.constant 0 : i32
      %dma_wait3A_55 = tpu.memref_slice %arg5[%dma_wait3A_53, %dma_wait3A_54] : memref<25x100xi32, #tpu.memory_space<vmem>> -> memref<1x100xi32, #tpu.memory_space<vmem>>
      %dma_wait3A_56 = tpu.memref_squeeze %dma_wait3A_55 : memref<1x100xi32, #tpu.memory_space<vmem>> -> memref<100xi32, #tpu.memory_space<vmem>>
      %dma_wait3A_57 = arith.constant 0 : i32
      %dma_wait3A_58 = arith.constant 0 : i32
      %dma_wait3A_59 = tpu.memref_slice %arg6[%dma_wait3A_57, %dma_wait3A_58] : memref<10000x128xf32, #tpu.memory_space<vmem_shared>> -> memref<10000x128xf32, #tpu.memory_space<vmem_shared>>
      tpu.wait_indirect_dma semaphore(%arg7 : memref<!tpu.dma_semaphore, #tpu.memory_space<semaphore_mem>>) src(%arg4 : memref<100x128xf32, #tpu.memory_space<vmem>>) dst(%dma_wait3A_59 : memref<10000x128xf32, #tpu.memory_space<vmem_shared>>)
      %dma_wait3A_60 = arith.constant 0 : i32
      %dma_wait3A_61 = arith.constant 0 : i32
      %dma_wait3A_62 = tpu.memref_slice %arg5[%dma_wait3A_60, %dma_wait3A_61] : memref<25x100xi32, #tpu.memory_space<vmem>> -> memref<1x100xi32, #tpu.memory_space<vmem>>
      %dma_wait3A_63 = tpu.memref_squeeze %dma_wait3A_62 : memref<1x100xi32, #tpu.memory_space<vmem>> -> memref<100xi32, #tpu.memory_space<vmem>>
      %dma_wait3A_64 = arith.constant 0 : i32
      %dma_wait3A_65 = arith.constant 0 : i32
      %dma_wait3A_66 = tpu.memref_slice %arg6[%dma_wait3A_64, %dma_wait3A_65] : memref<10000x128xf32, #tpu.memory_space<vmem_shared>> -> memref<10000x128xf32, #tpu.memory_space<vmem_shared>>
      tpu.wait_indirect_dma semaphore(%arg7 : memref<!tpu.dma_semaphore, #tpu.memory_space<semaphore_mem>>) src(%arg4 : memref<100x128xf32, #tpu.memory_space<vmem>>) dst(%dma_wait3A_66 : memref<10000x128xf32, #tpu.memory_space<vmem_shared>>)
      %scan3A_67 = arith.constant 0 : i32
      scf.yield %scan3A_67 : i32
    }
    %scan3A_36 = arith.constant 4 : i32
    %barrier3A_37 = arith.constant 0 : index
    tpu.barrier barrier_id(%barrier3A_37)
    "tpu.region"() ({
      %run_scoped3A = tpu.sem_alloc : memref<!tpu.dma_semaphore, #tpu.memory_space<semaphore_mem>>
      %dma_start3A = arith.constant 0 : i32
      %dma_start3A_38 = arith.constant 0 : i32
      %dma_start3A_39 = tpu.memref_slice %arg3[%arg0, %arg1, %dma_start3A, %dma_start3A_38] : memref<2x16x625x128xf32, #tpu.memory_space<hbm>> -> memref<1x1x625x128xf32, #tpu.memory_space<hbm>>
      %dma_start3A_40 = tpu.memref_squeeze %dma_start3A_39 : memref<1x1x625x128xf32, #tpu.memory_space<hbm>> -> memref<625x128xf32, #tpu.memory_space<hbm>>
      %dma_start3A_41 = arith.constant 0 : i32
      %dma_start3A_42 = tpu.memref_slice %arg6[%mul3A_2, %dma_start3A_41] : memref<10000x128xf32, #tpu.memory_space<vmem_shared>> -> memref<625x128xf32, #tpu.memory_space<vmem_shared>>
      tpu.enqueue_dma source(%dma_start3A_42 : memref<625x128xf32, #tpu.memory_space<vmem_shared>>) target(%dma_start3A_40 : memref<625x128xf32, #tpu.memory_space<hbm>>) target_semaphore(%run_scoped3A : memref<!tpu.dma_semaphore, #tpu.memory_space<semaphore_mem>>)
      %dma_wait3A = arith.constant 0 : i32
      %dma_wait3A_43 = arith.constant 0 : i32
      %dma_wait3A_44 = tpu.memref_slice %arg3[%arg0, %arg1, %dma_wait3A, %dma_wait3A_43] : memref<2x16x625x128xf32, #tpu.memory_space<hbm>> -> memref<1x1x625x128xf32, #tpu.memory_space<hbm>>
      %dma_wait3A_45 = tpu.memref_squeeze %dma_wait3A_44 : memref<1x1x625x128xf32, #tpu.memory_space<hbm>> -> memref<625x128xf32, #tpu.memory_space<hbm>>
      %dma_wait3A_46 = arith.constant 0 : i32
      %dma_wait3A_47 = tpu.memref_slice %arg6[%mul3A_2, %dma_wait3A_46] : memref<10000x128xf32, #tpu.memory_space<vmem_shared>> -> memref<625x128xf32, #tpu.memory_space<vmem_shared>>
      tpu.wait_dma2 semaphore(%run_scoped3A : memref<!tpu.dma_semaphore, #tpu.memory_space<semaphore_mem>>) src(%dma_wait3A_47 : memref<625x128xf32, #tpu.memory_space<vmem_shared>>) dst(%dma_wait3A_45 : memref<625x128xf32, #tpu.memory_space<hbm>>)
      tpu.yield
    }) : () -> ()
    return
  }
}

#map = affine_map<(d0, d1) -> (0, 0)>
#map1 = affine_map<(d0, d1) -> (0, 0, 0, 0)>
module attributes {stable_mosaic.version = 14 : i64} {
  func.func @body(%arg0: i32, %arg1: i32, %arg2: memref<10000x128xf32, #tpu.memory_space<hbm>>, %arg3: memref<32x4x25x100xi32, #tpu.memory_space<hbm>>, %arg4: memref<32x4x25x100xi32, #tpu.memory_space<hbm>>, %arg5: memref<2x16x625x128xf32, #tpu.memory_space<hbm>>, %arg6: memref<100x128xf32, #tpu.memory_space<vmem>>, %arg7: memref<100x128xf32, #tpu.memory_space<vmem>>, %arg8: memref<100x128xf32, #tpu.memory_space<vmem>>, %arg9: memref<25x100xi32, #tpu.memory_space<vmem>>, %arg10: memref<25x100xi32, #tpu.memory_space<vmem>>, %arg11: memref<10000x128xf32, #tpu.memory_space<vmem_shared>>, %arg12: memref<!tpu.dma_semaphore, #tpu.memory_space<semaphore_mem>>, %arg13: memref<!tpu.dma_semaphore, #tpu.memory_space<semaphore_mem>>, %arg14: memref<!tpu.dma_semaphore, #tpu.memory_space<semaphore_mem>>, %arg15: memref<!tpu.dma_semaphore, #tpu.memory_space<semaphore_mem>>, %arg16: memref<!tpu.dma_semaphore, #tpu.memory_space<semaphore_mem>>, %arg17: memref<!tpu.dma_semaphore, #tpu.memory_space<semaphore_mem>>) attributes {dimension_semantics = [#tpu.dimension_semantics<core_parallel>, #tpu.dimension_semantics<subcore_parallel>], iteration_bounds = array<i64: 2, 16>, scalar_prefetch = 0 : i64, scratch_operands = 12 : i64, tpu.core_type = #tpu.core_type<sc_vector_subcore>, window_params = [{transform_indices = #map}, {transform_indices = #map1}, {transform_indices = #map1}, {transform_indices = #map1}]} {
    %mul3A = arith.constant 16 : i32
    %mul3A_0 = arith.muli %arg0, %mul3A : i32
    %add3A = arith.addi %mul3A_0, %arg1 : i32
    %mul3A_1 = arith.constant 625 : i32
    %mul3A_2 = arith.muli %arg1, %mul3A_1 : i32
    %scan3A = arith.constant 0 : i32
    %scan3A_3 = arith.constant 0 : i32
    %scan3A_4 = arith.constant 100 : i32
    %scan3A_5 = arith.addi %scan3A_3, %scan3A_4 : i32
    %scan3A_6 = arith.constant 1 : i32
    %scan3A_7 = scf.for %scan3A_31 = %scan3A_3 to %scan3A_5 step %scan3A_6 iter_args(%scan3A_32 = %scan3A) -> (i32)  : i32 {
      %scan3A_33 = arith.constant 0 : i32
      %scan3A_34 = arith.constant 0 : i32
      %scan3A_35 = arith.constant 8 : i32
      %scan3A_36 = arith.addi %scan3A_34, %scan3A_35 : i32
      %scan3A_37 = arith.constant 1 : i32
      %scan3A_38 = scf.for %scan3A_40 = %scan3A_34 to %scan3A_36 step %scan3A_37 iter_args(%scan3A_41 = %scan3A_33) -> (i32)  : i32 {
        %broadcast_in_dim3A = arith.constant 0.000000e+00 : f32
        %broadcast_in_dim3A_42 = vector.broadcast %broadcast_in_dim3A : f32 to vector<16xf32>
        %mul3A_43 = arith.constant 16 : i32
        %mul3A_44 = arith.muli %scan3A_40, %mul3A_43 : i32
        %swap3A = arith.index_cast %scan3A_31 : i32 to index
        %swap3A_45 = arith.index_cast %mul3A_44 : i32 to index
        %swap3A_46 = tpu.vector_load %arg6[%swap3A, %swap3A_45] {strides = array<i32>} : memref<100x128xf32, #tpu.memory_space<vmem>>, vector<1x16xf32>,
        %swap3A_47 = vector.shape_cast %swap3A_46 : vector<1x16xf32> to vector<16xf32>
        %swap3A_48 = vector.shape_cast %broadcast_in_dim3A_42 : vector<16xf32> to vector<1x16xf32>
        tpu.vector_store %arg6[%swap3A, %swap3A_45], %swap3A_48 {strides = array<i32>} : memref<100x128xf32, #tpu.memory_space<vmem>>, vector<1x16xf32>,
        %scan3A_49 = arith.constant 0 : i32
        scf.yield %scan3A_49 : i32
      }
      %scan3A_39 = arith.constant 8 : i32
      scf.yield %scan3A_38 : i32
    }
    %scan3A_8 = arith.constant 100 : i32
    %add3A_9 = arith.constant 0 : i32
    %add3A_10 = arith.addi %mul3A_2, %add3A_9 : i32
    "tpu.region"() ({
      %run_scoped3A = tpu.sem_alloc : memref<!tpu.dma_semaphore, #tpu.memory_space<semaphore_mem>>
      %dma_start3A = arith.constant 0 : i32
      %dma_start3A_31 = tpu.memref_slice %arg11[%add3A_10, %dma_start3A] : memref<10000x128xf32, #tpu.memory_space<vmem_shared>> -> memref<100x128xf32, #tpu.memory_space<vmem_shared>>
      %dma_start3A_32 = arith.constant 0 : i32
      %dma_start3A_33 = tpu.memref_slice %arg11[%add3A_10, %dma_start3A_32] : memref<10000x128xf32, #tpu.memory_space<vmem_shared>> -> memref<100x128xf32, #tpu.memory_space<vmem_shared>>
      tpu.enqueue_dma source(%arg6 : memref<100x128xf32, #tpu.memory_space<vmem>>) target(%dma_start3A_33 : memref<100x128xf32, #tpu.memory_space<vmem_shared>>) target_semaphore(%run_scoped3A : memref<!tpu.dma_semaphore, #tpu.memory_space<semaphore_mem>>)
      %dma_wait3A = arith.constant 0 : i32
      %dma_wait3A_34 = tpu.memref_slice %arg11[%add3A_10, %dma_wait3A] : memref<10000x128xf32, #tpu.memory_space<vmem_shared>> -> memref<100x128xf32, #tpu.memory_space<vmem_shared>>
      %dma_wait3A_35 = arith.constant 0 : i32
      %dma_wait3A_36 = tpu.memref_slice %arg11[%add3A_10, %dma_wait3A_35] : memref<10000x128xf32, #tpu.memory_space<vmem_shared>> -> memref<100x128xf32, #tpu.memory_space<vmem_shared>>
      tpu.wait_dma2 semaphore(%run_scoped3A : memref<!tpu.dma_semaphore, #tpu.memory_space<semaphore_mem>>) src(%arg6 : memref<100x128xf32, #tpu.memory_space<vmem>>) dst(%dma_wait3A_36 : memref<100x128xf32, #tpu.memory_space<vmem_shared>>)
      tpu.yield
    }) : () -> ()
    %add3A_11 = arith.constant 100 : i32
    %add3A_12 = arith.addi %mul3A_2, %add3A_11 : i32
    "tpu.region"() ({
      %run_scoped3A = tpu.sem_alloc : memref<!tpu.dma_semaphore, #tpu.memory_space<semaphore_mem>>
      %dma_start3A = arith.constant 0 : i32
      %dma_start3A_31 = tpu.memref_slice %arg11[%add3A_12, %dma_start3A] : memref<10000x128xf32, #tpu.memory_space<vmem_shared>> -> memref<100x128xf32, #tpu.memory_space<vmem_shared>>
      %dma_start3A_32 = arith.constant 0 : i32
      %dma_start3A_33 = tpu.memref_slice %arg11[%add3A_12, %dma_start3A_32] : memref<10000x128xf32, #tpu.memory_space<vmem_shared>> -> memref<100x128xf32, #tpu.memory_space<vmem_shared>>
      tpu.enqueue_dma source(%arg6 : memref<100x128xf32, #tpu.memory_space<vmem>>) target(%dma_start3A_33 : memref<100x128xf32, #tpu.memory_space<vmem_shared>>) target_semaphore(%run_scoped3A : memref<!tpu.dma_semaphore, #tpu.memory_space<semaphore_mem>>)
      %dma_wait3A = arith.constant 0 : i32
      %dma_wait3A_34 = tpu.memref_slice %arg11[%add3A_12, %dma_wait3A] : memref<10000x128xf32, #tpu.memory_space<vmem_shared>> -> memref<100x128xf32, #tpu.memory_space<vmem_shared>>
      %dma_wait3A_35 = arith.constant 0 : i32
      %dma_wait3A_36 = tpu.memref_slice %arg11[%add3A_12, %dma_wait3A_35] : memref<10000x128xf32, #tpu.memory_space<vmem_shared>> -> memref<100x128xf32, #tpu.memory_space<vmem_shared>>
      tpu.wait_dma2 semaphore(%run_scoped3A : memref<!tpu.dma_semaphore, #tpu.memory_space<semaphore_mem>>) src(%arg6 : memref<100x128xf32, #tpu.memory_space<vmem>>) dst(%dma_wait3A_36 : memref<100x128xf32, #tpu.memory_space<vmem_shared>>)
      tpu.yield
    }) : () -> ()
    %add3A_13 = arith.constant 200 : i32
    %add3A_14 = arith.addi %mul3A_2, %add3A_13 : i32
    "tpu.region"() ({
      %run_scoped3A = tpu.sem_alloc : memref<!tpu.dma_semaphore, #tpu.memory_space<semaphore_mem>>
      %dma_start3A = arith.constant 0 : i32
      %dma_start3A_31 = tpu.memref_slice %arg11[%add3A_14, %dma_start3A] : memref<10000x128xf32, #tpu.memory_space<vmem_shared>> -> memref<100x128xf32, #tpu.memory_space<vmem_shared>>
      %dma_start3A_32 = arith.constant 0 : i32
      %dma_start3A_33 = tpu.memref_slice %arg11[%add3A_14, %dma_start3A_32] : memref<10000x128xf32, #tpu.memory_space<vmem_shared>> -> memref<100x128xf32, #tpu.memory_space<vmem_shared>>
      tpu.enqueue_dma source(%arg6 : memref<100x128xf32, #tpu.memory_space<vmem>>) target(%dma_start3A_33 : memref<100x128xf32, #tpu.memory_space<vmem_shared>>) target_semaphore(%run_scoped3A : memref<!tpu.dma_semaphore, #tpu.memory_space<semaphore_mem>>)
      %dma_wait3A = arith.constant 0 : i32
      %dma_wait3A_34 = tpu.memref_slice %arg11[%add3A_14, %dma_wait3A] : memref<10000x128xf32, #tpu.memory_space<vmem_shared>> -> memref<100x128xf32, #tpu.memory_space<vmem_shared>>
      %dma_wait3A_35 = arith.constant 0 : i32
      %dma_wait3A_36 = tpu.memref_slice %arg11[%add3A_14, %dma_wait3A_35] : memref<10000x128xf32, #tpu.memory_space<vmem_shared>> -> memref<100x128xf32, #tpu.memory_space<vmem_shared>>
      tpu.wait_dma2 semaphore(%run_scoped3A : memref<!tpu.dma_semaphore, #tpu.memory_space<semaphore_mem>>) src(%arg6 : memref<100x128xf32, #tpu.memory_space<vmem>>) dst(%dma_wait3A_36 : memref<100x128xf32, #tpu.memory_space<vmem_shared>>)
      tpu.yield
    }) : () -> ()
    %add3A_15 = arith.constant 300 : i32
    %add3A_16 = arith.addi %mul3A_2, %add3A_15 : i32
    "tpu.region"() ({
      %run_scoped3A = tpu.sem_alloc : memref<!tpu.dma_semaphore, #tpu.memory_space<semaphore_mem>>
      %dma_start3A = arith.constant 0 : i32
      %dma_start3A_31 = tpu.memref_slice %arg11[%add3A_16, %dma_start3A] : memref<10000x128xf32, #tpu.memory_space<vmem_shared>> -> memref<100x128xf32, #tpu.memory_space<vmem_shared>>
      %dma_start3A_32 = arith.constant 0 : i32
      %dma_start3A_33 = tpu.memref_slice %arg11[%add3A_16, %dma_start3A_32] : memref<10000x128xf32, #tpu.memory_space<vmem_shared>> -> memref<100x128xf32, #tpu.memory_space<vmem_shared>>
      tpu.enqueue_dma source(%arg6 : memref<100x128xf32, #tpu.memory_space<vmem>>) target(%dma_start3A_33 : memref<100x128xf32, #tpu.memory_space<vmem_shared>>) target_semaphore(%run_scoped3A : memref<!tpu.dma_semaphore, #tpu.memory_space<semaphore_mem>>)
      %dma_wait3A = arith.constant 0 : i32
      %dma_wait3A_34 = tpu.memref_slice %arg11[%add3A_16, %dma_wait3A] : memref<10000x128xf32, #tpu.memory_space<vmem_shared>> -> memref<100x128xf32, #tpu.memory_space<vmem_shared>>
      %dma_wait3A_35 = arith.constant 0 : i32
      %dma_wait3A_36 = tpu.memref_slice %arg11[%add3A_16, %dma_wait3A_35] : memref<10000x128xf32, #tpu.memory_space<vmem_shared>> -> memref<100x128xf32, #tpu.memory_space<vmem_shared>>
      tpu.wait_dma2 semaphore(%run_scoped3A : memref<!tpu.dma_semaphore, #tpu.memory_space<semaphore_mem>>) src(%arg6 : memref<100x128xf32, #tpu.memory_space<vmem>>) dst(%dma_wait3A_36 : memref<100x128xf32, #tpu.memory_space<vmem_shared>>)
      tpu.yield
    }) : () -> ()
    %add3A_17 = arith.constant 400 : i32
    %add3A_18 = arith.addi %mul3A_2, %add3A_17 : i32
    "tpu.region"() ({
      %run_scoped3A = tpu.sem_alloc : memref<!tpu.dma_semaphore, #tpu.memory_space<semaphore_mem>>
      %dma_start3A = arith.constant 0 : i32
      %dma_start3A_31 = tpu.memref_slice %arg11[%add3A_18, %dma_start3A] : memref<10000x128xf32, #tpu.memory_space<vmem_shared>> -> memref<100x128xf32, #tpu.memory_space<vmem_shared>>
      %dma_start3A_32 = arith.constant 0 : i32
      %dma_start3A_33 = tpu.memref_slice %arg11[%add3A_18, %dma_start3A_32] : memref<10000x128xf32, #tpu.memory_space<vmem_shared>> -> memref<100x128xf32, #tpu.memory_space<vmem_shared>>
      tpu.enqueue_dma source(%arg6 : memref<100x128xf32, #tpu.memory_space<vmem>>) target(%dma_start3A_33 : memref<100x128xf32, #tpu.memory_space<vmem_shared>>) target_semaphore(%run_scoped3A : memref<!tpu.dma_semaphore, #tpu.memory_space<semaphore_mem>>)
      %dma_wait3A = arith.constant 0 : i32
      %dma_wait3A_34 = tpu.memref_slice %arg11[%add3A_18, %dma_wait3A] : memref<10000x128xf32, #tpu.memory_space<vmem_shared>> -> memref<100x128xf32, #tpu.memory_space<vmem_shared>>
      %dma_wait3A_35 = arith.constant 0 : i32
      %dma_wait3A_36 = tpu.memref_slice %arg11[%add3A_18, %dma_wait3A_35] : memref<10000x128xf32, #tpu.memory_space<vmem_shared>> -> memref<100x128xf32, #tpu.memory_space<vmem_shared>>
      tpu.wait_dma2 semaphore(%run_scoped3A : memref<!tpu.dma_semaphore, #tpu.memory_space<semaphore_mem>>) src(%arg6 : memref<100x128xf32, #tpu.memory_space<vmem>>) dst(%dma_wait3A_36 : memref<100x128xf32, #tpu.memory_space<vmem_shared>>)
      tpu.yield
    }) : () -> ()
    %add3A_19 = arith.constant 500 : i32
    %add3A_20 = arith.addi %mul3A_2, %add3A_19 : i32
    "tpu.region"() ({
      %run_scoped3A = tpu.sem_alloc : memref<!tpu.dma_semaphore, #tpu.memory_space<semaphore_mem>>
      %dma_start3A = arith.constant 0 : i32
      %dma_start3A_31 = tpu.memref_slice %arg11[%add3A_20, %dma_start3A] : memref<10000x128xf32, #tpu.memory_space<vmem_shared>> -> memref<100x128xf32, #tpu.memory_space<vmem_shared>>
      %dma_start3A_32 = arith.constant 0 : i32
      %dma_start3A_33 = tpu.memref_slice %arg11[%add3A_20, %dma_start3A_32] : memref<10000x128xf32, #tpu.memory_space<vmem_shared>> -> memref<100x128xf32, #tpu.memory_space<vmem_shared>>
      tpu.enqueue_dma source(%arg6 : memref<100x128xf32, #tpu.memory_space<vmem>>) target(%dma_start3A_33 : memref<100x128xf32, #tpu.memory_space<vmem_shared>>) target_semaphore(%run_scoped3A : memref<!tpu.dma_semaphore, #tpu.memory_space<semaphore_mem>>)
      %dma_wait3A = arith.constant 0 : i32
      %dma_wait3A_34 = tpu.memref_slice %arg11[%add3A_20, %dma_wait3A] : memref<10000x128xf32, #tpu.memory_space<vmem_shared>> -> memref<100x128xf32, #tpu.memory_space<vmem_shared>>
      %dma_wait3A_35 = arith.constant 0 : i32
      %dma_wait3A_36 = tpu.memref_slice %arg11[%add3A_20, %dma_wait3A_35] : memref<10000x128xf32, #tpu.memory_space<vmem_shared>> -> memref<100x128xf32, #tpu.memory_space<vmem_shared>>
      tpu.wait_dma2 semaphore(%run_scoped3A : memref<!tpu.dma_semaphore, #tpu.memory_space<semaphore_mem>>) src(%arg6 : memref<100x128xf32, #tpu.memory_space<vmem>>) dst(%dma_wait3A_36 : memref<100x128xf32, #tpu.memory_space<vmem_shared>>)
      tpu.yield
    }) : () -> ()
    %add3A_21 = arith.constant 600 : i32
    %add3A_22 = arith.addi %mul3A_2, %add3A_21 : i32
    "tpu.region"() ({
      %run_scoped3A = tpu.sem_alloc : memref<!tpu.dma_semaphore, #tpu.memory_space<semaphore_mem>>
      %dma_start3A = arith.constant 0 : i32
      %dma_start3A_31 = arith.constant 0 : i32
      %dma_start3A_32 = tpu.memref_slice %arg6[%dma_start3A, %dma_start3A_31] : memref<100x128xf32, #tpu.memory_space<vmem>> -> memref<25x128xf32, #tpu.memory_space<vmem>>
      %dma_start3A_33 = arith.constant 0 : i32
      %dma_start3A_34 = tpu.memref_slice %arg11[%add3A_22, %dma_start3A_33] : memref<10000x128xf32, #tpu.memory_space<vmem_shared>> -> memref<25x128xf32, #tpu.memory_space<vmem_shared>>
      %dma_start3A_35 = arith.constant 0 : i32
      %dma_start3A_36 = tpu.memref_slice %arg11[%add3A_22, %dma_start3A_35] : memref<10000x128xf32, #tpu.memory_space<vmem_shared>> -> memref<25x128xf32, #tpu.memory_space<vmem_shared>>
      %dma_start3A_37 = arith.constant 0 : i32
      %dma_start3A_38 = arith.constant 0 : i32
      %dma_start3A_39 = tpu.memref_slice %arg6[%dma_start3A_37, %dma_start3A_38] : memref<100x128xf32, #tpu.memory_space<vmem>> -> memref<25x128xf32, #tpu.memory_space<vmem>>
      tpu.enqueue_dma source(%dma_start3A_39 : memref<25x128xf32, #tpu.memory_space<vmem>>) target(%dma_start3A_36 : memref<25x128xf32, #tpu.memory_space<vmem_shared>>) target_semaphore(%run_scoped3A : memref<!tpu.dma_semaphore, #tpu.memory_space<semaphore_mem>>)
      %dma_wait3A = arith.constant 0 : i32
      %dma_wait3A_40 = arith.constant 0 : i32
      %dma_wait3A_41 = tpu.memref_slice %arg6[%dma_wait3A, %dma_wait3A_40] : memref<100x128xf32, #tpu.memory_space<vmem>> -> memref<25x128xf32, #tpu.memory_space<vmem>>
      %dma_wait3A_42 = arith.constant 0 : i32
      %dma_wait3A_43 = tpu.memref_slice %arg11[%add3A_22, %dma_wait3A_42] : memref<10000x128xf32, #tpu.memory_space<vmem_shared>> -> memref<25x128xf32, #tpu.memory_space<vmem_shared>>
      %dma_wait3A_44 = arith.constant 0 : i32
      %dma_wait3A_45 = tpu.memref_slice %arg11[%add3A_22, %dma_wait3A_44] : memref<10000x128xf32, #tpu.memory_space<vmem_shared>> -> memref<25x128xf32, #tpu.memory_space<vmem_shared>>
      %dma_wait3A_46 = arith.constant 0 : i32
      %dma_wait3A_47 = arith.constant 0 : i32
      %dma_wait3A_48 = tpu.memref_slice %arg6[%dma_wait3A_46, %dma_wait3A_47] : memref<100x128xf32, #tpu.memory_space<vmem>> -> memref<25x128xf32, #tpu.memory_space<vmem>>
      tpu.wait_dma2 semaphore(%run_scoped3A : memref<!tpu.dma_semaphore, #tpu.memory_space<semaphore_mem>>) src(%dma_wait3A_48 : memref<25x128xf32, #tpu.memory_space<vmem>>) dst(%dma_wait3A_45 : memref<25x128xf32, #tpu.memory_space<vmem_shared>>)
      tpu.yield
    }) : () -> ()
    %barrier3A = arith.constant 0 : index
    tpu.barrier barrier_id(%barrier3A)
    %scan3A_23 = arith.constant 0 : i32
    %scan3A_24 = arith.constant 0 : i32
    %scan3A_25 = arith.constant 4 : i32
    %scan3A_26 = arith.addi %scan3A_24, %scan3A_25 : i32
    %scan3A_27 = arith.constant 1 : i32
    %scan3A_28 = scf.for %scan3A_31 = %scan3A_24 to %scan3A_26 step %scan3A_27 iter_args(%scan3A_32 = %scan3A_23) -> (i32)  : i32 {
      "tpu.region"() ({
        %run_scoped3A = tpu.sem_alloc : memref<!tpu.dma_semaphore, #tpu.memory_space<semaphore_mem>>
        %dma_start3A_60 = arith.constant 0 : i32
        %dma_start3A_61 = arith.constant 0 : i32
        %dma_start3A_62 = tpu.memref_slice %arg3[%add3A, %scan3A_31, %dma_start3A_60, %dma_start3A_61] : memref<32x4x25x100xi32, #tpu.memory_space<hbm>> -> memref<1x1x25x100xi32, #tpu.memory_space<hbm>>
        %dma_start3A_63 = tpu.memref_squeeze %dma_start3A_62 : memref<1x1x25x100xi32, #tpu.memory_space<hbm>> -> memref<25x100xi32, #tpu.memory_space<hbm>>
        %dma_start3A_64 = arith.constant 0 : i32
        %dma_start3A_65 = arith.constant 0 : i32
        %dma_start3A_66 = tpu.memref_slice %arg3[%add3A, %scan3A_31, %dma_start3A_64, %dma_start3A_65] : memref<32x4x25x100xi32, #tpu.memory_space<hbm>> -> memref<1x1x25x100xi32, #tpu.memory_space<hbm>>
        %dma_start3A_67 = tpu.memref_squeeze %dma_start3A_66 : memref<1x1x25x100xi32, #tpu.memory_space<hbm>> -> memref<25x100xi32, #tpu.memory_space<hbm>>
        tpu.enqueue_dma source(%dma_start3A_67 : memref<25x100xi32, #tpu.memory_space<hbm>>) target(%arg9 : memref<25x100xi32, #tpu.memory_space<vmem>>) target_semaphore(%run_scoped3A : memref<!tpu.dma_semaphore, #tpu.memory_space<semaphore_mem>>)
        %dma_wait3A_68 = arith.constant 0 : i32
        %dma_wait3A_69 = arith.constant 0 : i32
        %dma_wait3A_70 = tpu.memref_slice %arg3[%add3A, %scan3A_31, %dma_wait3A_68, %dma_wait3A_69] : memref<32x4x25x100xi32, #tpu.memory_space<hbm>> -> memref<1x1x25x100xi32, #tpu.memory_space<hbm>>
        %dma_wait3A_71 = tpu.memref_squeeze %dma_wait3A_70 : memref<1x1x25x100xi32, #tpu.memory_space<hbm>> -> memref<25x100xi32, #tpu.memory_space<hbm>>
        %dma_wait3A_72 = arith.constant 0 : i32
        %dma_wait3A_73 = arith.constant 0 : i32
        %dma_wait3A_74 = tpu.memref_slice %arg3[%add3A, %scan3A_31, %dma_wait3A_72, %dma_wait3A_73] : memref<32x4x25x100xi32, #tpu.memory_space<hbm>> -> memref<1x1x25x100xi32, #tpu.memory_space<hbm>>
        %dma_wait3A_75 = tpu.memref_squeeze %dma_wait3A_74 : memref<1x1x25x100xi32, #tpu.memory_space<hbm>> -> memref<25x100xi32, #tpu.memory_space<hbm>>
        tpu.wait_dma2 semaphore(%run_scoped3A : memref<!tpu.dma_semaphore, #tpu.memory_space<semaphore_mem>>) src(%dma_wait3A_75 : memref<25x100xi32, #tpu.memory_space<hbm>>) dst(%arg9 : memref<25x100xi32, #tpu.memory_space<vmem>>)
        tpu.yield
      }) : () -> ()
      "tpu.region"() ({
        %run_scoped3A = tpu.sem_alloc : memref<!tpu.dma_semaphore, #tpu.memory_space<semaphore_mem>>
        %dma_start3A_60 = arith.constant 0 : i32
        %dma_start3A_61 = arith.constant 0 : i32
        %dma_start3A_62 = tpu.memref_slice %arg4[%add3A, %scan3A_31, %dma_start3A_60, %dma_start3A_61] : memref<32x4x25x100xi32, #tpu.memory_space<hbm>> -> memref<1x1x25x100xi32, #tpu.memory_space<hbm>>
        %dma_start3A_63 = tpu.memref_squeeze %dma_start3A_62 : memref<1x1x25x100xi32, #tpu.memory_space<hbm>> -> memref<25x100xi32, #tpu.memory_space<hbm>>
        %dma_start3A_64 = arith.constant 0 : i32
        %dma_start3A_65 = arith.constant 0 : i32
        %dma_start3A_66 = tpu.memref_slice %arg4[%add3A, %scan3A_31, %dma_start3A_64, %dma_start3A_65] : memref<32x4x25x100xi32, #tpu.memory_space<hbm>> -> memref<1x1x25x100xi32, #tpu.memory_space<hbm>>
        %dma_start3A_67 = tpu.memref_squeeze %dma_start3A_66 : memref<1x1x25x100xi32, #tpu.memory_space<hbm>> -> memref<25x100xi32, #tpu.memory_space<hbm>>
        tpu.enqueue_dma source(%dma_start3A_67 : memref<25x100xi32, #tpu.memory_space<hbm>>) target(%arg10 : memref<25x100xi32, #tpu.memory_space<vmem>>) target_semaphore(%run_scoped3A : memref<!tpu.dma_semaphore, #tpu.memory_space<semaphore_mem>>)
        %dma_wait3A_68 = arith.constant 0 : i32
        %dma_wait3A_69 = arith.constant 0 : i32
        %dma_wait3A_70 = tpu.memref_slice %arg4[%add3A, %scan3A_31, %dma_wait3A_68, %dma_wait3A_69] : memref<32x4x25x100xi32, #tpu.memory_space<hbm>> -> memref<1x1x25x100xi32, #tpu.memory_space<hbm>>
        %dma_wait3A_71 = tpu.memref_squeeze %dma_wait3A_70 : memref<1x1x25x100xi32, #tpu.memory_space<hbm>> -> memref<25x100xi32, #tpu.memory_space<hbm>>
        %dma_wait3A_72 = arith.constant 0 : i32
        %dma_wait3A_73 = arith.constant 0 : i32
        %dma_wait3A_74 = tpu.memref_slice %arg4[%add3A, %scan3A_31, %dma_wait3A_72, %dma_wait3A_73] : memref<32x4x25x100xi32, #tpu.memory_space<hbm>> -> memref<1x1x25x100xi32, #tpu.memory_space<hbm>>
        %dma_wait3A_75 = tpu.memref_squeeze %dma_wait3A_74 : memref<1x1x25x100xi32, #tpu.memory_space<hbm>> -> memref<25x100xi32, #tpu.memory_space<hbm>>
        tpu.wait_dma2 semaphore(%run_scoped3A : memref<!tpu.dma_semaphore, #tpu.memory_space<semaphore_mem>>) src(%dma_wait3A_75 : memref<25x100xi32, #tpu.memory_space<hbm>>) dst(%arg10 : memref<25x100xi32, #tpu.memory_space<vmem>>)
        tpu.yield
      }) : () -> ()
      %dma_start3A = arith.constant 0 : i32
      %dma_start3A_33 = arith.constant 0 : i32
      %dma_start3A_34 = tpu.memref_slice %arg9[%dma_start3A, %dma_start3A_33] : memref<25x100xi32, #tpu.memory_space<vmem>> -> memref<1x100xi32, #tpu.memory_space<vmem>>
      %dma_start3A_35 = tpu.memref_squeeze %dma_start3A_34 : memref<1x100xi32, #tpu.memory_space<vmem>> -> memref<100xi32, #tpu.memory_space<vmem>>
      %dma_start3A_36 = arith.constant 0 : i32
      %dma_start3A_37 = arith.constant 0 : i32
      %dma_start3A_38 = tpu.memref_slice %arg2[%dma_start3A_36, %dma_start3A_37] : memref<10000x128xf32, #tpu.memory_space<hbm>> -> memref<10000x128xf32, #tpu.memory_space<hbm>>
      tpu.enqueue_indirect_dma source(%dma_start3A_38 : memref<10000x128xf32, #tpu.memory_space<hbm>>) target(%arg6 : memref<100x128xf32, #tpu.memory_space<vmem>>) offsets(%dma_start3A_35 : memref<100xi32, #tpu.memory_space<vmem>>) semaphore(%arg12 : memref<!tpu.dma_semaphore, #tpu.memory_space<semaphore_mem>>)
      %dma_start3A_39 = arith.constant 1 : i32
      %dma_start3A_40 = arith.constant 0 : i32
      %dma_start3A_41 = tpu.memref_slice %arg9[%dma_start3A_39, %dma_start3A_40] : memref<25x100xi32, #tpu.memory_space<vmem>> -> memref<1x100xi32, #tpu.memory_space<vmem>>
      %dma_start3A_42 = tpu.memref_squeeze %dma_start3A_41 : memref<1x100xi32, #tpu.memory_space<vmem>> -> memref<100xi32, #tpu.memory_space<vmem>>
      %dma_start3A_43 = arith.constant 0 : i32
      %dma_start3A_44 = arith.constant 0 : i32
      %dma_start3A_45 = tpu.memref_slice %arg2[%dma_start3A_43, %dma_start3A_44] : memref<10000x128xf32, #tpu.memory_space<hbm>> -> memref<10000x128xf32, #tpu.memory_space<hbm>>
      tpu.enqueue_indirect_dma source(%dma_start3A_45 : memref<10000x128xf32, #tpu.memory_space<hbm>>) target(%arg7 : memref<100x128xf32, #tpu.memory_space<vmem>>) offsets(%dma_start3A_42 : memref<100xi32, #tpu.memory_space<vmem>>) semaphore(%arg13 : memref<!tpu.dma_semaphore, #tpu.memory_space<semaphore_mem>>)
      %scan3A_46 = arith.constant 0 : i32
      %scan3A_47 = arith.constant 0 : i32
      %scan3A_48 = arith.constant 25 : i32
      %scan3A_49 = arith.addi %scan3A_47, %scan3A_48 : i32
      %scan3A_50 = arith.constant 1 : i32
      %scan3A_51 = scf.for %scan3A_60 = %scan3A_47 to %scan3A_49 step %scan3A_50 iter_args(%scan3A_61 = %scan3A_46) -> (i32)  : i32 {
        %jit3A = arith.constant 3 : i32
        %eq3A = arith.constant 0 : i32
        %eq3A_62 = arith.cmpi eq, %jit3A, %eq3A : i32
        %jit3A_63 = arith.constant 1 : i32
        %select_n3A = arith.select %eq3A_62, %jit3A_63, %jit3A : i32
        %rem3A = arith.remsi %scan3A_60, %select_n3A : i32
        %ne3A = arith.constant 0 : i32
        %ne3A_64 = arith.cmpi ne, %rem3A, %ne3A : i32
        %lt3A = arith.constant 0 : i32
        %lt3A_65 = arith.cmpi slt, %rem3A, %lt3A : i32
        %lt3A_66 = arith.constant 0 : i32
        %lt3A_67 = arith.cmpi slt, %select_n3A, %lt3A_66 : i32
        %ne3A_68 = arith.xori %lt3A_65, %lt3A_67 : i1
        %and3A = arith.andi %ne3A_68, %ne3A_64 : i1
        %add3A_69 = arith.addi %rem3A, %select_n3A : i32
        %select_n3A_70 = arith.select %and3A, %add3A_69, %rem3A : i32
        %eq3A_71 = arith.constant 0 : i32
        %eq3A_72 = arith.cmpi eq, %select_n3A_70, %eq3A_71 : i32
        %convert_element_type3A = arith.extui %eq3A_72 : i1 to i32
        %cond3A = arith.constant 0 : i32
        %cond3A_73 = arith.cmpi ne, %convert_element_type3A, %cond3A : i32
        scf.if %cond3A_73 {
          %dma_wait3A_117 = arith.constant 0 : i32
          %dma_wait3A_118 = tpu.memref_slice %arg9[%scan3A_60, %dma_wait3A_117] : memref<25x100xi32, #tpu.memory_space<vmem>> -> memref<1x100xi32, #tpu.memory_space<vmem>>
          %dma_wait3A_119 = tpu.memref_squeeze %dma_wait3A_118 : memref<1x100xi32, #tpu.memory_space<vmem>> -> memref<100xi32, #tpu.memory_space<vmem>>
          %dma_wait3A_120 = arith.constant 0 : i32
          %dma_wait3A_121 = arith.constant 0 : i32
          %dma_wait3A_122 = tpu.memref_slice %arg2[%dma_wait3A_120, %dma_wait3A_121] : memref<10000x128xf32, #tpu.memory_space<hbm>> -> memref<10000x128xf32, #tpu.memory_space<hbm>>
          tpu.wait_indirect_dma semaphore(%arg12 : memref<!tpu.dma_semaphore, #tpu.memory_space<semaphore_mem>>) src(%dma_wait3A_122 : memref<10000x128xf32, #tpu.memory_space<hbm>>) dst(%arg6 : memref<100x128xf32, #tpu.memory_space<vmem>>)
          %ge3A = arith.constant 1 : i32
          %ge3A_123 = arith.cmpi sge, %scan3A_60, %ge3A : i32
          %convert_element_type3A_124 = arith.extui %ge3A_123 : i1 to i32
          %cond3A_125 = arith.constant 0 : i32
          %cond3A_126 = arith.cmpi ne, %convert_element_type3A_124, %cond3A_125 : i32
          scf.if %cond3A_126 {
            %dma_wait3A_141 = arith.constant 0 : i32
            %dma_wait3A_142 = tpu.memref_slice %arg10[%scan3A_60, %dma_wait3A_141] : memref<25x100xi32, #tpu.memory_space<vmem>> -> memref<1x100xi32, #tpu.memory_space<vmem>>
            %dma_wait3A_143 = tpu.memref_squeeze %dma_wait3A_142 : memref<1x100xi32, #tpu.memory_space<vmem>> -> memref<100xi32, #tpu.memory_space<vmem>>
            %dma_wait3A_144 = arith.constant 0 : i32
            %dma_wait3A_145 = arith.constant 0 : i32
            %dma_wait3A_146 = tpu.memref_slice %arg11[%dma_wait3A_144, %dma_wait3A_145] : memref<10000x128xf32, #tpu.memory_space<vmem_shared>> -> memref<10000x128xf32, #tpu.memory_space<vmem_shared>>
            tpu.wait_indirect_dma semaphore(%arg17 : memref<!tpu.dma_semaphore, #tpu.memory_space<semaphore_mem>>) src(%arg8 : memref<100x128xf32, #tpu.memory_space<vmem>>) dst(%dma_wait3A_146 : memref<10000x128xf32, #tpu.memory_space<vmem_shared>>)
          } else {
          }
          %add3A_127 = arith.constant 3 : i32
          %add3A_128 = arith.addi %scan3A_60, %add3A_127 : i32
          %sub3A = arith.constant 1 : i32
          %sub3A_129 = arith.subi %add3A_128, %sub3A : i32
          %lt3A_130 = arith.constant 25 : i32
          %lt3A_131 = arith.cmpi slt, %sub3A_129, %lt3A_130 : i32
          %convert_element_type3A_132 = arith.extui %lt3A_131 : i1 to i32
          %cond3A_133 = arith.constant 0 : i32
          %cond3A_134 = arith.cmpi ne, %convert_element_type3A_132, %cond3A_133 : i32
          scf.if %cond3A_134 {
            %add3A_141 = arith.constant 3 : i32
            %add3A_142 = arith.addi %scan3A_60, %add3A_141 : i32
            %sub3A_143 = arith.constant 1 : i32
            %sub3A_144 = arith.subi %add3A_142, %sub3A_143 : i32
            %dma_start3A_145 = arith.constant 0 : i32
            %dma_start3A_146 = tpu.memref_slice %arg9[%sub3A_144, %dma_start3A_145] : memref<25x100xi32, #tpu.memory_space<vmem>> -> memref<1x100xi32, #tpu.memory_space<vmem>>
            %dma_start3A_147 = tpu.memref_squeeze %dma_start3A_146 : memref<1x100xi32, #tpu.memory_space<vmem>> -> memref<100xi32, #tpu.memory_space<vmem>>
            %dma_start3A_148 = arith.constant 0 : i32
            %dma_start3A_149 = arith.constant 0 : i32
            %dma_start3A_150 = tpu.memref_slice %arg2[%dma_start3A_148, %dma_start3A_149] : memref<10000x128xf32, #tpu.memory_space<hbm>> -> memref<10000x128xf32, #tpu.memory_space<hbm>>
            tpu.enqueue_indirect_dma source(%dma_start3A_150 : memref<10000x128xf32, #tpu.memory_space<hbm>>) target(%arg8 : memref<100x128xf32, #tpu.memory_space<vmem>>) offsets(%dma_start3A_147 : memref<100xi32, #tpu.memory_space<vmem>>) semaphore(%arg14 : memref<!tpu.dma_semaphore, #tpu.memory_space<semaphore_mem>>)
          } else {
          }
          %dma_start3A_135 = arith.constant 0 : i32
          %dma_start3A_136 = tpu.memref_slice %arg10[%scan3A_60, %dma_start3A_135] : memref<25x100xi32, #tpu.memory_space<vmem>> -> memref<1x100xi32, #tpu.memory_space<vmem>>
          %dma_start3A_137 = tpu.memref_squeeze %dma_start3A_136 : memref<1x100xi32, #tpu.memory_space<vmem>> -> memref<100xi32, #tpu.memory_space<vmem>>
          %dma_start3A_138 = arith.constant 0 : i32
          %dma_start3A_139 = arith.constant 0 : i32
          %dma_start3A_140 = tpu.memref_slice %arg11[%dma_start3A_138, %dma_start3A_139] : memref<10000x128xf32, #tpu.memory_space<vmem_shared>> -> memref<10000x128xf32, #tpu.memory_space<vmem_shared>>
          tpu.enqueue_indirect_dma source(%arg6 : memref<100x128xf32, #tpu.memory_space<vmem>>) target(%dma_start3A_140 : memref<10000x128xf32, #tpu.memory_space<vmem_shared>>) offsets(%dma_start3A_137 : memref<100xi32, #tpu.memory_space<vmem>>) semaphore(%arg15 : memref<!tpu.dma_semaphore, #tpu.memory_space<semaphore_mem>>) {add = true}
        } else {
        }
        %jit3A_74 = arith.constant 3 : i32
        %eq3A_75 = arith.constant 0 : i32
        %eq3A_76 = arith.cmpi eq, %jit3A_74, %eq3A_75 : i32
        %jit3A_77 = arith.constant 1 : i32
        %select_n3A_78 = arith.select %eq3A_76, %jit3A_77, %jit3A_74 : i32
        %rem3A_79 = arith.remsi %scan3A_60, %select_n3A_78 : i32
        %ne3A_80 = arith.constant 0 : i32
        %ne3A_81 = arith.cmpi ne, %rem3A_79, %ne3A_80 : i32
        %lt3A_82 = arith.constant 0 : i32
        %lt3A_83 = arith.cmpi slt, %rem3A_79, %lt3A_82 : i32
        %lt3A_84 = arith.constant 0 : i32
        %lt3A_85 = arith.cmpi slt, %select_n3A_78, %lt3A_84 : i32
        %ne3A_86 = arith.xori %lt3A_83, %lt3A_85 : i1
        %and3A_87 = arith.andi %ne3A_86, %ne3A_81 : i1
        %add3A_88 = arith.addi %rem3A_79, %select_n3A_78 : i32
        %select_n3A_89 = arith.select %and3A_87, %add3A_88, %rem3A_79 : i32
        %eq3A_90 = arith.constant 1 : i32
        %eq3A_91 = arith.cmpi eq, %select_n3A_89, %eq3A_90 : i32
        %convert_element_type3A_92 = arith.extui %eq3A_91 : i1 to i32
        %cond3A_93 = arith.constant 0 : i32
        %cond3A_94 = arith.cmpi ne, %convert_element_type3A_92, %cond3A_93 : i32
        scf.if %cond3A_94 {
          %dma_wait3A_117 = arith.constant 0 : i32
          %dma_wait3A_118 = tpu.memref_slice %arg9[%scan3A_60, %dma_wait3A_117] : memref<25x100xi32, #tpu.memory_space<vmem>> -> memref<1x100xi32, #tpu.memory_space<vmem>>
          %dma_wait3A_119 = tpu.memref_squeeze %dma_wait3A_118 : memref<1x100xi32, #tpu.memory_space<vmem>> -> memref<100xi32, #tpu.memory_space<vmem>>
          %dma_wait3A_120 = arith.constant 0 : i32
          %dma_wait3A_121 = arith.constant 0 : i32
          %dma_wait3A_122 = tpu.memref_slice %arg2[%dma_wait3A_120, %dma_wait3A_121] : memref<10000x128xf32, #tpu.memory_space<hbm>> -> memref<10000x128xf32, #tpu.memory_space<hbm>>
          tpu.wait_indirect_dma semaphore(%arg13 : memref<!tpu.dma_semaphore, #tpu.memory_space<semaphore_mem>>) src(%dma_wait3A_122 : memref<10000x128xf32, #tpu.memory_space<hbm>>) dst(%arg7 : memref<100x128xf32, #tpu.memory_space<vmem>>)
          %ge3A = arith.constant 1 : i32
          %ge3A_123 = arith.cmpi sge, %scan3A_60, %ge3A : i32
          %convert_element_type3A_124 = arith.extui %ge3A_123 : i1 to i32
          %cond3A_125 = arith.constant 0 : i32
          %cond3A_126 = arith.cmpi ne, %convert_element_type3A_124, %cond3A_125 : i32
          scf.if %cond3A_126 {
            %dma_wait3A_141 = arith.constant 0 : i32
            %dma_wait3A_142 = tpu.memref_slice %arg10[%scan3A_60, %dma_wait3A_141] : memref<25x100xi32, #tpu.memory_space<vmem>> -> memref<1x100xi32, #tpu.memory_space<vmem>>
            %dma_wait3A_143 = tpu.memref_squeeze %dma_wait3A_142 : memref<1x100xi32, #tpu.memory_space<vmem>> -> memref<100xi32, #tpu.memory_space<vmem>>
            %dma_wait3A_144 = arith.constant 0 : i32
            %dma_wait3A_145 = arith.constant 0 : i32
            %dma_wait3A_146 = tpu.memref_slice %arg11[%dma_wait3A_144, %dma_wait3A_145] : memref<10000x128xf32, #tpu.memory_space<vmem_shared>> -> memref<10000x128xf32, #tpu.memory_space<vmem_shared>>
            tpu.wait_indirect_dma semaphore(%arg15 : memref<!tpu.dma_semaphore, #tpu.memory_space<semaphore_mem>>) src(%arg6 : memref<100x128xf32, #tpu.memory_space<vmem>>) dst(%dma_wait3A_146 : memref<10000x128xf32, #tpu.memory_space<vmem_shared>>)
          } else {
          }
          %add3A_127 = arith.constant 3 : i32
          %add3A_128 = arith.addi %scan3A_60, %add3A_127 : i32
          %sub3A = arith.constant 1 : i32
          %sub3A_129 = arith.subi %add3A_128, %sub3A : i32
          %lt3A_130 = arith.constant 25 : i32
          %lt3A_131 = arith.cmpi slt, %sub3A_129, %lt3A_130 : i32
          %convert_element_type3A_132 = arith.extui %lt3A_131 : i1 to i32
          %cond3A_133 = arith.constant 0 : i32
          %cond3A_134 = arith.cmpi ne, %convert_element_type3A_132, %cond3A_133 : i32
          scf.if %cond3A_134 {
            %add3A_141 = arith.constant 3 : i32
            %add3A_142 = arith.addi %scan3A_60, %add3A_141 : i32
            %sub3A_143 = arith.constant 1 : i32
            %sub3A_144 = arith.subi %add3A_142, %sub3A_143 : i32
            %dma_start3A_145 = arith.constant 0 : i32
            %dma_start3A_146 = tpu.memref_slice %arg9[%sub3A_144, %dma_start3A_145] : memref<25x100xi32, #tpu.memory_space<vmem>> -> memref<1x100xi32, #tpu.memory_space<vmem>>
            %dma_start3A_147 = tpu.memref_squeeze %dma_start3A_146 : memref<1x100xi32, #tpu.memory_space<vmem>> -> memref<100xi32, #tpu.memory_space<vmem>>
            %dma_start3A_148 = arith.constant 0 : i32
            %dma_start3A_149 = arith.constant 0 : i32
            %dma_start3A_150 = tpu.memref_slice %arg2[%dma_start3A_148, %dma_start3A_149] : memref<10000x128xf32, #tpu.memory_space<hbm>> -> memref<10000x128xf32, #tpu.memory_space<hbm>>
            tpu.enqueue_indirect_dma source(%dma_start3A_150 : memref<10000x128xf32, #tpu.memory_space<hbm>>) target(%arg6 : memref<100x128xf32, #tpu.memory_space<vmem>>) offsets(%dma_start3A_147 : memref<100xi32, #tpu.memory_space<vmem>>) semaphore(%arg12 : memref<!tpu.dma_semaphore, #tpu.memory_space<semaphore_mem>>)
          } else {
          }
          %dma_start3A_135 = arith.constant 0 : i32
          %dma_start3A_136 = tpu.memref_slice %arg10[%scan3A_60, %dma_start3A_135] : memref<25x100xi32, #tpu.memory_space<vmem>> -> memref<1x100xi32, #tpu.memory_space<vmem>>
          %dma_start3A_137 = tpu.memref_squeeze %dma_start3A_136 : memref<1x100xi32, #tpu.memory_space<vmem>> -> memref<100xi32, #tpu.memory_space<vmem>>
          %dma_start3A_138 = arith.constant 0 : i32
          %dma_start3A_139 = arith.constant 0 : i32
          %dma_start3A_140 = tpu.memref_slice %arg11[%dma_start3A_138, %dma_start3A_139] : memref<10000x128xf32, #tpu.memory_space<vmem_shared>> -> memref<10000x128xf32, #tpu.memory_space<vmem_shared>>
          tpu.enqueue_indirect_dma source(%arg7 : memref<100x128xf32, #tpu.memory_space<vmem>>) target(%dma_start3A_140 : memref<10000x128xf32, #tpu.memory_space<vmem_shared>>) offsets(%dma_start3A_137 : memref<100xi32, #tpu.memory_space<vmem>>) semaphore(%arg16 : memref<!tpu.dma_semaphore, #tpu.memory_space<semaphore_mem>>) {add = true}
        } else {
        }
        %jit3A_95 = arith.constant 3 : i32
        %eq3A_96 = arith.constant 0 : i32
        %eq3A_97 = arith.cmpi eq, %jit3A_95, %eq3A_96 : i32
        %jit3A_98 = arith.constant 1 : i32
        %select_n3A_99 = arith.select %eq3A_97, %jit3A_98, %jit3A_95 : i32
        %rem3A_100 = arith.remsi %scan3A_60, %select_n3A_99 : i32
        %ne3A_101 = arith.constant 0 : i32
        %ne3A_102 = arith.cmpi ne, %rem3A_100, %ne3A_101 : i32
        %lt3A_103 = arith.constant 0 : i32
        %lt3A_104 = arith.cmpi slt, %rem3A_100, %lt3A_103 : i32
        %lt3A_105 = arith.constant 0 : i32
        %lt3A_106 = arith.cmpi slt, %select_n3A_99, %lt3A_105 : i32
        %ne3A_107 = arith.xori %lt3A_104, %lt3A_106 : i1
        %and3A_108 = arith.andi %ne3A_107, %ne3A_102 : i1
        %add3A_109 = arith.addi %rem3A_100, %select_n3A_99 : i32
        %select_n3A_110 = arith.select %and3A_108, %add3A_109, %rem3A_100 : i32
        %eq3A_111 = arith.constant 2 : i32
        %eq3A_112 = arith.cmpi eq, %select_n3A_110, %eq3A_111 : i32
        %convert_element_type3A_113 = arith.extui %eq3A_112 : i1 to i32
        %cond3A_114 = arith.constant 0 : i32
        %cond3A_115 = arith.cmpi ne, %convert_element_type3A_113, %cond3A_114 : i32
        scf.if %cond3A_115 {
          %dma_wait3A_117 = arith.constant 0 : i32
          %dma_wait3A_118 = tpu.memref_slice %arg9[%scan3A_60, %dma_wait3A_117] : memref<25x100xi32, #tpu.memory_space<vmem>> -> memref<1x100xi32, #tpu.memory_space<vmem>>
          %dma_wait3A_119 = tpu.memref_squeeze %dma_wait3A_118 : memref<1x100xi32, #tpu.memory_space<vmem>> -> memref<100xi32, #tpu.memory_space<vmem>>
          %dma_wait3A_120 = arith.constant 0 : i32
          %dma_wait3A_121 = arith.constant 0 : i32
          %dma_wait3A_122 = tpu.memref_slice %arg2[%dma_wait3A_120, %dma_wait3A_121] : memref<10000x128xf32, #tpu.memory_space<hbm>> -> memref<10000x128xf32, #tpu.memory_space<hbm>>
          tpu.wait_indirect_dma semaphore(%arg14 : memref<!tpu.dma_semaphore, #tpu.memory_space<semaphore_mem>>) src(%dma_wait3A_122 : memref<10000x128xf32, #tpu.memory_space<hbm>>) dst(%arg8 : memref<100x128xf32, #tpu.memory_space<vmem>>)
          %ge3A = arith.constant 1 : i32
          %ge3A_123 = arith.cmpi sge, %scan3A_60, %ge3A : i32
          %convert_element_type3A_124 = arith.extui %ge3A_123 : i1 to i32
          %cond3A_125 = arith.constant 0 : i32
          %cond3A_126 = arith.cmpi ne, %convert_element_type3A_124, %cond3A_125 : i32
          scf.if %cond3A_126 {
            %dma_wait3A_141 = arith.constant 0 : i32
            %dma_wait3A_142 = tpu.memref_slice %arg10[%scan3A_60, %dma_wait3A_141] : memref<25x100xi32, #tpu.memory_space<vmem>> -> memref<1x100xi32, #tpu.memory_space<vmem>>
            %dma_wait3A_143 = tpu.memref_squeeze %dma_wait3A_142 : memref<1x100xi32, #tpu.memory_space<vmem>> -> memref<100xi32, #tpu.memory_space<vmem>>
            %dma_wait3A_144 = arith.constant 0 : i32
            %dma_wait3A_145 = arith.constant 0 : i32
            %dma_wait3A_146 = tpu.memref_slice %arg11[%dma_wait3A_144, %dma_wait3A_145] : memref<10000x128xf32, #tpu.memory_space<vmem_shared>> -> memref<10000x128xf32, #tpu.memory_space<vmem_shared>>
            tpu.wait_indirect_dma semaphore(%arg16 : memref<!tpu.dma_semaphore, #tpu.memory_space<semaphore_mem>>) src(%arg7 : memref<100x128xf32, #tpu.memory_space<vmem>>) dst(%dma_wait3A_146 : memref<10000x128xf32, #tpu.memory_space<vmem_shared>>)
          } else {
          }
          %add3A_127 = arith.constant 3 : i32
          %add3A_128 = arith.addi %scan3A_60, %add3A_127 : i32
          %sub3A = arith.constant 1 : i32
          %sub3A_129 = arith.subi %add3A_128, %sub3A : i32
          %lt3A_130 = arith.constant 25 : i32
          %lt3A_131 = arith.cmpi slt, %sub3A_129, %lt3A_130 : i32
          %convert_element_type3A_132 = arith.extui %lt3A_131 : i1 to i32
          %cond3A_133 = arith.constant 0 : i32
          %cond3A_134 = arith.cmpi ne, %convert_element_type3A_132, %cond3A_133 : i32
          scf.if %cond3A_134 {
            %add3A_141 = arith.constant 3 : i32
            %add3A_142 = arith.addi %scan3A_60, %add3A_141 : i32
            %sub3A_143 = arith.constant 1 : i32
            %sub3A_144 = arith.subi %add3A_142, %sub3A_143 : i32
            %dma_start3A_145 = arith.constant 0 : i32
            %dma_start3A_146 = tpu.memref_slice %arg9[%sub3A_144, %dma_start3A_145] : memref<25x100xi32, #tpu.memory_space<vmem>> -> memref<1x100xi32, #tpu.memory_space<vmem>>
            %dma_start3A_147 = tpu.memref_squeeze %dma_start3A_146 : memref<1x100xi32, #tpu.memory_space<vmem>> -> memref<100xi32, #tpu.memory_space<vmem>>
            %dma_start3A_148 = arith.constant 0 : i32
            %dma_start3A_149 = arith.constant 0 : i32
            %dma_start3A_150 = tpu.memref_slice %arg2[%dma_start3A_148, %dma_start3A_149] : memref<10000x128xf32, #tpu.memory_space<hbm>> -> memref<10000x128xf32, #tpu.memory_space<hbm>>
            tpu.enqueue_indirect_dma source(%dma_start3A_150 : memref<10000x128xf32, #tpu.memory_space<hbm>>) target(%arg7 : memref<100x128xf32, #tpu.memory_space<vmem>>) offsets(%dma_start3A_147 : memref<100xi32, #tpu.memory_space<vmem>>) semaphore(%arg13 : memref<!tpu.dma_semaphore, #tpu.memory_space<semaphore_mem>>)
          } else {
          }
          %dma_start3A_135 = arith.constant 0 : i32
          %dma_start3A_136 = tpu.memref_slice %arg10[%scan3A_60, %dma_start3A_135] : memref<25x100xi32, #tpu.memory_space<vmem>> -> memref<1x100xi32, #tpu.memory_space<vmem>>
          %dma_start3A_137 = tpu.memref_squeeze %dma_start3A_136 : memref<1x100xi32, #tpu.memory_space<vmem>> -> memref<100xi32, #tpu.memory_space<vmem>>
          %dma_start3A_138 = arith.constant 0 : i32
          %dma_start3A_139 = arith.constant 0 : i32
          %dma_start3A_140 = tpu.memref_slice %arg11[%dma_start3A_138, %dma_start3A_139] : memref<10000x128xf32, #tpu.memory_space<vmem_shared>> -> memref<10000x128xf32, #tpu.memory_space<vmem_shared>>
          tpu.enqueue_indirect_dma source(%arg8 : memref<100x128xf32, #tpu.memory_space<vmem>>) target(%dma_start3A_140 : memref<10000x128xf32, #tpu.memory_space<vmem_shared>>) offsets(%dma_start3A_137 : memref<100xi32, #tpu.memory_space<vmem>>) semaphore(%arg17 : memref<!tpu.dma_semaphore, #tpu.memory_space<semaphore_mem>>) {add = true}
        } else {
        }
        %scan3A_116 = arith.constant 0 : i32
        scf.yield %scan3A_116 : i32
      }
      %scan3A_52 = arith.constant 25 : i32
      %dma_wait3A = arith.constant 0 : i32
      %dma_wait3A_53 = arith.constant 0 : i32
      %dma_wait3A_54 = tpu.memref_slice %arg10[%dma_wait3A, %dma_wait3A_53] : memref<25x100xi32, #tpu.memory_space<vmem>> -> memref<1x100xi32, #tpu.memory_space<vmem>>
      %dma_wait3A_55 = tpu.memref_squeeze %dma_wait3A_54 : memref<1x100xi32, #tpu.memory_space<vmem>> -> memref<100xi32, #tpu.memory_space<vmem>>
      %dma_wait3A_56 = arith.constant 0 : i32
      %dma_wait3A_57 = arith.constant 0 : i32
      %dma_wait3A_58 = tpu.memref_slice %arg11[%dma_wait3A_56, %dma_wait3A_57] : memref<10000x128xf32, #tpu.memory_space<vmem_shared>> -> memref<10000x128xf32, #tpu.memory_space<vmem_shared>>
      tpu.wait_indirect_dma semaphore(%arg15 : memref<!tpu.dma_semaphore, #tpu.memory_space<semaphore_mem>>) src(%arg6 : memref<100x128xf32, #tpu.memory_space<vmem>>) dst(%dma_wait3A_58 : memref<10000x128xf32, #tpu.memory_space<vmem_shared>>)
      %scan3A_59 = arith.constant 0 : i32
      scf.yield %scan3A_59 : i32
    }
    %scan3A_29 = arith.constant 4 : i32
    %barrier3A_30 = arith.constant 0 : index
    tpu.barrier barrier_id(%barrier3A_30)
    "tpu.region"() ({
      %run_scoped3A = tpu.sem_alloc : memref<!tpu.dma_semaphore, #tpu.memory_space<semaphore_mem>>
      %dma_start3A = arith.constant 0 : i32
      %dma_start3A_31 = arith.constant 0 : i32
      %dma_start3A_32 = tpu.memref_slice %arg5[%arg0, %arg1, %dma_start3A, %dma_start3A_31] : memref<2x16x625x128xf32, #tpu.memory_space<hbm>> -> memref<1x1x625x128xf32, #tpu.memory_space<hbm>>
      %dma_start3A_33 = tpu.memref_squeeze %dma_start3A_32 : memref<1x1x625x128xf32, #tpu.memory_space<hbm>> -> memref<625x128xf32, #tpu.memory_space<hbm>>
      %dma_start3A_34 = arith.constant 0 : i32
      %dma_start3A_35 = tpu.memref_slice %arg11[%mul3A_2, %dma_start3A_34] : memref<10000x128xf32, #tpu.memory_space<vmem_shared>> -> memref<625x128xf32, #tpu.memory_space<vmem_shared>>
      tpu.enqueue_dma source(%dma_start3A_35 : memref<625x128xf32, #tpu.memory_space<vmem_shared>>) target(%dma_start3A_33 : memref<625x128xf32, #tpu.memory_space<hbm>>) target_semaphore(%run_scoped3A : memref<!tpu.dma_semaphore, #tpu.memory_space<semaphore_mem>>)
      %dma_wait3A = arith.constant 0 : i32
      %dma_wait3A_36 = arith.constant 0 : i32
      %dma_wait3A_37 = tpu.memref_slice %arg5[%arg0, %arg1, %dma_wait3A, %dma_wait3A_36] : memref<2x16x625x128xf32, #tpu.memory_space<hbm>> -> memref<1x1x625x128xf32, #tpu.memory_space<hbm>>
      %dma_wait3A_38 = tpu.memref_squeeze %dma_wait3A_37 : memref<1x1x625x128xf32, #tpu.memory_space<hbm>> -> memref<625x128xf32, #tpu.memory_space<hbm>>
      %dma_wait3A_39 = arith.constant 0 : i32
      %dma_wait3A_40 = tpu.memref_slice %arg11[%mul3A_2, %dma_wait3A_39] : memref<10000x128xf32, #tpu.memory_space<vmem_shared>> -> memref<625x128xf32, #tpu.memory_space<vmem_shared>>
      tpu.wait_dma2 semaphore(%run_scoped3A : memref<!tpu.dma_semaphore, #tpu.memory_space<semaphore_mem>>) src(%dma_wait3A_40 : memref<625x128xf32, #tpu.memory_space<vmem_shared>>) dst(%dma_wait3A_38 : memref<625x128xf32, #tpu.memory_space<hbm>>)
      tpu.yield
    }) : () -> ()
    return
  }
}

#map = affine_map<(d0, d1) -> (0, 0)>
#map1 = affine_map<(d0, d1) -> (0, 0, 0, 0)>
module attributes {stable_mosaic.version = 14 : i64} {
  func.func @body(%arg0: i32, %arg1: i32, %arg2: memref<10000x128xf32, #tpu.memory_space<hbm>>, %arg3: memref<32x4x25x100xi32, #tpu.memory_space<hbm>>, %arg4: memref<32x4x25x100xi32, #tpu.memory_space<hbm>>, %arg5: memref<2x16x625x128xf32, #tpu.memory_space<hbm>>, %arg6: memref<100x128xf32, #tpu.memory_space<vmem>>, %arg7: memref<100x128xf32, #tpu.memory_space<vmem>>, %arg8: memref<100x128xf32, #tpu.memory_space<vmem>>, %arg9: memref<25x100xi32, #tpu.memory_space<vmem>>, %arg10: memref<25x100xi32, #tpu.memory_space<vmem>>, %arg11: memref<10000x128xf32, #tpu.memory_space<vmem_shared>>, %arg12: memref<!tpu.dma_semaphore, #tpu.memory_space<semaphore_mem>>, %arg13: memref<!tpu.dma_semaphore, #tpu.memory_space<semaphore_mem>>, %arg14: memref<!tpu.dma_semaphore, #tpu.memory_space<semaphore_mem>>, %arg15: memref<!tpu.dma_semaphore, #tpu.memory_space<semaphore_mem>>, %arg16: memref<!tpu.dma_semaphore, #tpu.memory_space<semaphore_mem>>, %arg17: memref<!tpu.dma_semaphore, #tpu.memory_space<semaphore_mem>>) attributes {dimension_semantics = [#tpu.dimension_semantics<core_parallel>, #tpu.dimension_semantics<subcore_parallel>], iteration_bounds = array<i64: 2, 16>, scalar_prefetch = 0 : i64, scratch_operands = 12 : i64, tpu.core_type = #tpu.core_type<sc_vector_subcore>, window_params = [{transform_indices = #map}, {transform_indices = #map1}, {transform_indices = #map1}, {transform_indices = #map1}]} {
    %mul3A = arith.constant 16 : i32
    %mul3A_0 = arith.muli %arg0, %mul3A : i32
    %add3A = arith.addi %mul3A_0, %arg1 : i32
    %mul3A_1 = arith.constant 625 : i32
    %mul3A_2 = arith.muli %arg1, %mul3A_1 : i32
    %scan3A = arith.constant 0 : i32
    %scan3A_3 = arith.constant 0 : i32
    %scan3A_4 = arith.constant 100 : i32
    %scan3A_5 = arith.addi %scan3A_3, %scan3A_4 : i32
    %scan3A_6 = arith.constant 1 : i32
    %scan3A_7 = scf.for %scan3A_31 = %scan3A_3 to %scan3A_5 step %scan3A_6 iter_args(%scan3A_32 = %scan3A) -> (i32)  : i32 {
      %scan3A_33 = arith.constant 0 : i32
      %scan3A_34 = arith.constant 0 : i32
      %scan3A_35 = arith.constant 8 : i32
      %scan3A_36 = arith.addi %scan3A_34, %scan3A_35 : i32
      %scan3A_37 = arith.constant 1 : i32
      %scan3A_38 = scf.for %scan3A_40 = %scan3A_34 to %scan3A_36 step %scan3A_37 iter_args(%scan3A_41 = %scan3A_33) -> (i32)  : i32 {
        %broadcast_in_dim3A = arith.constant 0.000000e+00 : f32
        %broadcast_in_dim3A_42 = vector.broadcast %broadcast_in_dim3A : f32 to vector<16xf32>
        %mul3A_43 = arith.constant 16 : i32
        %mul3A_44 = arith.muli %scan3A_40, %mul3A_43 : i32
        %swap3A = arith.index_cast %scan3A_31 : i32 to index
        %swap3A_45 = arith.index_cast %mul3A_44 : i32 to index
        %swap3A_46 = tpu.vector_load %arg6[%swap3A, %swap3A_45] {strides = array<i32>} : memref<100x128xf32, #tpu.memory_space<vmem>>, vector<1x16xf32>,
        %swap3A_47 = vector.shape_cast %swap3A_46 : vector<1x16xf32> to vector<16xf32>
        %swap3A_48 = vector.shape_cast %broadcast_in_dim3A_42 : vector<16xf32> to vector<1x16xf32>
        tpu.vector_store %arg6[%swap3A, %swap3A_45], %swap3A_48 {strides = array<i32>} : memref<100x128xf32, #tpu.memory_space<vmem>>, vector<1x16xf32>,
        %scan3A_49 = arith.constant 0 : i32
        scf.yield %scan3A_49 : i32
      }
      %scan3A_39 = arith.constant 8 : i32
      scf.yield %scan3A_38 : i32
    }
    %scan3A_8 = arith.constant 100 : i32
    %add3A_9 = arith.constant 0 : i32
    %add3A_10 = arith.addi %mul3A_2, %add3A_9 : i32
    "tpu.region"() ({
      %run_scoped3A = tpu.sem_alloc : memref<!tpu.dma_semaphore, #tpu.memory_space<semaphore_mem>>
      %dma_start3A = arith.constant 0 : i32
      %dma_start3A_31 = tpu.memref_slice %arg11[%add3A_10, %dma_start3A] : memref<10000x128xf32, #tpu.memory_space<vmem_shared>> -> memref<100x128xf32, #tpu.memory_space<vmem_shared>>
      %dma_start3A_32 = arith.constant 0 : i32
      %dma_start3A_33 = tpu.memref_slice %arg11[%add3A_10, %dma_start3A_32] : memref<10000x128xf32, #tpu.memory_space<vmem_shared>> -> memref<100x128xf32, #tpu.memory_space<vmem_shared>>
      tpu.enqueue_dma source(%arg6 : memref<100x128xf32, #tpu.memory_space<vmem>>) target(%dma_start3A_33 : memref<100x128xf32, #tpu.memory_space<vmem_shared>>) target_semaphore(%run_scoped3A : memref<!tpu.dma_semaphore, #tpu.memory_space<semaphore_mem>>)
      %dma_wait3A = arith.constant 0 : i32
      %dma_wait3A_34 = tpu.memref_slice %arg11[%add3A_10, %dma_wait3A] : memref<10000x128xf32, #tpu.memory_space<vmem_shared>> -> memref<100x128xf32, #tpu.memory_space<vmem_shared>>
      %dma_wait3A_35 = arith.constant 0 : i32
      %dma_wait3A_36 = tpu.memref_slice %arg11[%add3A_10, %dma_wait3A_35] : memref<10000x128xf32, #tpu.memory_space<vmem_shared>> -> memref<100x128xf32, #tpu.memory_space<vmem_shared>>
      tpu.wait_dma2 semaphore(%run_scoped3A : memref<!tpu.dma_semaphore, #tpu.memory_space<semaphore_mem>>) src(%arg6 : memref<100x128xf32, #tpu.memory_space<vmem>>) dst(%dma_wait3A_36 : memref<100x128xf32, #tpu.memory_space<vmem_shared>>)
      tpu.yield
    }) : () -> ()
    %add3A_11 = arith.constant 100 : i32
    %add3A_12 = arith.addi %mul3A_2, %add3A_11 : i32
    "tpu.region"() ({
      %run_scoped3A = tpu.sem_alloc : memref<!tpu.dma_semaphore, #tpu.memory_space<semaphore_mem>>
      %dma_start3A = arith.constant 0 : i32
      %dma_start3A_31 = tpu.memref_slice %arg11[%add3A_12, %dma_start3A] : memref<10000x128xf32, #tpu.memory_space<vmem_shared>> -> memref<100x128xf32, #tpu.memory_space<vmem_shared>>
      %dma_start3A_32 = arith.constant 0 : i32
      %dma_start3A_33 = tpu.memref_slice %arg11[%add3A_12, %dma_start3A_32] : memref<10000x128xf32, #tpu.memory_space<vmem_shared>> -> memref<100x128xf32, #tpu.memory_space<vmem_shared>>
      tpu.enqueue_dma source(%arg6 : memref<100x128xf32, #tpu.memory_space<vmem>>) target(%dma_start3A_33 : memref<100x128xf32, #tpu.memory_space<vmem_shared>>) target_semaphore(%run_scoped3A : memref<!tpu.dma_semaphore, #tpu.memory_space<semaphore_mem>>)
      %dma_wait3A = arith.constant 0 : i32
      %dma_wait3A_34 = tpu.memref_slice %arg11[%add3A_12, %dma_wait3A] : memref<10000x128xf32, #tpu.memory_space<vmem_shared>> -> memref<100x128xf32, #tpu.memory_space<vmem_shared>>
      %dma_wait3A_35 = arith.constant 0 : i32
      %dma_wait3A_36 = tpu.memref_slice %arg11[%add3A_12, %dma_wait3A_35] : memref<10000x128xf32, #tpu.memory_space<vmem_shared>> -> memref<100x128xf32, #tpu.memory_space<vmem_shared>>
      tpu.wait_dma2 semaphore(%run_scoped3A : memref<!tpu.dma_semaphore, #tpu.memory_space<semaphore_mem>>) src(%arg6 : memref<100x128xf32, #tpu.memory_space<vmem>>) dst(%dma_wait3A_36 : memref<100x128xf32, #tpu.memory_space<vmem_shared>>)
      tpu.yield
    }) : () -> ()
    %add3A_13 = arith.constant 200 : i32
    %add3A_14 = arith.addi %mul3A_2, %add3A_13 : i32
    "tpu.region"() ({
      %run_scoped3A = tpu.sem_alloc : memref<!tpu.dma_semaphore, #tpu.memory_space<semaphore_mem>>
      %dma_start3A = arith.constant 0 : i32
      %dma_start3A_31 = tpu.memref_slice %arg11[%add3A_14, %dma_start3A] : memref<10000x128xf32, #tpu.memory_space<vmem_shared>> -> memref<100x128xf32, #tpu.memory_space<vmem_shared>>
      %dma_start3A_32 = arith.constant 0 : i32
      %dma_start3A_33 = tpu.memref_slice %arg11[%add3A_14, %dma_start3A_32] : memref<10000x128xf32, #tpu.memory_space<vmem_shared>> -> memref<100x128xf32, #tpu.memory_space<vmem_shared>>
      tpu.enqueue_dma source(%arg6 : memref<100x128xf32, #tpu.memory_space<vmem>>) target(%dma_start3A_33 : memref<100x128xf32, #tpu.memory_space<vmem_shared>>) target_semaphore(%run_scoped3A : memref<!tpu.dma_semaphore, #tpu.memory_space<semaphore_mem>>)
      %dma_wait3A = arith.constant 0 : i32
      %dma_wait3A_34 = tpu.memref_slice %arg11[%add3A_14, %dma_wait3A] : memref<10000x128xf32, #tpu.memory_space<vmem_shared>> -> memref<100x128xf32, #tpu.memory_space<vmem_shared>>
      %dma_wait3A_35 = arith.constant 0 : i32
      %dma_wait3A_36 = tpu.memref_slice %arg11[%add3A_14, %dma_wait3A_35] : memref<10000x128xf32, #tpu.memory_space<vmem_shared>> -> memref<100x128xf32, #tpu.memory_space<vmem_shared>>
      tpu.wait_dma2 semaphore(%run_scoped3A : memref<!tpu.dma_semaphore, #tpu.memory_space<semaphore_mem>>) src(%arg6 : memref<100x128xf32, #tpu.memory_space<vmem>>) dst(%dma_wait3A_36 : memref<100x128xf32, #tpu.memory_space<vmem_shared>>)
      tpu.yield
    }) : () -> ()
    %add3A_15 = arith.constant 300 : i32
    %add3A_16 = arith.addi %mul3A_2, %add3A_15 : i32
    "tpu.region"() ({
      %run_scoped3A = tpu.sem_alloc : memref<!tpu.dma_semaphore, #tpu.memory_space<semaphore_mem>>
      %dma_start3A = arith.constant 0 : i32
      %dma_start3A_31 = tpu.memref_slice %arg11[%add3A_16, %dma_start3A] : memref<10000x128xf32, #tpu.memory_space<vmem_shared>> -> memref<100x128xf32, #tpu.memory_space<vmem_shared>>
      %dma_start3A_32 = arith.constant 0 : i32
      %dma_start3A_33 = tpu.memref_slice %arg11[%add3A_16, %dma_start3A_32] : memref<10000x128xf32, #tpu.memory_space<vmem_shared>> -> memref<100x128xf32, #tpu.memory_space<vmem_shared>>
      tpu.enqueue_dma source(%arg6 : memref<100x128xf32, #tpu.memory_space<vmem>>) target(%dma_start3A_33 : memref<100x128xf32, #tpu.memory_space<vmem_shared>>) target_semaphore(%run_scoped3A : memref<!tpu.dma_semaphore, #tpu.memory_space<semaphore_mem>>)
      %dma_wait3A = arith.constant 0 : i32
      %dma_wait3A_34 = tpu.memref_slice %arg11[%add3A_16, %dma_wait3A] : memref<10000x128xf32, #tpu.memory_space<vmem_shared>> -> memref<100x128xf32, #tpu.memory_space<vmem_shared>>
      %dma_wait3A_35 = arith.constant 0 : i32
      %dma_wait3A_36 = tpu.memref_slice %arg11[%add3A_16, %dma_wait3A_35] : memref<10000x128xf32, #tpu.memory_space<vmem_shared>> -> memref<100x128xf32, #tpu.memory_space<vmem_shared>>
      tpu.wait_dma2 semaphore(%run_scoped3A : memref<!tpu.dma_semaphore, #tpu.memory_space<semaphore_mem>>) src(%arg6 : memref<100x128xf32, #tpu.memory_space<vmem>>) dst(%dma_wait3A_36 : memref<100x128xf32, #tpu.memory_space<vmem_shared>>)
      tpu.yield
    }) : () -> ()
    %add3A_17 = arith.constant 400 : i32
    %add3A_18 = arith.addi %mul3A_2, %add3A_17 : i32
    "tpu.region"() ({
      %run_scoped3A = tpu.sem_alloc : memref<!tpu.dma_semaphore, #tpu.memory_space<semaphore_mem>>
      %dma_start3A = arith.constant 0 : i32
      %dma_start3A_31 = tpu.memref_slice %arg11[%add3A_18, %dma_start3A] : memref<10000x128xf32, #tpu.memory_space<vmem_shared>> -> memref<100x128xf32, #tpu.memory_space<vmem_shared>>
      %dma_start3A_32 = arith.constant 0 : i32
      %dma_start3A_33 = tpu.memref_slice %arg11[%add3A_18, %dma_start3A_32] : memref<10000x128xf32, #tpu.memory_space<vmem_shared>> -> memref<100x128xf32, #tpu.memory_space<vmem_shared>>
      tpu.enqueue_dma source(%arg6 : memref<100x128xf32, #tpu.memory_space<vmem>>) target(%dma_start3A_33 : memref<100x128xf32, #tpu.memory_space<vmem_shared>>) target_semaphore(%run_scoped3A : memref<!tpu.dma_semaphore, #tpu.memory_space<semaphore_mem>>)
      %dma_wait3A = arith.constant 0 : i32
      %dma_wait3A_34 = tpu.memref_slice %arg11[%add3A_18, %dma_wait3A] : memref<10000x128xf32, #tpu.memory_space<vmem_shared>> -> memref<100x128xf32, #tpu.memory_space<vmem_shared>>
      %dma_wait3A_35 = arith.constant 0 : i32
      %dma_wait3A_36 = tpu.memref_slice %arg11[%add3A_18, %dma_wait3A_35] : memref<10000x128xf32, #tpu.memory_space<vmem_shared>> -> memref<100x128xf32, #tpu.memory_space<vmem_shared>>
      tpu.wait_dma2 semaphore(%run_scoped3A : memref<!tpu.dma_semaphore, #tpu.memory_space<semaphore_mem>>) src(%arg6 : memref<100x128xf32, #tpu.memory_space<vmem>>) dst(%dma_wait3A_36 : memref<100x128xf32, #tpu.memory_space<vmem_shared>>)
      tpu.yield
    }) : () -> ()
    %add3A_19 = arith.constant 500 : i32
    %add3A_20 = arith.addi %mul3A_2, %add3A_19 : i32
    "tpu.region"() ({
      %run_scoped3A = tpu.sem_alloc : memref<!tpu.dma_semaphore, #tpu.memory_space<semaphore_mem>>
      %dma_start3A = arith.constant 0 : i32
      %dma_start3A_31 = tpu.memref_slice %arg11[%add3A_20, %dma_start3A] : memref<10000x128xf32, #tpu.memory_space<vmem_shared>> -> memref<100x128xf32, #tpu.memory_space<vmem_shared>>
      %dma_start3A_32 = arith.constant 0 : i32
      %dma_start3A_33 = tpu.memref_slice %arg11[%add3A_20, %dma_start3A_32] : memref<10000x128xf32, #tpu.memory_space<vmem_shared>> -> memref<100x128xf32, #tpu.memory_space<vmem_shared>>
      tpu.enqueue_dma source(%arg6 : memref<100x128xf32, #tpu.memory_space<vmem>>) target(%dma_start3A_33 : memref<100x128xf32, #tpu.memory_space<vmem_shared>>) target_semaphore(%run_scoped3A : memref<!tpu.dma_semaphore, #tpu.memory_space<semaphore_mem>>)
      %dma_wait3A = arith.constant 0 : i32
      %dma_wait3A_34 = tpu.memref_slice %arg11[%add3A_20, %dma_wait3A] : memref<10000x128xf32, #tpu.memory_space<vmem_shared>> -> memref<100x128xf32, #tpu.memory_space<vmem_shared>>
      %dma_wait3A_35 = arith.constant 0 : i32
      %dma_wait3A_36 = tpu.memref_slice %arg11[%add3A_20, %dma_wait3A_35] : memref<10000x128xf32, #tpu.memory_space<vmem_shared>> -> memref<100x128xf32, #tpu.memory_space<vmem_shared>>
      tpu.wait_dma2 semaphore(%run_scoped3A : memref<!tpu.dma_semaphore, #tpu.memory_space<semaphore_mem>>) src(%arg6 : memref<100x128xf32, #tpu.memory_space<vmem>>) dst(%dma_wait3A_36 : memref<100x128xf32, #tpu.memory_space<vmem_shared>>)
      tpu.yield
    }) : () -> ()
    %add3A_21 = arith.constant 600 : i32
    %add3A_22 = arith.addi %mul3A_2, %add3A_21 : i32
    "tpu.region"() ({
      %run_scoped3A = tpu.sem_alloc : memref<!tpu.dma_semaphore, #tpu.memory_space<semaphore_mem>>
      %dma_start3A = arith.constant 0 : i32
      %dma_start3A_31 = arith.constant 0 : i32
      %dma_start3A_32 = tpu.memref_slice %arg6[%dma_start3A, %dma_start3A_31] : memref<100x128xf32, #tpu.memory_space<vmem>> -> memref<25x128xf32, #tpu.memory_space<vmem>>
      %dma_start3A_33 = arith.constant 0 : i32
      %dma_start3A_34 = tpu.memref_slice %arg11[%add3A_22, %dma_start3A_33] : memref<10000x128xf32, #tpu.memory_space<vmem_shared>> -> memref<25x128xf32, #tpu.memory_space<vmem_shared>>
      %dma_start3A_35 = arith.constant 0 : i32
      %dma_start3A_36 = tpu.memref_slice %arg11[%add3A_22, %dma_start3A_35] : memref<10000x128xf32, #tpu.memory_space<vmem_shared>> -> memref<25x128xf32, #tpu.memory_space<vmem_shared>>
      %dma_start3A_37 = arith.constant 0 : i32
      %dma_start3A_38 = arith.constant 0 : i32
      %dma_start3A_39 = tpu.memref_slice %arg6[%dma_start3A_37, %dma_start3A_38] : memref<100x128xf32, #tpu.memory_space<vmem>> -> memref<25x128xf32, #tpu.memory_space<vmem>>
      tpu.enqueue_dma source(%dma_start3A_39 : memref<25x128xf32, #tpu.memory_space<vmem>>) target(%dma_start3A_36 : memref<25x128xf32, #tpu.memory_space<vmem_shared>>) target_semaphore(%run_scoped3A : memref<!tpu.dma_semaphore, #tpu.memory_space<semaphore_mem>>)
      %dma_wait3A = arith.constant 0 : i32
      %dma_wait3A_40 = arith.constant 0 : i32
      %dma_wait3A_41 = tpu.memref_slice %arg6[%dma_wait3A, %dma_wait3A_40] : memref<100x128xf32, #tpu.memory_space<vmem>> -> memref<25x128xf32, #tpu.memory_space<vmem>>
      %dma_wait3A_42 = arith.constant 0 : i32
      %dma_wait3A_43 = tpu.memref_slice %arg11[%add3A_22, %dma_wait3A_42] : memref<10000x128xf32, #tpu.memory_space<vmem_shared>> -> memref<25x128xf32, #tpu.memory_space<vmem_shared>>
      %dma_wait3A_44 = arith.constant 0 : i32
      %dma_wait3A_45 = tpu.memref_slice %arg11[%add3A_22, %dma_wait3A_44] : memref<10000x128xf32, #tpu.memory_space<vmem_shared>> -> memref<25x128xf32, #tpu.memory_space<vmem_shared>>
      %dma_wait3A_46 = arith.constant 0 : i32
      %dma_wait3A_47 = arith.constant 0 : i32
      %dma_wait3A_48 = tpu.memref_slice %arg6[%dma_wait3A_46, %dma_wait3A_47] : memref<100x128xf32, #tpu.memory_space<vmem>> -> memref<25x128xf32, #tpu.memory_space<vmem>>
      tpu.wait_dma2 semaphore(%run_scoped3A : memref<!tpu.dma_semaphore, #tpu.memory_space<semaphore_mem>>) src(%dma_wait3A_48 : memref<25x128xf32, #tpu.memory_space<vmem>>) dst(%dma_wait3A_45 : memref<25x128xf32, #tpu.memory_space<vmem_shared>>)
      tpu.yield
    }) : () -> ()
    %barrier3A = arith.constant 0 : index
    tpu.barrier barrier_id(%barrier3A)
    %scan3A_23 = arith.constant 0 : i32
    %scan3A_24 = arith.constant 0 : i32
    %scan3A_25 = arith.constant 4 : i32
    %scan3A_26 = arith.addi %scan3A_24, %scan3A_25 : i32
    %scan3A_27 = arith.constant 1 : i32
    %scan3A_28 = scf.for %scan3A_31 = %scan3A_24 to %scan3A_26 step %scan3A_27 iter_args(%scan3A_32 = %scan3A_23) -> (i32)  : i32 {
      "tpu.region"() ({
        %run_scoped3A = tpu.sem_alloc : memref<!tpu.dma_semaphore, #tpu.memory_space<semaphore_mem>>
        %dma_start3A_60 = arith.constant 0 : i32
        %dma_start3A_61 = arith.constant 0 : i32
        %dma_start3A_62 = tpu.memref_slice %arg3[%add3A, %scan3A_31, %dma_start3A_60, %dma_start3A_61] : memref<32x4x25x100xi32, #tpu.memory_space<hbm>> -> memref<1x1x25x100xi32, #tpu.memory_space<hbm>>
        %dma_start3A_63 = tpu.memref_squeeze %dma_start3A_62 : memref<1x1x25x100xi32, #tpu.memory_space<hbm>> -> memref<25x100xi32, #tpu.memory_space<hbm>>
        %dma_start3A_64 = arith.constant 0 : i32
        %dma_start3A_65 = arith.constant 0 : i32
        %dma_start3A_66 = tpu.memref_slice %arg3[%add3A, %scan3A_31, %dma_start3A_64, %dma_start3A_65] : memref<32x4x25x100xi32, #tpu.memory_space<hbm>> -> memref<1x1x25x100xi32, #tpu.memory_space<hbm>>
        %dma_start3A_67 = tpu.memref_squeeze %dma_start3A_66 : memref<1x1x25x100xi32, #tpu.memory_space<hbm>> -> memref<25x100xi32, #tpu.memory_space<hbm>>
        tpu.enqueue_dma source(%dma_start3A_67 : memref<25x100xi32, #tpu.memory_space<hbm>>) target(%arg9 : memref<25x100xi32, #tpu.memory_space<vmem>>) target_semaphore(%run_scoped3A : memref<!tpu.dma_semaphore, #tpu.memory_space<semaphore_mem>>)
        %dma_wait3A_68 = arith.constant 0 : i32
        %dma_wait3A_69 = arith.constant 0 : i32
        %dma_wait3A_70 = tpu.memref_slice %arg3[%add3A, %scan3A_31, %dma_wait3A_68, %dma_wait3A_69] : memref<32x4x25x100xi32, #tpu.memory_space<hbm>> -> memref<1x1x25x100xi32, #tpu.memory_space<hbm>>
        %dma_wait3A_71 = tpu.memref_squeeze %dma_wait3A_70 : memref<1x1x25x100xi32, #tpu.memory_space<hbm>> -> memref<25x100xi32, #tpu.memory_space<hbm>>
        %dma_wait3A_72 = arith.constant 0 : i32
        %dma_wait3A_73 = arith.constant 0 : i32
        %dma_wait3A_74 = tpu.memref_slice %arg3[%add3A, %scan3A_31, %dma_wait3A_72, %dma_wait3A_73] : memref<32x4x25x100xi32, #tpu.memory_space<hbm>> -> memref<1x1x25x100xi32, #tpu.memory_space<hbm>>
        %dma_wait3A_75 = tpu.memref_squeeze %dma_wait3A_74 : memref<1x1x25x100xi32, #tpu.memory_space<hbm>> -> memref<25x100xi32, #tpu.memory_space<hbm>>
        tpu.wait_dma2 semaphore(%run_scoped3A : memref<!tpu.dma_semaphore, #tpu.memory_space<semaphore_mem>>) src(%dma_wait3A_75 : memref<25x100xi32, #tpu.memory_space<hbm>>) dst(%arg9 : memref<25x100xi32, #tpu.memory_space<vmem>>)
        tpu.yield
      }) : () -> ()
      "tpu.region"() ({
        %run_scoped3A = tpu.sem_alloc : memref<!tpu.dma_semaphore, #tpu.memory_space<semaphore_mem>>
        %dma_start3A_60 = arith.constant 0 : i32
        %dma_start3A_61 = arith.constant 0 : i32
        %dma_start3A_62 = tpu.memref_slice %arg4[%add3A, %scan3A_31, %dma_start3A_60, %dma_start3A_61] : memref<32x4x25x100xi32, #tpu.memory_space<hbm>> -> memref<1x1x25x100xi32, #tpu.memory_space<hbm>>
        %dma_start3A_63 = tpu.memref_squeeze %dma_start3A_62 : memref<1x1x25x100xi32, #tpu.memory_space<hbm>> -> memref<25x100xi32, #tpu.memory_space<hbm>>
        %dma_start3A_64 = arith.constant 0 : i32
        %dma_start3A_65 = arith.constant 0 : i32
        %dma_start3A_66 = tpu.memref_slice %arg4[%add3A, %scan3A_31, %dma_start3A_64, %dma_start3A_65] : memref<32x4x25x100xi32, #tpu.memory_space<hbm>> -> memref<1x1x25x100xi32, #tpu.memory_space<hbm>>
        %dma_start3A_67 = tpu.memref_squeeze %dma_start3A_66 : memref<1x1x25x100xi32, #tpu.memory_space<hbm>> -> memref<25x100xi32, #tpu.memory_space<hbm>>
        tpu.enqueue_dma source(%dma_start3A_67 : memref<25x100xi32, #tpu.memory_space<hbm>>) target(%arg10 : memref<25x100xi32, #tpu.memory_space<vmem>>) target_semaphore(%run_scoped3A : memref<!tpu.dma_semaphore, #tpu.memory_space<semaphore_mem>>)
        %dma_wait3A_68 = arith.constant 0 : i32
        %dma_wait3A_69 = arith.constant 0 : i32
        %dma_wait3A_70 = tpu.memref_slice %arg4[%add3A, %scan3A_31, %dma_wait3A_68, %dma_wait3A_69] : memref<32x4x25x100xi32, #tpu.memory_space<hbm>> -> memref<1x1x25x100xi32, #tpu.memory_space<hbm>>
        %dma_wait3A_71 = tpu.memref_squeeze %dma_wait3A_70 : memref<1x1x25x100xi32, #tpu.memory_space<hbm>> -> memref<25x100xi32, #tpu.memory_space<hbm>>
        %dma_wait3A_72 = arith.constant 0 : i32
        %dma_wait3A_73 = arith.constant 0 : i32
        %dma_wait3A_74 = tpu.memref_slice %arg4[%add3A, %scan3A_31, %dma_wait3A_72, %dma_wait3A_73] : memref<32x4x25x100xi32, #tpu.memory_space<hbm>> -> memref<1x1x25x100xi32, #tpu.memory_space<hbm>>
        %dma_wait3A_75 = tpu.memref_squeeze %dma_wait3A_74 : memref<1x1x25x100xi32, #tpu.memory_space<hbm>> -> memref<25x100xi32, #tpu.memory_space<hbm>>
        tpu.wait_dma2 semaphore(%run_scoped3A : memref<!tpu.dma_semaphore, #tpu.memory_space<semaphore_mem>>) src(%dma_wait3A_75 : memref<25x100xi32, #tpu.memory_space<hbm>>) dst(%arg10 : memref<25x100xi32, #tpu.memory_space<vmem>>)
        tpu.yield
      }) : () -> ()
      %dma_start3A = arith.constant 0 : i32
      %dma_start3A_33 = arith.constant 0 : i32
      %dma_start3A_34 = tpu.memref_slice %arg9[%dma_start3A, %dma_start3A_33] : memref<25x100xi32, #tpu.memory_space<vmem>> -> memref<1x100xi32, #tpu.memory_space<vmem>>
      %dma_start3A_35 = tpu.memref_squeeze %dma_start3A_34 : memref<1x100xi32, #tpu.memory_space<vmem>> -> memref<100xi32, #tpu.memory_space<vmem>>
      %dma_start3A_36 = arith.constant 0 : i32
      %dma_start3A_37 = arith.constant 0 : i32
      %dma_start3A_38 = tpu.memref_slice %arg2[%dma_start3A_36, %dma_start3A_37] : memref<10000x128xf32, #tpu.memory_space<hbm>> -> memref<10000x128xf32, #tpu.memory_space<hbm>>
      tpu.enqueue_indirect_dma source(%dma_start3A_38 : memref<10000x128xf32, #tpu.memory_space<hbm>>) target(%arg6 : memref<100x128xf32, #tpu.memory_space<vmem>>) offsets(%dma_start3A_35 : memref<100xi32, #tpu.memory_space<vmem>>) semaphore(%arg12 : memref<!tpu.dma_semaphore, #tpu.memory_space<semaphore_mem>>)
      %dma_start3A_39 = arith.constant 1 : i32
      %dma_start3A_40 = arith.constant 0 : i32
      %dma_start3A_41 = tpu.memref_slice %arg9[%dma_start3A_39, %dma_start3A_40] : memref<25x100xi32, #tpu.memory_space<vmem>> -> memref<1x100xi32, #tpu.memory_space<vmem>>
      %dma_start3A_42 = tpu.memref_squeeze %dma_start3A_41 : memref<1x100xi32, #tpu.memory_space<vmem>> -> memref<100xi32, #tpu.memory_space<vmem>>
      %dma_start3A_43 = arith.constant 0 : i32
      %dma_start3A_44 = arith.constant 0 : i32
      %dma_start3A_45 = tpu.memref_slice %arg2[%dma_start3A_43, %dma_start3A_44] : memref<10000x128xf32, #tpu.memory_space<hbm>> -> memref<10000x128xf32, #tpu.memory_space<hbm>>
      tpu.enqueue_indirect_dma source(%dma_start3A_45 : memref<10000x128xf32, #tpu.memory_space<hbm>>) target(%arg7 : memref<100x128xf32, #tpu.memory_space<vmem>>) offsets(%dma_start3A_42 : memref<100xi32, #tpu.memory_space<vmem>>) semaphore(%arg13 : memref<!tpu.dma_semaphore, #tpu.memory_space<semaphore_mem>>)
      %scan3A_46 = arith.constant 0 : i32
      %scan3A_47 = arith.constant 0 : i32
      %scan3A_48 = arith.constant 25 : i32
      %scan3A_49 = arith.addi %scan3A_47, %scan3A_48 : i32
      %scan3A_50 = arith.constant 1 : i32
      %scan3A_51 = scf.for %scan3A_60 = %scan3A_47 to %scan3A_49 step %scan3A_50 iter_args(%scan3A_61 = %scan3A_46) -> (i32)  : i32 {
        %jit3A = arith.constant 3 : i32
        %eq3A = arith.constant 0 : i32
        %eq3A_62 = arith.cmpi eq, %jit3A, %eq3A : i32
        %jit3A_63 = arith.constant 1 : i32
        %select_n3A = arith.select %eq3A_62, %jit3A_63, %jit3A : i32
        %rem3A = arith.remsi %scan3A_60, %select_n3A : i32
        %ne3A = arith.constant 0 : i32
        %ne3A_64 = arith.cmpi ne, %rem3A, %ne3A : i32
        %lt3A = arith.constant 0 : i32
        %lt3A_65 = arith.cmpi slt, %rem3A, %lt3A : i32
        %lt3A_66 = arith.constant 0 : i32
        %lt3A_67 = arith.cmpi slt, %select_n3A, %lt3A_66 : i32
        %ne3A_68 = arith.xori %lt3A_65, %lt3A_67 : i1
        %and3A = arith.andi %ne3A_68, %ne3A_64 : i1
        %add3A_69 = arith.addi %rem3A, %select_n3A : i32
        %select_n3A_70 = arith.select %and3A, %add3A_69, %rem3A : i32
        %eq3A_71 = arith.constant 0 : i32
        %eq3A_72 = arith.cmpi eq, %select_n3A_70, %eq3A_71 : i32
        %convert_element_type3A = arith.extui %eq3A_72 : i1 to i32
        %cond3A = arith.constant 0 : i32
        %cond3A_73 = arith.cmpi ne, %convert_element_type3A, %cond3A : i32
        scf.if %cond3A_73 {
          %dma_wait3A_117 = arith.constant 0 : i32
          %dma_wait3A_118 = tpu.memref_slice %arg9[%scan3A_60, %dma_wait3A_117] : memref<25x100xi32, #tpu.memory_space<vmem>> -> memref<1x100xi32, #tpu.memory_space<vmem>>
          %dma_wait3A_119 = tpu.memref_squeeze %dma_wait3A_118 : memref<1x100xi32, #tpu.memory_space<vmem>> -> memref<100xi32, #tpu.memory_space<vmem>>
          %dma_wait3A_120 = arith.constant 0 : i32
          %dma_wait3A_121 = arith.constant 0 : i32
          %dma_wait3A_122 = tpu.memref_slice %arg2[%dma_wait3A_120, %dma_wait3A_121] : memref<10000x128xf32, #tpu.memory_space<hbm>> -> memref<10000x128xf32, #tpu.memory_space<hbm>>
          tpu.wait_indirect_dma semaphore(%arg12 : memref<!tpu.dma_semaphore, #tpu.memory_space<semaphore_mem>>) src(%dma_wait3A_122 : memref<10000x128xf32, #tpu.memory_space<hbm>>) dst(%arg6 : memref<100x128xf32, #tpu.memory_space<vmem>>)
          %ge3A = arith.constant 1 : i32
          %ge3A_123 = arith.cmpi sge, %scan3A_60, %ge3A : i32
          %convert_element_type3A_124 = arith.extui %ge3A_123 : i1 to i32
          %cond3A_125 = arith.constant 0 : i32
          %cond3A_126 = arith.cmpi ne, %convert_element_type3A_124, %cond3A_125 : i32
          scf.if %cond3A_126 {
            %dma_wait3A_141 = arith.constant 0 : i32
            %dma_wait3A_142 = tpu.memref_slice %arg10[%scan3A_60, %dma_wait3A_141] : memref<25x100xi32, #tpu.memory_space<vmem>> -> memref<1x100xi32, #tpu.memory_space<vmem>>
            %dma_wait3A_143 = tpu.memref_squeeze %dma_wait3A_142 : memref<1x100xi32, #tpu.memory_space<vmem>> -> memref<100xi32, #tpu.memory_space<vmem>>
            %dma_wait3A_144 = arith.constant 0 : i32
            %dma_wait3A_145 = arith.constant 0 : i32
            %dma_wait3A_146 = tpu.memref_slice %arg11[%dma_wait3A_144, %dma_wait3A_145] : memref<10000x128xf32, #tpu.memory_space<vmem_shared>> -> memref<10000x128xf32, #tpu.memory_space<vmem_shared>>
            tpu.wait_indirect_dma semaphore(%arg17 : memref<!tpu.dma_semaphore, #tpu.memory_space<semaphore_mem>>) src(%arg8 : memref<100x128xf32, #tpu.memory_space<vmem>>) dst(%dma_wait3A_146 : memref<10000x128xf32, #tpu.memory_space<vmem_shared>>)
          } else {
          }
          %add3A_127 = arith.constant 3 : i32
          %add3A_128 = arith.addi %scan3A_60, %add3A_127 : i32
          %sub3A = arith.constant 1 : i32
          %sub3A_129 = arith.subi %add3A_128, %sub3A : i32
          %lt3A_130 = arith.constant 25 : i32
          %lt3A_131 = arith.cmpi slt, %sub3A_129, %lt3A_130 : i32
          %convert_element_type3A_132 = arith.extui %lt3A_131 : i1 to i32
          %cond3A_133 = arith.constant 0 : i32
          %cond3A_134 = arith.cmpi ne, %convert_element_type3A_132, %cond3A_133 : i32
          scf.if %cond3A_134 {
            %add3A_141 = arith.constant 3 : i32
            %add3A_142 = arith.addi %scan3A_60, %add3A_141 : i32
            %sub3A_143 = arith.constant 1 : i32
            %sub3A_144 = arith.subi %add3A_142, %sub3A_143 : i32
            %dma_start3A_145 = arith.constant 0 : i32
            %dma_start3A_146 = tpu.memref_slice %arg9[%sub3A_144, %dma_start3A_145] : memref<25x100xi32, #tpu.memory_space<vmem>> -> memref<1x100xi32, #tpu.memory_space<vmem>>
            %dma_start3A_147 = tpu.memref_squeeze %dma_start3A_146 : memref<1x100xi32, #tpu.memory_space<vmem>> -> memref<100xi32, #tpu.memory_space<vmem>>
            %dma_start3A_148 = arith.constant 0 : i32
            %dma_start3A_149 = arith.constant 0 : i32
            %dma_start3A_150 = tpu.memref_slice %arg2[%dma_start3A_148, %dma_start3A_149] : memref<10000x128xf32, #tpu.memory_space<hbm>> -> memref<10000x128xf32, #tpu.memory_space<hbm>>
            tpu.enqueue_indirect_dma source(%dma_start3A_150 : memref<10000x128xf32, #tpu.memory_space<hbm>>) target(%arg8 : memref<100x128xf32, #tpu.memory_space<vmem>>) offsets(%dma_start3A_147 : memref<100xi32, #tpu.memory_space<vmem>>) semaphore(%arg14 : memref<!tpu.dma_semaphore, #tpu.memory_space<semaphore_mem>>)
          } else {
          }
          %dma_start3A_135 = arith.constant 0 : i32
          %dma_start3A_136 = tpu.memref_slice %arg10[%scan3A_60, %dma_start3A_135] : memref<25x100xi32, #tpu.memory_space<vmem>> -> memref<1x100xi32, #tpu.memory_space<vmem>>
          %dma_start3A_137 = tpu.memref_squeeze %dma_start3A_136 : memref<1x100xi32, #tpu.memory_space<vmem>> -> memref<100xi32, #tpu.memory_space<vmem>>
          %dma_start3A_138 = arith.constant 0 : i32
          %dma_start3A_139 = arith.constant 0 : i32
          %dma_start3A_140 = tpu.memref_slice %arg11[%dma_start3A_138, %dma_start3A_139] : memref<10000x128xf32, #tpu.memory_space<vmem_shared>> -> memref<10000x128xf32, #tpu.memory_space<vmem_shared>>
          tpu.enqueue_indirect_dma source(%arg6 : memref<100x128xf32, #tpu.memory_space<vmem>>) target(%dma_start3A_140 : memref<10000x128xf32, #tpu.memory_space<vmem_shared>>) offsets(%dma_start3A_137 : memref<100xi32, #tpu.memory_space<vmem>>) semaphore(%arg15 : memref<!tpu.dma_semaphore, #tpu.memory_space<semaphore_mem>>) {add = true}
        } else {
        }
        %jit3A_74 = arith.constant 3 : i32
        %eq3A_75 = arith.constant 0 : i32
        %eq3A_76 = arith.cmpi eq, %jit3A_74, %eq3A_75 : i32
        %jit3A_77 = arith.constant 1 : i32
        %select_n3A_78 = arith.select %eq3A_76, %jit3A_77, %jit3A_74 : i32
        %rem3A_79 = arith.remsi %scan3A_60, %select_n3A_78 : i32
        %ne3A_80 = arith.constant 0 : i32
        %ne3A_81 = arith.cmpi ne, %rem3A_79, %ne3A_80 : i32
        %lt3A_82 = arith.constant 0 : i32
        %lt3A_83 = arith.cmpi slt, %rem3A_79, %lt3A_82 : i32
        %lt3A_84 = arith.constant 0 : i32
        %lt3A_85 = arith.cmpi slt, %select_n3A_78, %lt3A_84 : i32
        %ne3A_86 = arith.xori %lt3A_83, %lt3A_85 : i1
        %and3A_87 = arith.andi %ne3A_86, %ne3A_81 : i1
        %add3A_88 = arith.addi %rem3A_79, %select_n3A_78 : i32
        %select_n3A_89 = arith.select %and3A_87, %add3A_88, %rem3A_79 : i32
        %eq3A_90 = arith.constant 1 : i32
        %eq3A_91 = arith.cmpi eq, %select_n3A_89, %eq3A_90 : i32
        %convert_element_type3A_92 = arith.extui %eq3A_91 : i1 to i32
        %cond3A_93 = arith.constant 0 : i32
        %cond3A_94 = arith.cmpi ne, %convert_element_type3A_92, %cond3A_93 : i32
        scf.if %cond3A_94 {
          %dma_wait3A_117 = arith.constant 0 : i32
          %dma_wait3A_118 = tpu.memref_slice %arg9[%scan3A_60, %dma_wait3A_117] : memref<25x100xi32, #tpu.memory_space<vmem>> -> memref<1x100xi32, #tpu.memory_space<vmem>>
          %dma_wait3A_119 = tpu.memref_squeeze %dma_wait3A_118 : memref<1x100xi32, #tpu.memory_space<vmem>> -> memref<100xi32, #tpu.memory_space<vmem>>
          %dma_wait3A_120 = arith.constant 0 : i32
          %dma_wait3A_121 = arith.constant 0 : i32
          %dma_wait3A_122 = tpu.memref_slice %arg2[%dma_wait3A_120, %dma_wait3A_121] : memref<10000x128xf32, #tpu.memory_space<hbm>> -> memref<10000x128xf32, #tpu.memory_space<hbm>>
          tpu.wait_indirect_dma semaphore(%arg13 : memref<!tpu.dma_semaphore, #tpu.memory_space<semaphore_mem>>) src(%dma_wait3A_122 : memref<10000x128xf32, #tpu.memory_space<hbm>>) dst(%arg7 : memref<100x128xf32, #tpu.memory_space<vmem>>)
          %ge3A = arith.constant 1 : i32
          %ge3A_123 = arith.cmpi sge, %scan3A_60, %ge3A : i32
          %convert_element_type3A_124 = arith.extui %ge3A_123 : i1 to i32
          %cond3A_125 = arith.constant 0 : i32
          %cond3A_126 = arith.cmpi ne, %convert_element_type3A_124, %cond3A_125 : i32
          scf.if %cond3A_126 {
            %dma_wait3A_141 = arith.constant 0 : i32
            %dma_wait3A_142 = tpu.memref_slice %arg10[%scan3A_60, %dma_wait3A_141] : memref<25x100xi32, #tpu.memory_space<vmem>> -> memref<1x100xi32, #tpu.memory_space<vmem>>
            %dma_wait3A_143 = tpu.memref_squeeze %dma_wait3A_142 : memref<1x100xi32, #tpu.memory_space<vmem>> -> memref<100xi32, #tpu.memory_space<vmem>>
            %dma_wait3A_144 = arith.constant 0 : i32
            %dma_wait3A_145 = arith.constant 0 : i32
            %dma_wait3A_146 = tpu.memref_slice %arg11[%dma_wait3A_144, %dma_wait3A_145] : memref<10000x128xf32, #tpu.memory_space<vmem_shared>> -> memref<10000x128xf32, #tpu.memory_space<vmem_shared>>
            tpu.wait_indirect_dma semaphore(%arg15 : memref<!tpu.dma_semaphore, #tpu.memory_space<semaphore_mem>>) src(%arg6 : memref<100x128xf32, #tpu.memory_space<vmem>>) dst(%dma_wait3A_146 : memref<10000x128xf32, #tpu.memory_space<vmem_shared>>)
          } else {
          }
          %add3A_127 = arith.constant 3 : i32
          %add3A_128 = arith.addi %scan3A_60, %add3A_127 : i32
          %sub3A = arith.constant 1 : i32
          %sub3A_129 = arith.subi %add3A_128, %sub3A : i32
          %lt3A_130 = arith.constant 25 : i32
          %lt3A_131 = arith.cmpi slt, %sub3A_129, %lt3A_130 : i32
          %convert_element_type3A_132 = arith.extui %lt3A_131 : i1 to i32
          %cond3A_133 = arith.constant 0 : i32
          %cond3A_134 = arith.cmpi ne, %convert_element_type3A_132, %cond3A_133 : i32
          scf.if %cond3A_134 {
            %add3A_141 = arith.constant 3 : i32
            %add3A_142 = arith.addi %scan3A_60, %add3A_141 : i32
            %sub3A_143 = arith.constant 1 : i32
            %sub3A_144 = arith.subi %add3A_142, %sub3A_143 : i32
            %dma_start3A_145 = arith.constant 0 : i32
            %dma_start3A_146 = tpu.memref_slice %arg9[%sub3A_144, %dma_start3A_145] : memref<25x100xi32, #tpu.memory_space<vmem>> -> memref<1x100xi32, #tpu.memory_space<vmem>>
            %dma_start3A_147 = tpu.memref_squeeze %dma_start3A_146 : memref<1x100xi32, #tpu.memory_space<vmem>> -> memref<100xi32, #tpu.memory_space<vmem>>
            %dma_start3A_148 = arith.constant 0 : i32
            %dma_start3A_149 = arith.constant 0 : i32
            %dma_start3A_150 = tpu.memref_slice %arg2[%dma_start3A_148, %dma_start3A_149] : memref<10000x128xf32, #tpu.memory_space<hbm>> -> memref<10000x128xf32, #tpu.memory_space<hbm>>
            tpu.enqueue_indirect_dma source(%dma_start3A_150 : memref<10000x128xf32, #tpu.memory_space<hbm>>) target(%arg6 : memref<100x128xf32, #tpu.memory_space<vmem>>) offsets(%dma_start3A_147 : memref<100xi32, #tpu.memory_space<vmem>>) semaphore(%arg12 : memref<!tpu.dma_semaphore, #tpu.memory_space<semaphore_mem>>)
          } else {
          }
          %dma_start3A_135 = arith.constant 0 : i32
          %dma_start3A_136 = tpu.memref_slice %arg10[%scan3A_60, %dma_start3A_135] : memref<25x100xi32, #tpu.memory_space<vmem>> -> memref<1x100xi32, #tpu.memory_space<vmem>>
          %dma_start3A_137 = tpu.memref_squeeze %dma_start3A_136 : memref<1x100xi32, #tpu.memory_space<vmem>> -> memref<100xi32, #tpu.memory_space<vmem>>
          %dma_start3A_138 = arith.constant 0 : i32
          %dma_start3A_139 = arith.constant 0 : i32
          %dma_start3A_140 = tpu.memref_slice %arg11[%dma_start3A_138, %dma_start3A_139] : memref<10000x128xf32, #tpu.memory_space<vmem_shared>> -> memref<10000x128xf32, #tpu.memory_space<vmem_shared>>
          tpu.enqueue_indirect_dma source(%arg7 : memref<100x128xf32, #tpu.memory_space<vmem>>) target(%dma_start3A_140 : memref<10000x128xf32, #tpu.memory_space<vmem_shared>>) offsets(%dma_start3A_137 : memref<100xi32, #tpu.memory_space<vmem>>) semaphore(%arg16 : memref<!tpu.dma_semaphore, #tpu.memory_space<semaphore_mem>>) {add = true}
        } else {
        }
        %jit3A_95 = arith.constant 3 : i32
        %eq3A_96 = arith.constant 0 : i32
        %eq3A_97 = arith.cmpi eq, %jit3A_95, %eq3A_96 : i32
        %jit3A_98 = arith.constant 1 : i32
        %select_n3A_99 = arith.select %eq3A_97, %jit3A_98, %jit3A_95 : i32
        %rem3A_100 = arith.remsi %scan3A_60, %select_n3A_99 : i32
        %ne3A_101 = arith.constant 0 : i32
        %ne3A_102 = arith.cmpi ne, %rem3A_100, %ne3A_101 : i32
        %lt3A_103 = arith.constant 0 : i32
        %lt3A_104 = arith.cmpi slt, %rem3A_100, %lt3A_103 : i32
        %lt3A_105 = arith.constant 0 : i32
        %lt3A_106 = arith.cmpi slt, %select_n3A_99, %lt3A_105 : i32
        %ne3A_107 = arith.xori %lt3A_104, %lt3A_106 : i1
        %and3A_108 = arith.andi %ne3A_107, %ne3A_102 : i1
        %add3A_109 = arith.addi %rem3A_100, %select_n3A_99 : i32
        %select_n3A_110 = arith.select %and3A_108, %add3A_109, %rem3A_100 : i32
        %eq3A_111 = arith.constant 2 : i32
        %eq3A_112 = arith.cmpi eq, %select_n3A_110, %eq3A_111 : i32
        %convert_element_type3A_113 = arith.extui %eq3A_112 : i1 to i32
        %cond3A_114 = arith.constant 0 : i32
        %cond3A_115 = arith.cmpi ne, %convert_element_type3A_113, %cond3A_114 : i32
        scf.if %cond3A_115 {
          %dma_wait3A_117 = arith.constant 0 : i32
          %dma_wait3A_118 = tpu.memref_slice %arg9[%scan3A_60, %dma_wait3A_117] : memref<25x100xi32, #tpu.memory_space<vmem>> -> memref<1x100xi32, #tpu.memory_space<vmem>>
          %dma_wait3A_119 = tpu.memref_squeeze %dma_wait3A_118 : memref<1x100xi32, #tpu.memory_space<vmem>> -> memref<100xi32, #tpu.memory_space<vmem>>
          %dma_wait3A_120 = arith.constant 0 : i32
          %dma_wait3A_121 = arith.constant 0 : i32
          %dma_wait3A_122 = tpu.memref_slice %arg2[%dma_wait3A_120, %dma_wait3A_121] : memref<10000x128xf32, #tpu.memory_space<hbm>> -> memref<10000x128xf32, #tpu.memory_space<hbm>>
          tpu.wait_indirect_dma semaphore(%arg14 : memref<!tpu.dma_semaphore, #tpu.memory_space<semaphore_mem>>) src(%dma_wait3A_122 : memref<10000x128xf32, #tpu.memory_space<hbm>>) dst(%arg8 : memref<100x128xf32, #tpu.memory_space<vmem>>)
          %ge3A = arith.constant 1 : i32
          %ge3A_123 = arith.cmpi sge, %scan3A_60, %ge3A : i32
          %convert_element_type3A_124 = arith.extui %ge3A_123 : i1 to i32
          %cond3A_125 = arith.constant 0 : i32
          %cond3A_126 = arith.cmpi ne, %convert_element_type3A_124, %cond3A_125 : i32
          scf.if %cond3A_126 {
            %dma_wait3A_141 = arith.constant 0 : i32
            %dma_wait3A_142 = tpu.memref_slice %arg10[%scan3A_60, %dma_wait3A_141] : memref<25x100xi32, #tpu.memory_space<vmem>> -> memref<1x100xi32, #tpu.memory_space<vmem>>
            %dma_wait3A_143 = tpu.memref_squeeze %dma_wait3A_142 : memref<1x100xi32, #tpu.memory_space<vmem>> -> memref<100xi32, #tpu.memory_space<vmem>>
            %dma_wait3A_144 = arith.constant 0 : i32
            %dma_wait3A_145 = arith.constant 0 : i32
            %dma_wait3A_146 = tpu.memref_slice %arg11[%dma_wait3A_144, %dma_wait3A_145] : memref<10000x128xf32, #tpu.memory_space<vmem_shared>> -> memref<10000x128xf32, #tpu.memory_space<vmem_shared>>
            tpu.wait_indirect_dma semaphore(%arg16 : memref<!tpu.dma_semaphore, #tpu.memory_space<semaphore_mem>>) src(%arg7 : memref<100x128xf32, #tpu.memory_space<vmem>>) dst(%dma_wait3A_146 : memref<10000x128xf32, #tpu.memory_space<vmem_shared>>)
          } else {
          }
          %add3A_127 = arith.constant 3 : i32
          %add3A_128 = arith.addi %scan3A_60, %add3A_127 : i32
          %sub3A = arith.constant 1 : i32
          %sub3A_129 = arith.subi %add3A_128, %sub3A : i32
          %lt3A_130 = arith.constant 25 : i32
          %lt3A_131 = arith.cmpi slt, %sub3A_129, %lt3A_130 : i32
          %convert_element_type3A_132 = arith.extui %lt3A_131 : i1 to i32
          %cond3A_133 = arith.constant 0 : i32
          %cond3A_134 = arith.cmpi ne, %convert_element_type3A_132, %cond3A_133 : i32
          scf.if %cond3A_134 {
            %add3A_141 = arith.constant 3 : i32
            %add3A_142 = arith.addi %scan3A_60, %add3A_141 : i32
            %sub3A_143 = arith.constant 1 : i32
            %sub3A_144 = arith.subi %add3A_142, %sub3A_143 : i32
            %dma_start3A_145 = arith.constant 0 : i32
            %dma_start3A_146 = tpu.memref_slice %arg9[%sub3A_144, %dma_start3A_145] : memref<25x100xi32, #tpu.memory_space<vmem>> -> memref<1x100xi32, #tpu.memory_space<vmem>>
            %dma_start3A_147 = tpu.memref_squeeze %dma_start3A_146 : memref<1x100xi32, #tpu.memory_space<vmem>> -> memref<100xi32, #tpu.memory_space<vmem>>
            %dma_start3A_148 = arith.constant 0 : i32
            %dma_start3A_149 = arith.constant 0 : i32
            %dma_start3A_150 = tpu.memref_slice %arg2[%dma_start3A_148, %dma_start3A_149] : memref<10000x128xf32, #tpu.memory_space<hbm>> -> memref<10000x128xf32, #tpu.memory_space<hbm>>
            tpu.enqueue_indirect_dma source(%dma_start3A_150 : memref<10000x128xf32, #tpu.memory_space<hbm>>) target(%arg7 : memref<100x128xf32, #tpu.memory_space<vmem>>) offsets(%dma_start3A_147 : memref<100xi32, #tpu.memory_space<vmem>>) semaphore(%arg13 : memref<!tpu.dma_semaphore, #tpu.memory_space<semaphore_mem>>)
          } else {
          }
          %dma_start3A_135 = arith.constant 0 : i32
          %dma_start3A_136 = tpu.memref_slice %arg10[%scan3A_60, %dma_start3A_135] : memref<25x100xi32, #tpu.memory_space<vmem>> -> memref<1x100xi32, #tpu.memory_space<vmem>>
          %dma_start3A_137 = tpu.memref_squeeze %dma_start3A_136 : memref<1x100xi32, #tpu.memory_space<vmem>> -> memref<100xi32, #tpu.memory_space<vmem>>
          %dma_start3A_138 = arith.constant 0 : i32
          %dma_start3A_139 = arith.constant 0 : i32
          %dma_start3A_140 = tpu.memref_slice %arg11[%dma_start3A_138, %dma_start3A_139] : memref<10000x128xf32, #tpu.memory_space<vmem_shared>> -> memref<10000x128xf32, #tpu.memory_space<vmem_shared>>
          tpu.enqueue_indirect_dma source(%arg8 : memref<100x128xf32, #tpu.memory_space<vmem>>) target(%dma_start3A_140 : memref<10000x128xf32, #tpu.memory_space<vmem_shared>>) offsets(%dma_start3A_137 : memref<100xi32, #tpu.memory_space<vmem>>) semaphore(%arg17 : memref<!tpu.dma_semaphore, #tpu.memory_space<semaphore_mem>>) {add = true}
        } else {
        }
        %scan3A_116 = arith.constant 0 : i32
        scf.yield %scan3A_116 : i32
      }
      %scan3A_52 = arith.constant 25 : i32
      %dma_wait3A = arith.constant 0 : i32
      %dma_wait3A_53 = arith.constant 0 : i32
      %dma_wait3A_54 = tpu.memref_slice %arg10[%dma_wait3A, %dma_wait3A_53] : memref<25x100xi32, #tpu.memory_space<vmem>> -> memref<1x100xi32, #tpu.memory_space<vmem>>
      %dma_wait3A_55 = tpu.memref_squeeze %dma_wait3A_54 : memref<1x100xi32, #tpu.memory_space<vmem>> -> memref<100xi32, #tpu.memory_space<vmem>>
      %dma_wait3A_56 = arith.constant 0 : i32
      %dma_wait3A_57 = arith.constant 0 : i32
      %dma_wait3A_58 = tpu.memref_slice %arg11[%dma_wait3A_56, %dma_wait3A_57] : memref<10000x128xf32, #tpu.memory_space<vmem_shared>> -> memref<10000x128xf32, #tpu.memory_space<vmem_shared>>
      tpu.wait_indirect_dma semaphore(%arg15 : memref<!tpu.dma_semaphore, #tpu.memory_space<semaphore_mem>>) src(%arg6 : memref<100x128xf32, #tpu.memory_space<vmem>>) dst(%dma_wait3A_58 : memref<10000x128xf32, #tpu.memory_space<vmem_shared>>)
      %scan3A_59 = arith.constant 0 : i32
      scf.yield %scan3A_59 : i32
    }
    %scan3A_29 = arith.constant 4 : i32
    %barrier3A_30 = arith.constant 0 : index
    tpu.barrier barrier_id(%barrier3A_30)
    "tpu.region"() ({
      %run_scoped3A = tpu.sem_alloc : memref<!tpu.dma_semaphore, #tpu.memory_space<semaphore_mem>>
      %dma_start3A = arith.constant 0 : i32
      %dma_start3A_31 = arith.constant 0 : i32
      %dma_start3A_32 = tpu.memref_slice %arg5[%arg0, %arg1, %dma_start3A, %dma_start3A_31] : memref<2x16x625x128xf32, #tpu.memory_space<hbm>> -> memref<1x1x625x128xf32, #tpu.memory_space<hbm>>
      %dma_start3A_33 = tpu.memref_squeeze %dma_start3A_32 : memref<1x1x625x128xf32, #tpu.memory_space<hbm>> -> memref<625x128xf32, #tpu.memory_space<hbm>>
      %dma_start3A_34 = arith.constant 0 : i32
      %dma_start3A_35 = tpu.memref_slice %arg11[%mul3A_2, %dma_start3A_34] : memref<10000x128xf32, #tpu.memory_space<vmem_shared>> -> memref<625x128xf32, #tpu.memory_space<vmem_shared>>
      tpu.enqueue_dma source(%dma_start3A_35 : memref<625x128xf32, #tpu.memory_space<vmem_shared>>) target(%dma_start3A_33 : memref<625x128xf32, #tpu.memory_space<hbm>>) target_semaphore(%run_scoped3A : memref<!tpu.dma_semaphore, #tpu.memory_space<semaphore_mem>>)
      %dma_wait3A = arith.constant 0 : i32
      %dma_wait3A_36 = arith.constant 0 : i32
      %dma_wait3A_37 = tpu.memref_slice %arg5[%arg0, %arg1, %dma_wait3A, %dma_wait3A_36] : memref<2x16x625x128xf32, #tpu.memory_space<hbm>> -> memref<1x1x625x128xf32, #tpu.memory_space<hbm>>
      %dma_wait3A_38 = tpu.memref_squeeze %dma_wait3A_37 : memref<1x1x625x128xf32, #tpu.memory_space<hbm>> -> memref<625x128xf32, #tpu.memory_space<hbm>>
      %dma_wait3A_39 = arith.constant 0 : i32
      %dma_wait3A_40 = tpu.memref_slice %arg11[%mul3A_2, %dma_wait3A_39] : memref<10000x128xf32, #tpu.memory_space<vmem_shared>> -> memref<625x128xf32, #tpu.memory_space<vmem_shared>>
      tpu.wait_dma2 semaphore(%run_scoped3A : memref<!tpu.dma_semaphore, #tpu.memory_space<semaphore_mem>>) src(%dma_wait3A_40 : memref<625x128xf32, #tpu.memory_space<vmem_shared>>) dst(%dma_wait3A_38 : memref<625x128xf32, #tpu.memory_space<hbm>>)
      tpu.yield
    }) : () -> ()
    return
  }
}

module attributes {stable_mosaic.version = 14 : i64} {
  func.func @_tc_layer1_body(%arg0: i32, %arg1: memref<1000x128xf32, #tpu.memory_space<vmem>>, %arg2: memref<1000x128xf32, #tpu.memory_space<vmem>>, %arg3: memref<1000x128xf32, #tpu.memory_space<vmem>>, %arg4: memref<1000x128xf32, #tpu.memory_space<vmem>>, %arg5: memref<1000x128xf32, #tpu.memory_space<vmem>>, %arg6: memref<128x128xf32, #tpu.memory_space<vmem>>, %arg7: memref<128x128xf32, #tpu.memory_space<vmem>>, %arg8: memref<1x128xf32, #tpu.memory_space<vmem>>, %arg9: memref<1000x128xf32, #tpu.memory_space<vmem>>) attributes {dimension_semantics = [#tpu.dimension_semantics<arbitrary>], iteration_bounds = array<i64: 10>, scalar_prefetch = 0 : i64, scratch_operands = 0 : i64, tpu.core_type = #tpu.core_type<tc>, window_params = [{transform_indices = @transform_0, window_bounds = array<i64: 1000, 128>}, {transform_indices = @transform_1, window_bounds = array<i64: 1000, 128>}, {transform_indices = @transform_2, window_bounds = array<i64: 1000, 128>}, {transform_indices = @transform_3, window_bounds = array<i64: 1000, 128>}, {transform_indices = @transform_4, window_bounds = array<i64: 1000, 128>}, {pipeline_mode = #tpu.pipeline_mode<synchronous>, transform_indices = @transform_5, window_bounds = array<i64: 128, 128>}, {pipeline_mode = #tpu.pipeline_mode<synchronous>, transform_indices = @transform_6, window_bounds = array<i64: 128, 128>}, {pipeline_mode = #tpu.pipeline_mode<synchronous>, transform_indices = @transform_7, window_bounds = array<i64: 1, 128>}, {transform_indices = @transform_8, window_bounds = array<i64: 1000, 128>}]} {
    %get3A = arith.constant 0 : index
    %get3A_0 = arith.constant 0 : index
    %get3A_1 = vector.load %arg2[%get3A, %get3A_0] : memref<1000x128xf32, #tpu.memory_space<vmem>>, vector<1000x128xf32>
    %get3A_2 = arith.constant 0 : index
    %get3A_3 = arith.constant 0 : index
    %get3A_4 = vector.load %arg3[%get3A_2, %get3A_3] : memref<1000x128xf32, #tpu.memory_space<vmem>>, vector<1000x128xf32>
    %add3A = arith.addf %get3A_1, %get3A_4 : vector<1000x128xf32>
    %get3A_5 = arith.constant 0 : index
    %get3A_6 = arith.constant 0 : index
    %get3A_7 = vector.load %arg4[%get3A_5, %get3A_6] : memref<1000x128xf32, #tpu.memory_space<vmem>>, vector<1000x128xf32>
    %get3A_8 = arith.constant 0 : index
    %get3A_9 = arith.constant 0 : index
    %get3A_10 = vector.load %arg5[%get3A_8, %get3A_9] : memref<1000x128xf32, #tpu.memory_space<vmem>>, vector<1000x128xf32>
    %slice3A = vector.extract_strided_slice %get3A_7 {offsets = [0, 0], sizes = [1000, 1], strides = [1, 1]} : vector<1000x128xf32> to vector<1000x1xf32>
    %slice3A_11 = vector.extract_strided_slice %get3A_10 {offsets = [0, 0], sizes = [1000, 1], strides = [1, 1]} : vector<1000x128xf32> to vector<1000x1xf32>
    %add3A_12 = arith.addf %slice3A, %slice3A_11 : vector<1000x1xf32>
    %max3A = arith.constant 1.000000e+00 : f32
    %max3A_13 = vector.broadcast %max3A : f32 to vector<1000x1xf32>
    %max3A_14 = arith.maximumf %add3A_12, %max3A_13 : vector<1000x1xf32>
    %div3A = arith.constant 1.000000e+00 : f32
    %div3A_15 = vector.broadcast %div3A : f32 to vector<1000x1xf32>
    %div3A_16 = arith.divf %div3A_15, %max3A_14 : vector<1000x1xf32>
    %mul3A = vector.broadcast %div3A_16 : vector<1000x1xf32> to vector<1000x128xf32>
    %mul3A_17 = arith.mulf %add3A, %mul3A : vector<1000x128xf32>
    %get3A_18 = arith.constant 0 : index
    %get3A_19 = arith.constant 0 : index
    %get3A_20 = vector.load %arg1[%get3A_18, %get3A_19] : memref<1000x128xf32, #tpu.memory_space<vmem>>, vector<1000x128xf32>
    %get3A_21 = arith.constant 0 : index
    %get3A_22 = arith.constant 0 : index
    %get3A_23 = vector.load %arg6[%get3A_21, %get3A_22] : memref<128x128xf32, #tpu.memory_space<vmem>>, vector<128x128xf32>
    %dot_general3A = arith.constant dense<0.000000e+00> : vector<1000x128xf32>
    %dot_general3A_24 = tpu.matmul %get3A_20, %get3A_23, %dot_general3A {dimension_numbers = #tpu.dot_dimension_numbers<[1], [0], [0], [1], [0, 0, 1, 1], [], []>, transpose_lhs_hint = false} : vector<1000x128xf32>, vector<128x128xf32>, vector<1000x128xf32> -> vector<1000x128xf32>
    %get3A_25 = arith.constant 0 : index
    %get3A_26 = arith.constant 0 : index
    %get3A_27 = vector.load %arg7[%get3A_25, %get3A_26] : memref<128x128xf32, #tpu.memory_space<vmem>>, vector<128x128xf32>
    %dot_general3A_28 = arith.constant dense<0.000000e+00> : vector<1000x128xf32>
    %dot_general3A_29 = tpu.matmul %mul3A_17, %get3A_27, %dot_general3A_28 {dimension_numbers = #tpu.dot_dimension_numbers<[1], [0], [0], [1], [0, 0, 1, 1], [], []>, transpose_lhs_hint = false} : vector<1000x128xf32>, vector<128x128xf32>, vector<1000x128xf32> -> vector<1000x128xf32>
    %add3A_30 = arith.addf %dot_general3A_24, %dot_general3A_29 : vector<1000x128xf32>
    %get3A_31 = arith.constant 0 : index
    %get3A_32 = arith.constant 0 : index
    %get3A_33 = vector.load %arg8[%get3A_31, %get3A_32] : memref<1x128xf32, #tpu.memory_space<vmem>>, vector<1x128xf32>
    %add3A_34 = vector.broadcast %get3A_33 : vector<1x128xf32> to vector<1000x128xf32>
    %add3A_35 = arith.addf %add3A_30, %add3A_34 : vector<1000x128xf32>
    %max3A_36 = arith.constant 0.000000e+00 : f32
    %max3A_37 = vector.broadcast %max3A_36 : f32 to vector<1000x128xf32>
    %max3A_38 = arith.maximumf %add3A_35, %max3A_37 : vector<1000x128xf32>
    %swap3A = arith.constant 0 : index
    %swap3A_39 = arith.constant 0 : index
    %swap3A_40 = vector.load %arg9[%swap3A, %swap3A_39] : memref<1000x128xf32, #tpu.memory_space<vmem>>, vector<1000x128xf32>
    tpu.vector_store %arg9[%swap3A, %swap3A_39], %max3A_38 {strides = array<i32>} : memref<1000x128xf32, #tpu.memory_space<vmem>>, vector<1000x128xf32>,
    return
  }
  func.func @transform_0(%arg0: i32) -> (i32, i32) {
    %c0_i32 = arith.constant 0 : i32
    %c0_i32_0 = arith.constant 0 : i32
    return %arg0, %c0_i32 : i32, i32
  }
  func.func @transform_1(%arg0: i32) -> (i32, i32) {
    %c0_i32 = arith.constant 0 : i32
    %c0_i32_0 = arith.constant 0 : i32
    return %arg0, %c0_i32 : i32, i32
  }
  func.func @transform_2(%arg0: i32) -> (i32, i32) {
    %c0_i32 = arith.constant 0 : i32
    %c0_i32_0 = arith.constant 0 : i32
    return %arg0, %c0_i32 : i32, i32
  }
  func.func @transform_3(%arg0: i32) -> (i32, i32) {
    %c0_i32 = arith.constant 0 : i32
    %c0_i32_0 = arith.constant 0 : i32
    return %arg0, %c0_i32 : i32, i32
  }
  func.func @transform_4(%arg0: i32) -> (i32, i32) {
    %c0_i32 = arith.constant 0 : i32
    %c0_i32_0 = arith.constant 0 : i32
    return %arg0, %c0_i32 : i32, i32
  }
  func.func @transform_5(%arg0: i32) -> (i32, i32) {
    %c0_i32 = arith.constant 0 : i32
    %c0_i32_0 = arith.constant 0 : i32
    %c0_i32_1 = arith.constant 0 : i32
    return %c0_i32, %c0_i32_0 : i32, i32
  }
  func.func @transform_6(%arg0: i32) -> (i32, i32) {
    %c0_i32 = arith.constant 0 : i32
    %c0_i32_0 = arith.constant 0 : i32
    %c0_i32_1 = arith.constant 0 : i32
    return %c0_i32, %c0_i32_0 : i32, i32
  }
  func.func @transform_7(%arg0: i32) -> (i32, i32) {
    %c0_i32 = arith.constant 0 : i32
    %c0_i32_0 = arith.constant 0 : i32
    %c0_i32_1 = arith.constant 0 : i32
    return %c0_i32, %c0_i32_0 : i32, i32
  }
  func.func @transform_8(%arg0: i32) -> (i32, i32) {
    %c0_i32 = arith.constant 0 : i32
    %c0_i32_0 = arith.constant 0 : i32
    return %arg0, %c0_i32 : i32, i32
  }
}

module attributes {stable_mosaic.version = 14 : i64} {
  func.func @_tc_layer2_body(%arg0: i32, %arg1: memref<1000x128xf32, #tpu.memory_space<vmem>>, %arg2: memref<1000x128xf32, #tpu.memory_space<vmem>>, %arg3: memref<1000x128xf32, #tpu.memory_space<vmem>>, %arg4: memref<1000x128xf32, #tpu.memory_space<vmem>>, %arg5: memref<1000x128xf32, #tpu.memory_space<vmem>>, %arg6: memref<1000x1xi32, #tpu.memory_space<vmem>>, %arg7: memref<128x128xf32, #tpu.memory_space<vmem>>, %arg8: memref<128x128xf32, #tpu.memory_space<vmem>>, %arg9: memref<1x128xf32, #tpu.memory_space<vmem>>, %arg10: memref<128x64xf32, #tpu.memory_space<vmem>>, %arg11: memref<1x64xf32, #tpu.memory_space<vmem>>, %arg12: memref<64x24xf32, #tpu.memory_space<vmem>>, %arg13: memref<1x24xf32, #tpu.memory_space<vmem>>, %arg14: memref<64x24xf32, #tpu.memory_space<vmem>>, %arg15: memref<64x128xf32, #tpu.memory_space<vmem>>, %arg16: memref<64x1xf32, #tpu.memory_space<vmem>>) attributes {dimension_semantics = [#tpu.dimension_semantics<arbitrary>], iteration_bounds = array<i64: 10>, scalar_prefetch = 0 : i64, scratch_operands = 2 : i64, tpu.core_type = #tpu.core_type<tc>, window_params = [{transform_indices = @transform_0, window_bounds = array<i64: 1000, 128>}, {transform_indices = @transform_1, window_bounds = array<i64: 1000, 128>}, {transform_indices = @transform_2, window_bounds = array<i64: 1000, 128>}, {transform_indices = @transform_3, window_bounds = array<i64: 1000, 128>}, {transform_indices = @transform_4, window_bounds = array<i64: 1000, 128>}, {transform_indices = @transform_5, window_bounds = array<i64: 1000, 1>}, {pipeline_mode = #tpu.pipeline_mode<synchronous>, transform_indices = @transform_6, window_bounds = array<i64: 128, 128>}, {pipeline_mode = #tpu.pipeline_mode<synchronous>, transform_indices = @transform_7, window_bounds = array<i64: 128, 128>}, {pipeline_mode = #tpu.pipeline_mode<synchronous>, transform_indices = @transform_8, window_bounds = array<i64: 1, 128>}, {pipeline_mode = #tpu.pipeline_mode<synchronous>, transform_indices = @transform_9, window_bounds = array<i64: 128, 64>}, {pipeline_mode = #tpu.pipeline_mode<synchronous>, transform_indices = @transform_10, window_bounds = array<i64: 1, 64>}, {pipeline_mode = #tpu.pipeline_mode<synchronous>, transform_indices = @transform_11, window_bounds = array<i64: 64, 24>}, {pipeline_mode = #tpu.pipeline_mode<synchronous>, transform_indices = @transform_12, window_bounds = array<i64: 1, 24>}, {pipeline_mode = #tpu.pipeline_mode<synchronous>, transform_indices = @transform_13, window_bounds = array<i64: 64, 24>}]} {
    %eq3A = arith.constant 0 : i32
    %eq3A_0 = arith.cmpi eq, %arg0, %eq3A : i32
    %convert_element_type3A = arith.extui %eq3A_0 : i1 to i32
    %cond3A = arith.constant 0 : i32
    %cond3A_1 = arith.cmpi ne, %convert_element_type3A, %cond3A : i32
    scf.if %cond3A_1 {
      %broadcast_in_dim3A = arith.constant 0.000000e+00 : f32
      %broadcast_in_dim3A_69 = vector.broadcast %broadcast_in_dim3A : f32 to vector<64x128xf32>
      %swap3A_70 = arith.constant 0 : index
      %swap3A_71 = arith.constant 0 : index
      %swap3A_72 = vector.load %arg15[%swap3A_70, %swap3A_71] : memref<64x128xf32, #tpu.memory_space<vmem>>, vector<64x128xf32>
      tpu.vector_store %arg15[%swap3A_70, %swap3A_71], %broadcast_in_dim3A_69 {strides = array<i32>} : memref<64x128xf32, #tpu.memory_space<vmem>>, vector<64x128xf32>,
      %broadcast_in_dim3A_73 = arith.constant 0.000000e+00 : f32
      %broadcast_in_dim3A_74 = vector.broadcast %broadcast_in_dim3A_73 : f32 to vector<64x1xf32>
      %swap3A_75 = arith.constant 0 : index
      %swap3A_76 = arith.constant 0 : index
      %swap3A_77 = vector.load %arg16[%swap3A_75, %swap3A_76] : memref<64x1xf32, #tpu.memory_space<vmem>>, vector<64x1xf32>
      tpu.vector_store %arg16[%swap3A_75, %swap3A_76], %broadcast_in_dim3A_74 {strides = array<i32>} : memref<64x1xf32, #tpu.memory_space<vmem>>, vector<64x1xf32>,
    } else {
    }
    %get3A = arith.constant 0 : index
    %get3A_2 = arith.constant 0 : index
    %get3A_3 = vector.load %arg2[%get3A, %get3A_2] : memref<1000x128xf32, #tpu.memory_space<vmem>>, vector<1000x128xf32>
    %get3A_4 = arith.constant 0 : index
    %get3A_5 = arith.constant 0 : index
    %get3A_6 = vector.load %arg3[%get3A_4, %get3A_5] : memref<1000x128xf32, #tpu.memory_space<vmem>>, vector<1000x128xf32>
    %add3A = arith.addf %get3A_3, %get3A_6 : vector<1000x128xf32>
    %get3A_7 = arith.constant 0 : index
    %get3A_8 = arith.constant 0 : index
    %get3A_9 = vector.load %arg4[%get3A_7, %get3A_8] : memref<1000x128xf32, #tpu.memory_space<vmem>>, vector<1000x128xf32>
    %get3A_10 = arith.constant 0 : index
    %get3A_11 = arith.constant 0 : index
    %get3A_12 = vector.load %arg5[%get3A_10, %get3A_11] : memref<1000x128xf32, #tpu.memory_space<vmem>>, vector<1000x128xf32>
    %slice3A = vector.extract_strided_slice %get3A_9 {offsets = [0, 0], sizes = [1000, 1], strides = [1, 1]} : vector<1000x128xf32> to vector<1000x1xf32>
    %slice3A_13 = vector.extract_strided_slice %get3A_12 {offsets = [0, 0], sizes = [1000, 1], strides = [1, 1]} : vector<1000x128xf32> to vector<1000x1xf32>
    %add3A_14 = arith.addf %slice3A, %slice3A_13 : vector<1000x1xf32>
    %max3A = arith.constant 1.000000e+00 : f32
    %max3A_15 = vector.broadcast %max3A : f32 to vector<1000x1xf32>
    %max3A_16 = arith.maximumf %add3A_14, %max3A_15 : vector<1000x1xf32>
    %div3A = arith.constant 1.000000e+00 : f32
    %div3A_17 = vector.broadcast %div3A : f32 to vector<1000x1xf32>
    %div3A_18 = arith.divf %div3A_17, %max3A_16 : vector<1000x1xf32>
    %mul3A = vector.broadcast %div3A_18 : vector<1000x1xf32> to vector<1000x128xf32>
    %mul3A_19 = arith.mulf %add3A, %mul3A : vector<1000x128xf32>
    %get3A_20 = arith.constant 0 : index
    %get3A_21 = arith.constant 0 : index
    %get3A_22 = vector.load %arg1[%get3A_20, %get3A_21] : memref<1000x128xf32, #tpu.memory_space<vmem>>, vector<1000x128xf32>
    %get3A_23 = arith.constant 0 : index
    %get3A_24 = arith.constant 0 : index
    %get3A_25 = vector.load %arg7[%get3A_23, %get3A_24] : memref<128x128xf32, #tpu.memory_space<vmem>>, vector<128x128xf32>
    %dot_general3A = arith.constant dense<0.000000e+00> : vector<1000x128xf32>
    %dot_general3A_26 = tpu.matmul %get3A_22, %get3A_25, %dot_general3A {dimension_numbers = #tpu.dot_dimension_numbers<[1], [0], [0], [1], [0, 0, 1, 1], [], []>, transpose_lhs_hint = false} : vector<1000x128xf32>, vector<128x128xf32>, vector<1000x128xf32> -> vector<1000x128xf32>
    %get3A_27 = arith.constant 0 : index
    %get3A_28 = arith.constant 0 : index
    %get3A_29 = vector.load %arg8[%get3A_27, %get3A_28] : memref<128x128xf32, #tpu.memory_space<vmem>>, vector<128x128xf32>
    %dot_general3A_30 = arith.constant dense<0.000000e+00> : vector<1000x128xf32>
    %dot_general3A_31 = tpu.matmul %mul3A_19, %get3A_29, %dot_general3A_30 {dimension_numbers = #tpu.dot_dimension_numbers<[1], [0], [0], [1], [0, 0, 1, 1], [], []>, transpose_lhs_hint = false} : vector<1000x128xf32>, vector<128x128xf32>, vector<1000x128xf32> -> vector<1000x128xf32>
    %add3A_32 = arith.addf %dot_general3A_26, %dot_general3A_31 : vector<1000x128xf32>
    %get3A_33 = arith.constant 0 : index
    %get3A_34 = arith.constant 0 : index
    %get3A_35 = vector.load %arg9[%get3A_33, %get3A_34] : memref<1x128xf32, #tpu.memory_space<vmem>>, vector<1x128xf32>
    %add3A_36 = vector.broadcast %get3A_35 : vector<1x128xf32> to vector<1000x128xf32>
    %add3A_37 = arith.addf %add3A_32, %add3A_36 : vector<1000x128xf32>
    %max3A_38 = arith.constant 0.000000e+00 : f32
    %max3A_39 = vector.broadcast %max3A_38 : f32 to vector<1000x128xf32>
    %max3A_40 = arith.maximumf %add3A_37, %max3A_39 : vector<1000x128xf32>
    %get3A_41 = arith.constant 0 : index
    %get3A_42 = arith.constant 0 : index
    %get3A_43 = vector.load %arg6[%get3A_41, %get3A_42] : memref<1000x1xi32, #tpu.memory_space<vmem>>, vector<1000x1xi32>
    %iota3A = tpu.iota {dimensions = array<i32: 1>} : vector<1000x64xi32>
    %eq3A_44 = vector.broadcast %get3A_43 : vector<1000x1xi32> to vector<1000x64xi32>
    %eq3A_45 = arith.cmpi eq, %eq3A_44, %iota3A : vector<1000x64xi32>
    %convert_element_type3A_46 = arith.extui %eq3A_45 : vector<1000x64xi1> to vector<1000x64xi32>
    %convert_element_type3A_47 = arith.sitofp %convert_element_type3A_46 : vector<1000x64xi32> to vector<1000x64xf32>
    %get3A_48 = arith.constant 0 : index
    %get3A_49 = arith.constant 0 : index
    %get3A_50 = vector.load %arg15[%get3A_48, %get3A_49] : memref<64x128xf32, #tpu.memory_space<vmem>>, vector<64x128xf32>
    %dot_general3A_51 = arith.constant dense<0.000000e+00> : vector<64x128xf32>
    %dot_general3A_52 = tpu.matmul %convert_element_type3A_47, %max3A_40, %dot_general3A_51 {dimension_numbers = #tpu.dot_dimension_numbers<[0], [0], [1], [1], [0, 1, 1, 1], [], []>, transpose_lhs_hint = false} : vector<1000x64xf32>, vector<1000x128xf32>, vector<64x128xf32> -> vector<64x128xf32>
    %add3A_53 = arith.addf %get3A_50, %dot_general3A_52 : vector<64x128xf32>
    %swap3A = arith.constant 0 : index
    %swap3A_54 = arith.constant 0 : index
    %swap3A_55 = vector.load %arg15[%swap3A, %swap3A_54] : memref<64x128xf32, #tpu.memory_space<vmem>>, vector<64x128xf32>
    tpu.vector_store %arg15[%swap3A, %swap3A_54], %add3A_53 {strides = array<i32>} : memref<64x128xf32, #tpu.memory_space<vmem>>, vector<64x128xf32>,
    %get3A_56 = arith.constant 0 : index
    %get3A_57 = arith.constant 0 : index
    %get3A_58 = vector.load %arg16[%get3A_56, %get3A_57] : memref<64x1xf32, #tpu.memory_space<vmem>>, vector<64x1xf32>
    %reduce_sum3A = arith.constant dense<0.000000e+00> : vector<64xf32>
    %reduce_sum3A_59 = vector.multi_reduction <add>, %convert_element_type3A_47, %reduce_sum3A [0] : vector<1000x64xf32> to vector<64xf32>
    %reshape3A = vector.shape_cast %reduce_sum3A_59 : vector<64xf32> to vector<64x1xf32>
    %add3A_60 = arith.addf %get3A_58, %reshape3A : vector<64x1xf32>
    %swap3A_61 = arith.constant 0 : index
    %swap3A_62 = arith.constant 0 : index
    %swap3A_63 = vector.load %arg16[%swap3A_61, %swap3A_62] : memref<64x1xf32, #tpu.memory_space<vmem>>, vector<64x1xf32>
    tpu.vector_store %arg16[%swap3A_61, %swap3A_62], %add3A_60 {strides = array<i32>} : memref<64x1xf32, #tpu.memory_space<vmem>>, vector<64x1xf32>,
    %eq3A_64 = arith.constant 9 : i32
    %eq3A_65 = arith.cmpi eq, %arg0, %eq3A_64 : i32
    %convert_element_type3A_66 = arith.extui %eq3A_65 : i1 to i32
    %cond3A_67 = arith.constant 0 : i32
    %cond3A_68 = arith.cmpi ne, %convert_element_type3A_66, %cond3A_67 : i32
    scf.if %cond3A_68 {
      %get3A_69 = arith.constant 0 : index
      %get3A_70 = arith.constant 0 : index
      %get3A_71 = vector.load %arg15[%get3A_69, %get3A_70] : memref<64x128xf32, #tpu.memory_space<vmem>>, vector<64x128xf32>
      %get3A_72 = arith.constant 0 : index
      %get3A_73 = arith.constant 0 : index
      %get3A_74 = vector.load %arg16[%get3A_72, %get3A_73] : memref<64x1xf32, #tpu.memory_space<vmem>>, vector<64x1xf32>
      %max3A_75 = arith.constant 1.000000e+00 : f32
      %max3A_76 = vector.broadcast %max3A_75 : f32 to vector<64x1xf32>
      %max3A_77 = arith.maximumf %get3A_74, %max3A_76 : vector<64x1xf32>
      %div3A_78 = vector.broadcast %max3A_77 : vector<64x1xf32> to vector<64x128xf32>
      %div3A_79 = arith.divf %get3A_71, %div3A_78 : vector<64x128xf32>
      %get3A_80 = arith.constant 0 : index
      %get3A_81 = arith.constant 0 : index
      %get3A_82 = vector.load %arg10[%get3A_80, %get3A_81] : memref<128x64xf32, #tpu.memory_space<vmem>>, vector<128x64xf32>
      %dot_general3A_83 = arith.constant dense<0.000000e+00> : vector<64x64xf32>
      %dot_general3A_84 = tpu.matmul %div3A_79, %get3A_82, %dot_general3A_83 {dimension_numbers = #tpu.dot_dimension_numbers<[1], [0], [0], [1], [0, 0, 1, 1], [], []>, transpose_lhs_hint = false} : vector<64x128xf32>, vector<128x64xf32>, vector<64x64xf32> -> vector<64x64xf32>
      %get3A_85 = arith.constant 0 : index
      %get3A_86 = arith.constant 0 : index
      %get3A_87 = vector.load %arg11[%get3A_85, %get3A_86] : memref<1x64xf32, #tpu.memory_space<vmem>>, vector<1x64xf32>
      %add3A_88 = vector.broadcast %get3A_87 : vector<1x64xf32> to vector<64x64xf32>
      %add3A_89 = arith.addf %dot_general3A_84, %add3A_88 : vector<64x64xf32>
      %max3A_90 = arith.constant 0.000000e+00 : f32
      %max3A_91 = vector.broadcast %max3A_90 : f32 to vector<64x64xf32>
      %max3A_92 = arith.maximumf %add3A_89, %max3A_91 : vector<64x64xf32>
      %get3A_93 = arith.constant 0 : index
      %get3A_94 = arith.constant 0 : index
      %get3A_95 = vector.load %arg12[%get3A_93, %get3A_94] : memref<64x24xf32, #tpu.memory_space<vmem>>, vector<64x24xf32>
      %dot_general3A_96 = arith.constant dense<0.000000e+00> : vector<64x24xf32>
      %dot_general3A_97 = tpu.matmul %max3A_92, %get3A_95, %dot_general3A_96 {dimension_numbers = #tpu.dot_dimension_numbers<[1], [0], [0], [1], [0, 0, 1, 1], [], []>, transpose_lhs_hint = false} : vector<64x64xf32>, vector<64x24xf32>, vector<64x24xf32> -> vector<64x24xf32>
      %get3A_98 = arith.constant 0 : index
      %get3A_99 = arith.constant 0 : index
      %get3A_100 = vector.load %arg13[%get3A_98, %get3A_99] : memref<1x24xf32, #tpu.memory_space<vmem>>, vector<1x24xf32>
      %add3A_101 = vector.broadcast %get3A_100 : vector<1x24xf32> to vector<64x24xf32>
      %add3A_102 = arith.addf %dot_general3A_97, %add3A_101 : vector<64x24xf32>
      %swap3A_103 = arith.constant 0 : index
      %swap3A_104 = arith.constant 0 : index
      %swap3A_105 = vector.load %arg14[%swap3A_103, %swap3A_104] : memref<64x24xf32, #tpu.memory_space<vmem>>, vector<64x24xf32>
      tpu.vector_store %arg14[%swap3A_103, %swap3A_104], %add3A_102 {strides = array<i32>} : memref<64x24xf32, #tpu.memory_space<vmem>>, vector<64x24xf32>,
    } else {
    }
    return
  }
  func.func @transform_0(%arg0: i32) -> (i32, i32) {
    %c0_i32 = arith.constant 0 : i32
    %c0_i32_0 = arith.constant 0 : i32
    return %arg0, %c0_i32 : i32, i32
  }
  func.func @transform_1(%arg0: i32) -> (i32, i32) {
    %c0_i32 = arith.constant 0 : i32
    %c0_i32_0 = arith.constant 0 : i32
    return %arg0, %c0_i32 : i32, i32
  }
  func.func @transform_2(%arg0: i32) -> (i32, i32) {
    %c0_i32 = arith.constant 0 : i32
    %c0_i32_0 = arith.constant 0 : i32
    return %arg0, %c0_i32 : i32, i32
  }
  func.func @transform_3(%arg0: i32) -> (i32, i32) {
    %c0_i32 = arith.constant 0 : i32
    %c0_i32_0 = arith.constant 0 : i32
    return %arg0, %c0_i32 : i32, i32
  }
  func.func @transform_4(%arg0: i32) -> (i32, i32) {
    %c0_i32 = arith.constant 0 : i32
    %c0_i32_0 = arith.constant 0 : i32
    return %arg0, %c0_i32 : i32, i32
  }
  func.func @transform_5(%arg0: i32) -> (i32, i32) {
    %c0_i32 = arith.constant 0 : i32
    %c0_i32_0 = arith.constant 0 : i32
    return %arg0, %c0_i32 : i32, i32
  }
  func.func @transform_6(%arg0: i32) -> (i32, i32) {
    %c0_i32 = arith.constant 0 : i32
    %c0_i32_0 = arith.constant 0 : i32
    %c0_i32_1 = arith.constant 0 : i32
    return %c0_i32, %c0_i32_0 : i32, i32
  }
  func.func @transform_7(%arg0: i32) -> (i32, i32) {
    %c0_i32 = arith.constant 0 : i32
    %c0_i32_0 = arith.constant 0 : i32
    %c0_i32_1 = arith.constant 0 : i32
    return %c0_i32, %c0_i32_0 : i32, i32
  }
  func.func @transform_8(%arg0: i32) -> (i32, i32) {
    %c0_i32 = arith.constant 0 : i32
    %c0_i32_0 = arith.constant 0 : i32
    %c0_i32_1 = arith.constant 0 : i32
    return %c0_i32, %c0_i32_0 : i32, i32
  }
  func.func @transform_9(%arg0: i32) -> (i32, i32) {
    %c0_i32 = arith.constant 0 : i32
    %c0_i32_0 = arith.constant 0 : i32
    %c0_i32_1 = arith.constant 0 : i32
    return %c0_i32, %c0_i32_0 : i32, i32
  }
  func.func @transform_10(%arg0: i32) -> (i32, i32) {
    %c0_i32 = arith.constant 0 : i32
    %c0_i32_0 = arith.constant 0 : i32
    %c0_i32_1 = arith.constant 0 : i32
    return %c0_i32, %c0_i32_0 : i32, i32
  }
  func.func @transform_11(%arg0: i32) -> (i32, i32) {
    %c0_i32 = arith.constant 0 : i32
    %c0_i32_0 = arith.constant 0 : i32
    %c0_i32_1 = arith.constant 0 : i32
    return %c0_i32, %c0_i32_0 : i32, i32
  }
  func.func @transform_12(%arg0: i32) -> (i32, i32) {
    %c0_i32 = arith.constant 0 : i32
    %c0_i32_0 = arith.constant 0 : i32
    %c0_i32_1 = arith.constant 0 : i32
    return %c0_i32, %c0_i32_0 : i32, i32
  }
  func.func @transform_13(%arg0: i32) -> (i32, i32) {
    %c0_i32 = arith.constant 0 : i32
    %c0_i32_0 = arith.constant 0 : i32
    %c0_i32_1 = arith.constant 0 : i32
    return %c0_i32, %c0_i32_0 : i32, i32
  }
}

</mosaic_0001>

<sc_bundles>
// kernel: kernel.10.cloned.1.call-start
scs
__scs_entry_jumppad:
0x0: {  	(pc) =	sbr.rel $0x88, $3  }
0x1: {  	(tag) =	ssettag $0x0;
	lr =	simm.s32 $0x1  }
0x2: {  	[smem:$0x3F94] =	sst lr;
	_ =	strace $0xD0000000  }
0x3: {  	_ = 	snop  }
0x4: {  	_ = 	snop  }
0x5: {  	_ = 	snop  }
0x6: {  	_ = 	snop  }
0x7: {  	_ = 	snop  }
__scs_overlays_trampoline_lowered:
0x8: {  	[smem:$0x3FA3] =	sst s0  }
0x9: {  	[smem:$0x3FA4] =	sst s1  }
0xa: {  	[smem:$0x3FA5] =	sst s2  }
0xb: {  	[smem:$0x3FA6] =	sst s3  }
0xc: {  	[smem:$0x3FA7] =	sst s4  }
0xd: {  	[smem:$0x3FA8] =	sst s5  }
0xe: {  	[smem:$0x3FA9] =	sst s6  }
0xf: {  	[smem:$0x3FAA] =	sst s7  }
0x10: {  	[smem:$0x3FAB] =	sst s8  }
0x11: {  	[smem:$0x3FAC] =	sst s9;
	s0 =	simm.s32 @!p0 $0x0  }
0x12: {  	s1 =	sld [smem:$0x3F92];
	s0 =	simm.s32 @p0 $0x1  }
0x13: {  	[smem:$0x3FAD] =	sst s0;
	s0 =	simm.s32 @!p1 $0x0  }
0x14: {  	s2 =	sld [smem:$0x3F91];
	s0 =	simm.s32 @p1 $0x1  }
0x15: {  	[smem:$0x3FAE] =	sst s0;
	s0 =	simm.s32 @!p2 $0x0  }
0x16: {  	s3 =	sld [smem:$0x3FDB];
	s0 =	simm.s32 @p2 $0x1  }
0x17: {  	s4 =	simm.s32 $0x1BF5;
	[smem:$0x3FB0] =	sst s0  }
0x18: {  	s0 =	sld [smem:$0x3F93];
	_ =	swait.ge [sflag:s4], $0x0  }
0x19: {  	s7 =	sld [smem:$0x3F94]  }
0x1a: {  	s8 =	sadd.s32 $0xFFFFE003, lr  }
0x1b: {  	s9 =	sadd.s32 $0xFFFFFEF7, lr;
	s5 =	simm.s32 $0xFFFFFFFF;
	p2 =	slt.u32 s8, $0xFFFFF086  }
0x1c: {  	p1 =	slt.u32 s9, $0xF7A;
	s5 =	simm.s32 @!p2 $0x0  }
0x1d: {  	s5 =	simm.s32 @p1 $0x1;
	p0 =	seq.s32 s7, s2  }
0x1e: {  	s7 =	smul.u32 @!p0 $0xF7A, s2;
	p2 =	seq.s32 @!p0 s5, $0x0  }
0x1f: {  	s9 =	smul.u32 $0xF7A, s1;
	s8 =	simm.s32 @!p0 $0x1BF5;
	p2 =	por !p2, p0  }
0x20: {  	[sflag:s8] =	ssyncset.s32 @!p0 $0xFFFFF086;
	s6 =	sadd.s32 @!p0 s3, s7;
	s7 =	simm.s32 @!p0 $0x108  }
0x21: {  	s3 =	sadd.s32 s3, s9;
	s6 =	sadd.s32 @!p0 $0x88, s6;
	s7 =	simm.s32 @p2 $0x1082  }
0x22: {  	[simem:s7], [sflag:s8] =	dma.local @!p0 [hbm:s6], $0xF7A  }
0x23: {  	s9 =	sor.u32 $0xD0000000, s2;
	s6 =	simm.s32 $0x108;
	_ =	swait.ge @!p0 [sflag:s8], $0x0  }
0x24: {  	s3 =	sadd.s32 $0x88, s3;
	s6 =	simm.s32 @!p1 $0x1082;
	[sflag:s4] =	ssyncset.s32 $0xFFFFF086  }
0x25: {  	[simem:s6], [sflag:s4] =	dma.local [hbm:s3], $0xF7A  }
0x26: {  	[smem:$0x3F94] =	sst s1;
	(tag) =	ssettag s2;
	_ =	strace s9  }
0x27: {  	s1 =	sld [smem:$0x3FA4]  }
0x28: {  	s2 =	sld [smem:$0x3FA5]  }
0x29: {  	s4 =	sld [smem:$0x3FA7]  }
0x2a: {  	p0 =	seq.s32 s5, $0x0;
	s5 =	sld [smem:$0x3FA8]  }
0x2b: {  	s6 =	sld [smem:$0x3FA9]  }
0x2c: {  	s7 =	sld [smem:$0x3FAA]  }
0x2d: {  	s3 =	simm.s32 $0x108;
	s8 =	sld [smem:$0x3FAB]  }
0x2e: {  	s3 =	simm.s32 @!p0 $0x1082;
	s9 =	sld [smem:$0x3FAC]  }
0x2f: {  	lr =	sadd.s32 s0, s3;
	s0 =	sld [smem:$0x3FA3]  }
0x30: {  	s3 =	sld [smem:$0x3FA6]  }
0x31: {  	[smem:$0x3FAF] =	sst s10  }
0x32: {  	s10 =	sld [smem:$0x3FAD];
	_ =	sdelay $0x3  }
0x33: {  	p0 =	seq.s32 s10, $0x1;
	s10 =	sld [smem:$0x3FAF];
	_ =	sdelay $0x3  }
0x34: {  	[smem:$0x3FAF] =	sst s10  }
0x35: {  	s10 =	sld [smem:$0x3FAE];
	_ =	sdelay $0x3  }
0x36: {  	p1 =	seq.s32 s10, $0x1;
	s10 =	sld [smem:$0x3FAF];
	_ =	sdelay $0x3  }
0x37: {  	[smem:$0x3FAF] =	sst s10  }
0x38: {  	s10 =	sld [smem:$0x3FB0]  }
0x39: {  	_ = 	snop;
	(pc) =	sbr.ind lr, $3  }
0x3a: {  	_ = 	snop  }
0x3b: {  	_ = 	snop  }
0x3c: {  	p2 =	seq.s32 s10, $0x1;
	s10 =	sld [smem:$0x3FAF]  }
0x3d: {  	_ =	shalt  }
0x3e: {  	_ =	shalt  }
0x3f: {  	_ =	shalt  }
0x40: {  	_ =	shalt  }
0x41: {  	_ =	shalt  }
0x42: {  	_ =	shalt  }
0x43: {  	_ =	shalt  }
0x44: {  	_ =	shalt  }
0x45: {  	_ =	shalt  }
0x46: {  	_ =	shalt  }
0x47: {  	_ =	shalt  }
0x48: {  	_ =	shalt  }
0x49: {  	_ =	shalt  }
0x4a: {  	_ =	shalt  }
0x4b: {  	_ =	shalt  }
0x4c: {  	_ =	shalt  }
0x4d: {  	_ =	shalt  }
0x4e: {  	_ =	shalt  }
0x4f: {  	_ =	shalt  }
0x50: {  	_ =	shalt  }
0x51: {  	_ =	shalt  }
0x52: {  	_ =	shalt  }
0x53: {  	_ =	shalt  }
0x54: {  	_ =	shalt  }
0x55: {  	_ =	shalt  }
0x56: {  	_ =	shalt  }
0x57: {  	_ =	shalt  }
0x58: {  	_ =	shalt  }
0x59: {  	_ =	shalt  }
0x5a: {  	_ =	shalt  }
0x5b: {  	_ =	shalt  }
0x5c: {  	_ =	shalt  }
0x5d: {  	_ =	shalt  }
0x5e: {  	_ =	shalt  }
0x5f: {  	_ =	shalt  }
0x60: {  	_ =	shalt  }
0x61: {  	_ =	shalt  }
0x62: {  	_ =	shalt  }
0x63: {  	_ =	shalt  }
0x64: {  	_ =	shalt  }
0x65: {  	_ =	shalt  }
0x66: {  	_ =	shalt  }
0x67: {  	_ =	shalt  }
0x68: {  	_ =	shalt  }
0x69: {  	_ =	shalt  }
0x6a: {  	_ =	shalt  }
0x6b: {  	_ =	shalt  }
0x6c: {  	_ =	shalt  }
0x6d: {  	_ =	shalt  }
0x6e: {  	_ =	shalt  }
0x6f: {  	_ =	shalt  }
0x70: {  	_ =	shalt  }
0x71: {  	_ =	shalt  }
0x72: {  	_ =	shalt  }
0x73: {  	_ =	shalt  }
0x74: {  	_ =	shalt  }
0x75: {  	_ =	shalt  }
0x76: {  	_ =	shalt  }
0x77: {  	_ =	shalt  }
0x78: {  	_ =	shalt  }
0x79: {  	_ =	shalt  }
0x7a: {  	_ =	shalt  }
0x7b: {  	_ =	shalt  }
0x7c: {  	_ =	shalt  }
0x7d: {  	_ =	shalt  }
0x7e: {  	_ =	shalt  }
0x7f: {  	_ =	shalt  }
0x80: {  	_ =	shalt  }
0x81: {  	_ =	shalt  }
0x82: {  	_ =	shalt  }
0x83: {  	_ =	shalt  }
0x84: {  	_ =	shalt  }
0x85: {  	_ =	shalt  }
0x86: {  	_ =	shalt  }
0x87: {  	_ =	shalt  }
.Lfunc_end0:
.L_simem_size_0:
called_computation.1_lowered:
.L_overlay_start_0:
0x88: {  	s2 =	sld [smem:$0x3FD9]  }
0x89: {  	s3 =	sld [smem:$0x3FFE];
	_ =	sdelay $0x1  }
0x8a: {  	s1 =	srdreg.scid  }
0x8b: {  	s0 =	sand.u32 $0x1, s1  }
0x8c: {  	s17 =	sshll.u32 s0, $0xA;
	s2 =	sadd.s32 s3, s2  }
0x8d: {  	s2 =	sadd.s32 s2, s17  }
0x8e: {  	[smem:$0x3FBB] =	sst s2  }
0x8f: {  	_ = 	snop  }
0x90: {  	s2 =	sld [smem:$0x3FC9];
	(tm) =	ssettm $0x1  }
0x91: {  	s18 =	sld [smem:$0x3FFB];
	_ =	sdelay $0x3  }
0x92: {  	_ =	strace s18  }
0x93: {  	s3 =	sld [smem:$0x3FFC];
	_ =	sdelay $0x3  }
0x94: {  	_ =	strace s3  }
0x95: {  	s3 =	sld [smem:$0x3FFD];
	_ =	sdelay $0x3  }
0x96: {  	_ =	strace s3  }
0x97: {  	_ =	strace $0x8FFFFFFF  }
0x98: {  	s19 =	sld [smem:$0x3FDB];
	_ =	sdelay $0x1  }
0x99: {  	s4 =	simm.s32 $_scs_section_size  }
0x9a: {  	s5 =	simm.s32 $_size__tile_overlayer_lowered;
	s6 =	simm.s32 $_tile_overlayer_lowered  }
0x9b: {  	s22 =	simm.s32 $0x1BFF;
	s21 =	sshll.u32 s6, $0x1;
	s3 =	sadd.s32 s4, s19  }
0x9c: {  	s7 =	simm.s32 $0x0;
	s20 =	sshll.u32 s5, $0x1;
	s5 =	sadd.s32 s21, s3  }
0x9d: {  	[timem:s7], [sflag:s22] =	dma.local [hbm:s5], s20  }
0x9e: {  	_ =	swait.ge [sflag:s22], s20  }
0x9f: {  	s4 =	ssub.s32 $0x0, s20;
	[sflag:s22] =	ssyncset.done $0x0  }
0xa0: {  	[sflag:s22] =	ssyncadd.s32 s4;
	_ =	sdelay $0x1  }
0xa1: {  	s23 =	simm.s32 $0x1B8B  }
0xa2: {  	_ =	swait.ge [sflag:s23], $0x1  }
0xa3: {  	[sflag:s23] =	ssyncset.done $0x0  }
0xa4: {  	s25 =	simm.s32 $0x1B8E;
	s24 =	sld [smem:$0x3FFE];
	[sflag:s23] =	ssyncadd.s32 $0xFFFFFFFF  }
0xa5: {  	s26 =	simm.s32 $execute0_lowered;
	[smem:$0x3FD2] =	sst s25  }
0xa6: {  	s5 =	sshll.u32 s26, $0x1;
	_ =	strace $0x80000046;
	[dreg:$0x1] =	wrdreg $0xFFFFFFFF  }
0xa7: {  	s28 =	simm.s32 $_size_execute0_lowered;
	s3 =	sadd.s32 s3, s5;
	[dreg:$0x0] =	wrdreg $0x0  }
0xa8: {  	s5 =	sshll.u32 s28, $0x1;
	[dreg:$0x2] =	wrdreg s3  }
0xa9: {  	[dreg:$0x3] =	wrdreg s5  }
0xaa: {  	[dreg:$0x4] =	wrdreg $0xC0  }
0xab: {  	_ =	task [dreg:s7], $0x5FFFF  }
0xac: {  	[dreg:$0x1] =	wrdreg $0xFFFFFFFF  }
0xad: {  	[dreg:$0x0] =	wrdreg $0x60  }
0xae: {  	[dreg:$0x2] =	wrdreg s2  }
0xaf: {  	[dreg:$0x3] =	wrdreg s24  }
0xb0: {  	[dreg:$0x4] =	wrdreg $0xBC000  }
0xb1: {  	[dreg:$0x5] =	wrdreg $0xA  }
0xb2: {  	_ =	task.clear_ibuf [dreg:s7], $0x6FFFF;
	_ =	strace $0x90000046  }
0xb3: {  	s29 =	simm.s32 $0xA;
	_ =	strace $0x80000048  }
0xb4: {  	_ =	swait.ge [sflag:s29], $0x1  }
0xb5: {  	[sflag:s29] =	ssyncadd.s32 $0xFFFFFFFF  }
0xb6: {  	_ =	strace $0x90000048  }
0xb7: {  	_ =	sfence  }
0xb8: {  	s30 =	sld [smem:$0x0];
	_ =	sdelay $0x2  }
0xb9: {  	s31 =	sshll.u32 s1, $0xD;
	s1 =	sshrl.u32 s1, $0x2  }
0xba: {  	s3 =	sand.u32 $0x4000, s31;
	s1 =	sadd.s32 s1, s30  }
0xbb: {  	s0 =	sor.u32 s3, s0;
	s1 =	sshll.u32 s1, $0x11  }
0xbc: {  	s0 =	sor.u32 s1, s0  }
0xbd: {  	s0 =	sadd.s32 $0x8F2B, s0  }
0xbe: {  	[sflag:s0] =	ssyncadd.remote.s32 $0x1  }
0xbf: {  	_ =	sfence.sel $0xFFFF  }
0xc0: {  	[dreg:$0x0] =	wrdreg $0xFFFFFFFF;
	(pc) =	sbr.abs _section_cstart, $3  }
0xc1: {  	[dreg:$0x1] =	wrdreg $0xFFFFFFFF  }
0xc2: {  	_ =	task.clear_ibuf [dreg:s7], $0x2FFFF;
	_ =	strace $0x9FFFFFFF  }
0xc3: {  	(tm) =	ssettm $0x7FFFFFFF  }
tec
execute0_lowered:
.L_overlay_start_1:
0x0: {  	(tag) =	ssettag $0x1  }
0x1: {  	s1 =	rddreg [dreg:$0x0]  }
0x2: {  	s0 =	rddreg [dreg:$0x1]  }
0x3: {  	s2 =	rddreg [dreg:$0x2];
	s3 =	srdreg.scid;
	s4 =	simm.s32 $0x0  }
0x4: {  	s14 =	stileid.u32;
	s17 =	simm.s32 $0x7;
	s18 =	simm.s32 $0x9C00  }
0x5: {  	s19 =	simm.s32 $0x64;
	s20 =	simm.s32 $0x9C80;
	s21 =	simm.s32 $0x3400  }
0x6: {  	s22 =	simm.s32 $0x3;
	s23 =	simm.s32 $0x5;
	s28 =	simm.s32 $0x1  }
0x7: {  	s29 =	simm.s32 $0x0;
	s30 =	simm.s32 $0x0;
	s8 =	smul.u32 $0x13C00, s14  }
0x8: {  	s3 =	sand.u32 $0x1, s3;
	[smem:$0x7FF] =	sst s4;
	s9 =	smul.u32 $0x4E200, s14  }
0x9: {  	s5 =	sadd.s32 $0x5000, s0;
	s6 =	sadd.s32 $0x15000, s0;
	s31 =	sshll.u32 s14, $0xB  }
0xa: {  	s7 =	smul.u32 $0x13C000, s3;
	_ =	strace $0x80000047;
	s24 =	ssub.s32 $0x2, s3  }
0xb: {  	s3 =	sshll.u32 s3, $0xF;
	s9 =	sshrl.u32 s9, $0x2;
	s10 =	sshrl.u32 s24, $0x1  }
0xc: {  	s14 =	sor.u32 s31, s3;
	s7 =	sadd.s32 s8, s7;
	s8 =	ssub.s32 s24, s10  }
0xd: {  	s24 =	simm.s32 $0x6800;
	s7 =	sshrl.u32 s7, $0x3;
	s16 =	smax.u32 s8, $0x1  }
.Ltmp0:
0xe: {  	s0 =	sadd.s32 s7, s0;
	s7 =	sadd.s32 s9, s2;
	(pc) =	sbr.rel .LBB2_1-.Ltmp0, $4  }
0xf: {  	s9 =	sadd.s32 $0x3200, s7;
	s25 =	sadd.s32 $0x6400, s7;
	s26 =	sadd.s32 $0x9600, s7  }
0x10: {  	s11 =	sadd.s32 $0xC800, s7;
	s12 =	sadd.s32 $0xFA00, s7;
	[dreg:$0x4] =	wrdreg s9  }
0x11: {  	s13 =	sadd.s32 $0x12C00, s7;
	s15 =	sadd.s32 $0x25000, s0;
	[dreg:$0x5] =	wrdreg s25  }
0x12: {  	v0 =	vimm.f32 $0.0e+00;
	[dreg:$0x6] =	wrdreg s26;
	s25 =	simm.s32 $0x4;
	s26 =	simm.s32 $0x2  }
.LBB2_12:
0x13: {  	s0 =	stileid.u32;
	s29 =	sadd.s32 $0x1, s29  }
0x14: {  	[bflag:$0x0] =	sbarrier.arrive $0xFFFF;
	s0 =	sshll.u32 s0, $0x6;
	p0 =	sne.s32 s29, s16  }
.Ltmp1:
0x15: {  	s3 =	sshrl.u32 s7, $0x3;
	s0 =	sor.u32 $0x1C07, s0;
	(pc) =	sbr.rel @!p0 .LBB2_13-.Ltmp1, $4  }
0x16: {  	[hbm:s15], [sflag:s0] =	dma.local [spmem:s3], $0x2710  }
0x17: {  	_ =	swait.ge [sflag:s17], $0x2710  }
0x18: {  	[sflag:s17] =	ssyncset.done $0x0  }
0x19: {  	[sflag:s17] =	ssyncadd.s32 $0xFFFFD8F0  }
.LBB2_1:
0x1a: {  	s0 =	simm.s32 $0x70;
	s3 =	simm.s32 $0x3C0  }
.LBB2_2:
0x1b: {  	p0 =	sne.s32 s3, $0xC7C0;
	[tilespmem:s0+$0x0] =	vst v0  }
0x1c: {  	[tilespmem:s0+$0xFFFFFF90] =	vst v0  }
0x1d: {  	[tilespmem:s0+$0xFFFFFFA0] =	vst v0  }
.Ltmp2:
0x1e: {  	[tilespmem:s0+$0xFFFFFFB0] =	vst v0;
	(pc) =	sbr.rel @p0 .LBB2_2-.Ltmp2, $4  }
0x1f: {  	[tilespmem:s0+$0xFFFFFFC0] =	vst v0  }
0x20: {  	[tilespmem:s0+$0xFFFFFFD0] =	vst v0  }
0x21: {  	[tilespmem:s0+$0xFFFFFFE0] =	vst v0  }
0x22: {  	[tilespmem:s0+$0xFFFFFFF0] =	vst v0;
	s0 =	sshra.s32 s3, $0x2;
	s3 =	sadd.s32 $0x200, s3  }
0x23: {  	[tilespmem:s0+$0x0] =	vst v0  }
0x24: {  	[tilespmem:s0+$0xFFFFFF90] =	vst v0  }
0x25: {  	[tilespmem:s0+$0xFFFFFFA0] =	vst v0  }
0x26: {  	[tilespmem:s0+$0xFFFFFFB0] =	vst v0  }
0x27: {  	[tilespmem:s0+$0xFFFFFFC0] =	vst v0  }
0x28: {  	[tilespmem:s0+$0xFFFFFFD0] =	vst v0  }
0x29: {  	[tilespmem:s0+$0xFFFFFFE0] =	vst v0  }
0x2a: {  	[tilespmem:s0+$0xFFFFFFF0] =	vst v0  }
0x2b: {  	[spmem:s7] =	stream.linear.scatter [tilespmem:s30], [sflag:$0x7], $0x3200, $0x38;
	[tilespmem:$0x1F480] =	vst v63  }
0x2c: {  	_ =	swait.ge [sflag:s17], $0x3200  }
0x2d: {  	[sflag:s17] =	ssyncset.done $0x0  }
0x2e: {  	s8 =	rddreg [dreg:$0x4];
	[sflag:s17] =	ssyncadd.s32 $0xFFFFCE00  }
0x2f: {  	[spmem:s8] =	stream.linear.scatter [tilespmem:s30], [sflag:$0x7], $0x3200, $0x38;
	[tilespmem:$0x1F480] =	vst v63  }
0x30: {  	_ =	swait.ge [sflag:s17], $0x3200  }
0x31: {  	[sflag:s17] =	ssyncset.done $0x0  }
0x32: {  	s9 =	rddreg [dreg:$0x5];
	[sflag:s17] =	ssyncadd.s32 $0xFFFFCE00  }
0x33: {  	[spmem:s9] =	stream.linear.scatter [tilespmem:s30], [sflag:$0x7], $0x3200, $0x38;
	[tilespmem:$0x1F480] =	vst v63  }
0x34: {  	_ =	swait.ge [sflag:s17], $0x3200  }
0x35: {  	[sflag:s17] =	ssyncset.done $0x0  }
0x36: {  	s10 =	rddreg [dreg:$0x6];
	[sflag:s17] =	ssyncadd.s32 $0xFFFFCE00  }
0x37: {  	[spmem:s10] =	stream.linear.scatter [tilespmem:s30], [sflag:$0x7], $0x3200, $0x38;
	[tilespmem:$0x1F480] =	vst v63  }
0x38: {  	_ =	swait.ge [sflag:s17], $0x3200  }
0x39: {  	[sflag:s17] =	ssyncset.done $0x0  }
0x3a: {  	[sflag:s17] =	ssyncadd.s32 $0xFFFFCE00  }
0x3b: {  	[spmem:s11] =	stream.linear.scatter [tilespmem:s30], [sflag:$0x7], $0x3200, $0x38;
	[tilespmem:$0x1F480] =	vst v63  }
0x3c: {  	_ =	swait.ge [sflag:s17], $0x3200  }
0x3d: {  	[sflag:s17] =	ssyncset.done $0x0  }
0x3e: {  	[sflag:s17] =	ssyncadd.s32 $0xFFFFCE00  }
0x3f: {  	[spmem:s12] =	stream.linear.scatter [tilespmem:s30], [sflag:$0x7], $0x3200, $0x38;
	[tilespmem:$0x1F480] =	vst v63  }
0x40: {  	_ =	swait.ge [sflag:s17], $0x3200  }
0x41: {  	[sflag:s17] =	ssyncset.done $0x0  }
0x42: {  	[sflag:s17] =	ssyncadd.s32 $0xFFFFCE00  }
0x43: {  	[spmem:s13] =	stream.linear.scatter [tilespmem:s30], [sflag:$0x7], $0xC80, $0x38;
	[tilespmem:$0x1F480] =	vst v63  }
.Ltmp3:
0x44: {  	_ =	swait.ge [sflag:s17], $0xC80;
	(pc) =	sbr.rel .LBB2_4-.Ltmp3, $4  }
0x45: {  	[sflag:s17] =	ssyncset.done $0x0  }
0x46: {  	[sflag:s17] =	ssyncadd.s32 $0xFFFFF380  }
0x47: {  	[bflag:$0x0] =	sbarrier.arrive $0xFFFF  }
0x48: {  	s31 =	simm.s32 $0x0  }
.LBB2_11:
0x49: {  	s31 =	sadd.s32 $0x1, s31  }
0x4a: {  	p0 =	sne.s32 s31, $0x4  }
.Ltmp4:
0x4b: {  	_ = 	snop;
	(pc) =	sbr.rel @!p0 .LBB2_12-.Ltmp4, $4  }
0x4c: {  	_ = 	snop  }
0x4d: {  	_ =	swait.ge [sflag:s25], $0x3200  }
0x4e: {  	[sflag:s25] =	ssyncset.done $0x0  }
0x4f: {  	[sflag:s25] =	ssyncadd.s32 $0xFFFFCE00  }
.LBB2_4:
0x50: {  	s0 =	sshll.u32 s31, $0x9  }
0x51: {  	s0 =	sadd.s32 s14, s0  }
0x52: {  	s3 =	sadd.s32 s5, s0  }
0x53: {  	[tilespmem:s18], [sflag:$0x7] =	stream.linear.gather [hbm4b:s3+s30], $0xC80, $0x38;
	[tilespmem:$0x1F480] =	vst v63  }
0x54: {  	_ =	swait.ge [sflag:s17], $0xC80  }
0x55: {  	[sflag:s17] =	ssyncset.done $0x0  }
0x56: {  	s10 =	sadd.s32 s6, s0;
	s0 =	simm.s32 $0xAC00;
	[sflag:s17] =	ssyncadd.s32 $0xFFFFF380  }
0x57: {  	[tilespmem:s0], [sflag:$0x7] =	stream.linear.gather [hbm4b:s10+s30], $0xC80, $0x38;
	[tilespmem:$0x1F480] =	vst v63  }
0x58: {  	_ =	swait.ge [sflag:s17], $0xC80  }
.Ltmp5:
0x59: {  	[sflag:s17] =	ssyncset.done $0x0;
	(pc) =	sbr.rel .LBB2_5-.Ltmp5, $4  }
0x5a: {  	[sflag:s17] =	ssyncadd.s32 $0xFFFFF380  }
0x5b: {  	[tilespmem:s30], [sflag:$0x1] =	stream.indirect.gather [hbm4b:s1+s19], $0x80, s18, s19, $0xb8;
	[tilespmem:$0x1F480] =	vst v63  }
0x5c: {  	s8 =	simm.s32 $0x0;
	s3 =	simm.s32 $0x9D00  }
0x5d: {  	[tilespmem:s21], [sflag:$0x2] =	stream.indirect.gather [hbm4b:s1+s19], $0x80, s20, s19, $0xb8;
	[tilespmem:$0x1F480] =	vst v63  }
.LBB2_9:
0x5e: {  	_ =	swait.ge [sflag:s22], $0x3200  }
0x5f: {  	[sflag:s22] =	ssyncset.done $0x0  }
0x60: {  	[sflag:s22] =	ssyncadd.s32 $0xFFFFCE00  }
0x61: {  	_ =	swait.ge [sflag:s23], $0x3200  }
0x62: {  	p0 =	sgt.u32 s8, $0x16;
	[sflag:s23] =	ssyncset.done $0x0  }
0x63: {  	s9 =	simm.s32 @!p0 $0x64;
	s10 =	simm.s32 @!p0 $0x3400;
	[sflag:s23] =	ssyncadd.s32 $0xFFFFCE00  }
0x64: {  	[tilespmem:s10], [sflag:$0x2] =	stream.indirect.gather @!p0 [hbm4b:s1+s9], $0x80, s3, s9, $0xb8;
	[tilespmem:$0x1F480] =	vst v63  }
0x65: {  	_ = 	snop  }
0x66: {  	[spmem:s2] =	stream.indirect.scatter.add.f32 [tilespmem:s24], [sflag:$0x6], $0x80, s0, s19, $0xb8;
	[tilespmem:$0x1F480] =	vst v63  }
.LBB2_10:
0x67: {  	s8 =	sadd.s32 $0x1, s8  }
0x68: {  	p0 =	sne.s32 s8, $0x19  }
.Ltmp6:
0x69: {  	_ = 	snop;
	(pc) =	sbr.rel @!p0 .LBB2_11-.Ltmp6, $2  }
0x6a: {  	_ =	sdelay $0x2  }
0x6b: {  	s0 =	sadd.s32 $0x80, s0;
	s3 =	sadd.s32 $0x80, s3  }
.LBB2_5:
0x6c: {  	s9 =	smul.u32 $0xAB, s8;
	_ =	sdelay $0x1  }
0x6d: {  	s9 =	sshrl.u32 s9, $0x9  }
0x6e: {  	s9 =	sand.u32 $0x7F, s9  }
0x6f: {  	s9 =	smul.u32 $0x3, s9;
	_ =	sdelay $0x1  }
0x70: {  	s9 =	ssub.s32 s8, s9  }
0x71: {  	s9 =	sand.u32 $0xFF, s9  }
0x72: {  	p0 =	seq.s32 s9, $0x2  }
.Ltmp7:
0x73: {  	_ = 	snop;
	(pc) =	sbr.rel @p0 .LBB2_9-.Ltmp7, $1  }
0x74: {  	_ =	sdelay $0x3  }
0x75: {  	p0 =	seq.s32 s9, $0x1  }
.Ltmp8:
0x76: {  	_ = 	snop;
	(pc) =	sbr.rel @!p0 .LBB2_7-.Ltmp8, $1  }
0x77: {  	_ =	sdelay $0x3  }
0x78: {  	_ =	swait.ge [sflag:s26], $0x3200  }
0x79: {  	[sflag:s26] =	ssyncset.done $0x0  }
0x7a: {  	[sflag:s26] =	ssyncadd.s32 $0xFFFFCE00  }
0x7b: {  	_ =	swait.ge [sflag:s25], $0x3200  }
.Ltmp9:
0x7c: {  	p0 =	sgt.u32 s8, $0x16;
	[sflag:s25] =	ssyncset.done $0x0;
	(pc) =	sbr.rel .LBB2_10-.Ltmp9, $4  }
0x7d: {  	s9 =	simm.s32 @!p0 $0x64;
	s10 =	simm.s32 @!p0 $0x0;
	[sflag:s25] =	ssyncadd.s32 $0xFFFFCE00  }
0x7e: {  	[tilespmem:s10], [sflag:$0x1] =	stream.indirect.gather @!p0 [hbm4b:s1+s9], $0x80, s3, s9, $0xb8;
	[tilespmem:$0x1F480] =	vst v63  }
0x7f: {  	_ = 	snop  }
0x80: {  	[spmem:s2] =	stream.indirect.scatter.add.f32 [tilespmem:s21], [sflag:$0x5], $0x80, s0, s19, $0xb8;
	[tilespmem:$0x1F480] =	vst v63  }
.LBB2_7:
0x81: {  	_ =	swait.ge [sflag:s28], $0x3200  }
0x82: {  	p0 =	seq.s32 s8, $0x0;
	[sflag:s28] =	ssyncset.done $0x0  }
0x83: {  	s9 =	simm.s32 @!p0 $0x6;
	[sflag:s28] =	ssyncadd.s32 $0xFFFFCE00  }
0x84: {  	_ =	swait.ge @!p0 [sflag:s9], $0x3200  }
.Ltmp10:
0x85: {  	p1 =	sgt.u32 @!p0 s8, $0x16;
	[sflag:s9] =	ssyncset.done @!p0 $0x0;
	(pc) =	sbr.rel .LBB2_10-.Ltmp10, $4  }
0x86: {  	p1 =	por p0, !p1;
	[sflag:s9] =	ssyncadd.s32 @!p0 $0xFFFFCE00  }
0x87: {  	[tilespmem:s24], [sflag:$0x3] =	stream.indirect.gather @p1 [hbm4b:s1+s19], $0x80, s3, s19, $0xb8;
	[tilespmem:$0x1F480] =	vst v63  }
0x88: {  	_ = 	snop  }
0x89: {  	[spmem:s2] =	stream.indirect.scatter.add.f32 [tilespmem:s4], [sflag:$0x4], $0x80, s0, s19, $0xb8;
	[tilespmem:$0x1F480] =	vst v63  }
.LBB2_13:
0x8a: {  	_ =	sfence.sel $0x180000  }
0x8b: {  	[bflag:$0x0] =	sbarrier.arrive $0xFFFF  }
0x8c: {  	_ =	strace $0x90000047  }
0x8d: {  	s0 =	stileid.u32;
	[bflag:$0x2] =	sbarrier.arrive $0xFFFF  }
0x8e: {  	p0 =	sne.s32 s0, $0x0;
	s0 =	rddreg [dreg:$0x3]  }
0x8f: {  	s0 =	sadd.s32 @!p0 $0x100000, s0  }
0x90: {  	[sflag:s0] =	ssyncadd.tile.s32 @!p0 $0x1;
	_ =	shalt  }
.Lfunc_end2:
_tile_overlayer_lowered:
.L_overlay_start_2:
0x91: {  	(tag) =	ssettag $0x2  }
0x92: {  	s0 =	rddreg [dreg:$0x0];
	s2 =	stileid.u32  }
0x93: {  	s1 =	rddreg [dreg:$0x1];
	p0 =	sne.s32 s2, $0x0  }
0x94: {  	s3 =	rddreg [dreg:$0x2];
	[bflag:$0x3] =	sbarrier.arrive $0xFFFF;
	s2 =	simm.s32 @!p0 $0x1C07  }
0x95: {  	[timem:s3], [sflag:s2] =	dma.local @!p0 [hbm:s0], s1  }
0x96: {  	s0 =	simm.s32 @!p0 $0x7  }
0x97: {  	_ =	swait.ge @!p0 [sflag:s0], s1  }
0x98: {  	s1 =	ssub.s32 @!p0 $0x0, s1;
	[sflag:s0] =	ssyncset.done @!p0 $0x0  }
0x99: {  	[sflag:s0] =	ssyncadd.s32 @!p0 s1  }
0x9a: {  	[bflag:$0x3] =	sbarrier.arrive $0xFFFF  }
0x9b: {  	_ =	shalt  }

// kernel: kernel.13.cloned.1.call-start
scs
__scs_entry_jumppad:
0x0: {  	(pc) =	sbr.rel $0x88, $3  }
0x1: {  	(tag) =	ssettag $0x0;
	lr =	simm.s32 $0x1  }
0x2: {  	[smem:$0x3F94] =	sst lr;
	_ =	strace $0xD0000000  }
0x3: {  	_ = 	snop  }
0x4: {  	_ = 	snop  }
0x5: {  	_ = 	snop  }
0x6: {  	_ = 	snop  }
0x7: {  	_ = 	snop  }
__scs_overlays_trampoline_lowered:
0x8: {  	[smem:$0x3FA3] =	sst s0  }
0x9: {  	[smem:$0x3FA4] =	sst s1  }
0xa: {  	[smem:$0x3FA5] =	sst s2  }
0xb: {  	[smem:$0x3FA6] =	sst s3  }
0xc: {  	[smem:$0x3FA7] =	sst s4  }
0xd: {  	[smem:$0x3FA8] =	sst s5  }
0xe: {  	[smem:$0x3FA9] =	sst s6  }
0xf: {  	[smem:$0x3FAA] =	sst s7  }
0x10: {  	[smem:$0x3FAB] =	sst s8  }
0x11: {  	[smem:$0x3FAC] =	sst s9;
	s0 =	simm.s32 @!p0 $0x0  }
0x12: {  	s1 =	sld [smem:$0x3F92];
	s0 =	simm.s32 @p0 $0x1  }
0x13: {  	[smem:$0x3FAD] =	sst s0;
	s0 =	simm.s32 @!p1 $0x0  }
0x14: {  	s2 =	sld [smem:$0x3F91];
	s0 =	simm.s32 @p1 $0x1  }
0x15: {  	[smem:$0x3FAE] =	sst s0;
	s0 =	simm.s32 @!p2 $0x0  }
0x16: {  	s3 =	sld [smem:$0x3FDB];
	s0 =	simm.s32 @p2 $0x1  }
0x17: {  	s4 =	simm.s32 $0x1BF5;
	[smem:$0x3FB0] =	sst s0  }
0x18: {  	s0 =	sld [smem:$0x3F93];
	_ =	swait.ge [sflag:s4], $0x0  }
0x19: {  	s7 =	sld [smem:$0x3F94]  }
0x1a: {  	s8 =	sadd.s32 $0xFFFFE003, lr  }
0x1b: {  	s9 =	sadd.s32 $0xFFFFFEF7, lr;
	s5 =	simm.s32 $0xFFFFFFFF;
	p2 =	slt.u32 s8, $0xFFFFF086  }
0x1c: {  	p1 =	slt.u32 s9, $0xF7A;
	s5 =	simm.s32 @!p2 $0x0  }
0x1d: {  	s5 =	simm.s32 @p1 $0x1;
	p0 =	seq.s32 s7, s2  }
0x1e: {  	s7 =	smul.u32 @!p0 $0xF7A, s2;
	p2 =	seq.s32 @!p0 s5, $0x0  }
0x1f: {  	s9 =	smul.u32 $0xF7A, s1;
	s8 =	simm.s32 @!p0 $0x1BF5;
	p2 =	por !p2, p0  }
0x20: {  	[sflag:s8] =	ssyncset.s32 @!p0 $0xFFFFF086;
	s6 =	sadd.s32 @!p0 s3, s7;
	s7 =	simm.s32 @!p0 $0x108  }
0x21: {  	s3 =	sadd.s32 s3, s9;
	s6 =	sadd.s32 @!p0 $0x88, s6;
	s7 =	simm.s32 @p2 $0x1082  }
0x22: {  	[simem:s7], [sflag:s8] =	dma.local @!p0 [hbm:s6], $0xF7A  }
0x23: {  	s9 =	sor.u32 $0xD0000000, s2;
	s6 =	simm.s32 $0x108;
	_ =	swait.ge @!p0 [sflag:s8], $0x0  }
0x24: {  	s3 =	sadd.s32 $0x88, s3;
	s6 =	simm.s32 @!p1 $0x1082;
	[sflag:s4] =	ssyncset.s32 $0xFFFFF086  }
0x25: {  	[simem:s6], [sflag:s4] =	dma.local [hbm:s3], $0xF7A  }
0x26: {  	[smem:$0x3F94] =	sst s1;
	(tag) =	ssettag s2;
	_ =	strace s9  }
0x27: {  	s1 =	sld [smem:$0x3FA4]  }
0x28: {  	s2 =	sld [smem:$0x3FA5]  }
0x29: {  	s4 =	sld [smem:$0x3FA7]  }
0x2a: {  	p0 =	seq.s32 s5, $0x0;
	s5 =	sld [smem:$0x3FA8]  }
0x2b: {  	s6 =	sld [smem:$0x3FA9]  }
0x2c: {  	s7 =	sld [smem:$0x3FAA]  }
0x2d: {  	s3 =	simm.s32 $0x108;
	s8 =	sld [smem:$0x3FAB]  }
0x2e: {  	s3 =	simm.s32 @!p0 $0x1082;
	s9 =	sld [smem:$0x3FAC]  }
0x2f: {  	lr =	sadd.s32 s0, s3;
	s0 =	sld [smem:$0x3FA3]  }
0x30: {  	s3 =	sld [smem:$0x3FA6]  }
0x31: {  	[smem:$0x3FAF] =	sst s10  }
0x32: {  	s10 =	sld [smem:$0x3FAD];
	_ =	sdelay $0x3  }
0x33: {  	p0 =	seq.s32 s10, $0x1;
	s10 =	sld [smem:$0x3FAF];
	_ =	sdelay $0x3  }
0x34: {  	[smem:$0x3FAF] =	sst s10  }
0x35: {  	s10 =	sld [smem:$0x3FAE];
	_ =	sdelay $0x3  }
0x36: {  	p1 =	seq.s32 s10, $0x1;
	s10 =	sld [smem:$0x3FAF];
	_ =	sdelay $0x3  }
0x37: {  	[smem:$0x3FAF] =	sst s10  }
0x38: {  	s10 =	sld [smem:$0x3FB0]  }
0x39: {  	_ = 	snop;
	(pc) =	sbr.ind lr, $3  }
0x3a: {  	_ = 	snop  }
0x3b: {  	_ = 	snop  }
0x3c: {  	p2 =	seq.s32 s10, $0x1;
	s10 =	sld [smem:$0x3FAF]  }
0x3d: {  	_ =	shalt  }
0x3e: {  	_ =	shalt  }
0x3f: {  	_ =	shalt  }
0x40: {  	_ =	shalt  }
0x41: {  	_ =	shalt  }
0x42: {  	_ =	shalt  }
0x43: {  	_ =	shalt  }
0x44: {  	_ =	shalt  }
0x45: {  	_ =	shalt  }
0x46: {  	_ =	shalt  }
0x47: {  	_ =	shalt  }
0x48: {  	_ =	shalt  }
0x49: {  	_ =	shalt  }
0x4a: {  	_ =	shalt  }
0x4b: {  	_ =	shalt  }
0x4c: {  	_ =	shalt  }
0x4d: {  	_ =	shalt  }
0x4e: {  	_ =	shalt  }
0x4f: {  	_ =	shalt  }
0x50: {  	_ =	shalt  }
0x51: {  	_ =	shalt  }
0x52: {  	_ =	shalt  }
0x53: {  	_ =	shalt  }
0x54: {  	_ =	shalt  }
0x55: {  	_ =	shalt  }
0x56: {  	_ =	shalt  }
0x57: {  	_ =	shalt  }
0x58: {  	_ =	shalt  }
0x59: {  	_ =	shalt  }
0x5a: {  	_ =	shalt  }
0x5b: {  	_ =	shalt  }
0x5c: {  	_ =	shalt  }
0x5d: {  	_ =	shalt  }
0x5e: {  	_ =	shalt  }
0x5f: {  	_ =	shalt  }
0x60: {  	_ =	shalt  }
0x61: {  	_ =	shalt  }
0x62: {  	_ =	shalt  }
0x63: {  	_ =	shalt  }
0x64: {  	_ =	shalt  }
0x65: {  	_ =	shalt  }
0x66: {  	_ =	shalt  }
0x67: {  	_ =	shalt  }
0x68: {  	_ =	shalt  }
0x69: {  	_ =	shalt  }
0x6a: {  	_ =	shalt  }
0x6b: {  	_ =	shalt  }
0x6c: {  	_ =	shalt  }
0x6d: {  	_ =	shalt  }
0x6e: {  	_ =	shalt  }
0x6f: {  	_ =	shalt  }
0x70: {  	_ =	shalt  }
0x71: {  	_ =	shalt  }
0x72: {  	_ =	shalt  }
0x73: {  	_ =	shalt  }
0x74: {  	_ =	shalt  }
0x75: {  	_ =	shalt  }
0x76: {  	_ =	shalt  }
0x77: {  	_ =	shalt  }
0x78: {  	_ =	shalt  }
0x79: {  	_ =	shalt  }
0x7a: {  	_ =	shalt  }
0x7b: {  	_ =	shalt  }
0x7c: {  	_ =	shalt  }
0x7d: {  	_ =	shalt  }
0x7e: {  	_ =	shalt  }
0x7f: {  	_ =	shalt  }
0x80: {  	_ =	shalt  }
0x81: {  	_ =	shalt  }
0x82: {  	_ =	shalt  }
0x83: {  	_ =	shalt  }
0x84: {  	_ =	shalt  }
0x85: {  	_ =	shalt  }
0x86: {  	_ =	shalt  }
0x87: {  	_ =	shalt  }
.Lfunc_end0:
.L_simem_size_0:
called_computation.2_lowered:
.L_overlay_start_0:
0x88: {  	s2 =	sld [smem:$0x3FD9]  }
0x89: {  	s3 =	sld [smem:$0x3FFE];
	_ =	sdelay $0x1  }
0x8a: {  	s1 =	srdreg.scid  }
0x8b: {  	s0 =	sand.u32 $0x1, s1  }
0x8c: {  	s16 =	sshll.u32 s0, $0xA;
	s2 =	sadd.s32 s3, s2  }
0x8d: {  	s2 =	sadd.s32 s2, s16  }
0x8e: {  	[smem:$0x3FBB] =	sst s2  }
0x8f: {  	_ = 	snop  }
0x90: {  	(tm) =	ssettm $0x1  }
0x91: {  	s17 =	sld [smem:$0x3FFB];
	_ =	sdelay $0x3  }
0x92: {  	_ =	strace s17  }
0x93: {  	s2 =	sld [smem:$0x3FFC];
	_ =	sdelay $0x3  }
0x94: {  	_ =	strace s2  }
0x95: {  	s2 =	sld [smem:$0x3FFD];
	_ =	sdelay $0x3  }
0x96: {  	_ =	strace s2  }
0x97: {  	_ =	strace $0x8FFFFFFF  }
0x98: {  	s18 =	sld [smem:$0x3FDB];
	_ =	sdelay $0x1  }
0x99: {  	s19 =	simm.s32 $_scs_section_size  }
0x9a: {  	s4 =	simm.s32 $_size__tile_overlayer_lowered;
	s5 =	simm.s32 $_tile_overlayer_lowered  }
0x9b: {  	s22 =	simm.s32 $0x1BFF;
	s21 =	sshll.u32 s5, $0x1;
	s2 =	sadd.s32 s19, s18  }
0x9c: {  	s6 =	simm.s32 $0x0;
	s20 =	sshll.u32 s4, $0x1;
	s4 =	sadd.s32 s21, s2  }
0x9d: {  	[timem:s6], [sflag:s22] =	dma.local [hbm:s4], s20  }
0x9e: {  	_ =	swait.ge [sflag:s22], s20  }
0x9f: {  	s3 =	ssub.s32 $0x0, s20;
	[sflag:s22] =	ssyncset.done $0x0  }
0xa0: {  	[sflag:s22] =	ssyncadd.s32 s3;
	_ =	sdelay $0x1  }
0xa1: {  	s23 =	simm.s32 $0x1B8B  }
0xa2: {  	_ =	swait.ge [sflag:s23], $0x1  }
0xa3: {  	[sflag:s23] =	ssyncset.done $0x0  }
0xa4: {  	s25 =	simm.s32 $0x1B8E;
	s24 =	sld [smem:$0x3FFE];
	[sflag:s23] =	ssyncadd.s32 $0xFFFFFFFF  }
0xa5: {  	s26 =	simm.s32 $execute0_lowered;
	[smem:$0x3FD2] =	sst s25  }
0xa6: {  	s4 =	sshll.u32 s26, $0x1;
	_ =	strace $0x8000004C;
	[dreg:$0x1] =	wrdreg $0xFFFFFFFF  }
0xa7: {  	s28 =	simm.s32 $_size_execute0_lowered;
	s2 =	sadd.s32 s2, s4;
	[dreg:$0x0] =	wrdreg $0x0  }
0xa8: {  	s4 =	sshll.u32 s28, $0x1;
	[dreg:$0x2] =	wrdreg s2  }
0xa9: {  	[dreg:$0x3] =	wrdreg s4  }
0xaa: {  	[dreg:$0x4] =	wrdreg $0xC0  }
0xab: {  	_ =	task [dreg:s6], $0x5FFFF  }
0xac: {  	[dreg:$0x1] =	wrdreg $0xFFFFFFFF  }
0xad: {  	[dreg:$0x0] =	wrdreg $0x60  }
0xae: {  	[dreg:$0x2] =	wrdreg s24  }
0xaf: {  	[dreg:$0x3] =	wrdreg $0xBC000  }
0xb0: {  	[dreg:$0x4] =	wrdreg $0x9  }
0xb1: {  	_ =	task.clear_ibuf [dreg:s6], $0x5FFFF;
	_ =	strace $0x9000004C  }
0xb2: {  	s29 =	simm.s32 $0x9;
	_ =	strace $0x8000004E  }
0xb3: {  	_ =	swait.ge [sflag:s29], $0x1  }
0xb4: {  	[sflag:s29] =	ssyncadd.s32 $0xFFFFFFFF  }
0xb5: {  	_ =	strace $0x9000004E  }
0xb6: {  	_ =	sfence  }
0xb7: {  	s30 =	sld [smem:$0x0];
	_ =	sdelay $0x2  }
0xb8: {  	s31 =	sshll.u32 s1, $0xD;
	s1 =	sshrl.u32 s1, $0x2  }
0xb9: {  	s3 =	sand.u32 $0x4000, s31;
	s1 =	sadd.s32 s1, s30  }
0xba: {  	s0 =	sor.u32 s3, s0;
	s1 =	sshll.u32 s1, $0x11  }
0xbb: {  	s0 =	sor.u32 s1, s0  }
0xbc: {  	s0 =	sadd.s32 $0x8F2B, s0  }
0xbd: {  	[sflag:s0] =	ssyncadd.remote.s32 $0x1  }
0xbe: {  	_ =	sfence.sel $0xFFFF  }
0xbf: {  	[dreg:$0x0] =	wrdreg $0xFFFFFFFF;
	(pc) =	sbr.abs _section_cstart, $3  }
0xc0: {  	[dreg:$0x1] =	wrdreg $0xFFFFFFFF  }
0xc1: {  	_ =	task.clear_ibuf [dreg:s6], $0x2FFFF;
	_ =	strace $0x9FFFFFFF  }
0xc2: {  	(tm) =	ssettm $0x7FFFFFFF  }
0xc3: {  	_ =	shalt  }
tec
execute0_lowered:
.L_overlay_start_1:
0x0: {  	(tag) =	ssettag $0x1  }
0x1: {  	s0 =	rddreg [dreg:$0x0]  }
0x2: {  	s1 =	rddreg [dreg:$0x1]  }
0x3: {  	s2 =	srdreg.scid;
	s3 =	simm.s32 $0x0;
	s14 =	stileid.u32  }
0x4: {  	s17 =	simm.s32 $0x7;
	s18 =	simm.s32 $0x9C00;
	s19 =	simm.s32 $0x64  }
0x5: {  	s20 =	simm.s32 $0x9C80;
	s21 =	simm.s32 $0x3400;
	s22 =	simm.s32 $0x3  }
0x6: {  	s23 =	simm.s32 $0x5;
	s28 =	simm.s32 $0x1;
	s29 =	simm.s32 $0x0  }
0x7: {  	s30 =	simm.s32 $0x0;
	s2 =	sand.u32 $0x1, s2;
	s8 =	smul.u32 $0x13C00, s14  }
0x8: {  	[smem:$0x7FF] =	sst s3;
	s4 =	sadd.s32 $0x9A400, s0;
	s9 =	smul.u32 $0x4E200, s14  }
0x9: {  	s5 =	sadd.s32 $0x5000, s0;
	s6 =	sadd.s32 $0x15000, s0;
	s31 =	sshll.u32 s14, $0xB  }
0xa: {  	s7 =	smul.u32 $0x13C000, s2;
	_ =	strace $0x8000004D;
	s24 =	ssub.s32 $0x2, s2  }
0xb: {  	s2 =	sshll.u32 s2, $0xF;
	s9 =	sshrl.u32 s9, $0x2;
	s10 =	sshrl.u32 s24, $0x1  }
0xc: {  	s14 =	sor.u32 s31, s2;
	s7 =	sadd.s32 s8, s7;
	s8 =	ssub.s32 s24, s10  }
0xd: {  	s24 =	simm.s32 $0x6800;
	s7 =	sshrl.u32 s7, $0x3;
	s16 =	smax.u32 s8, $0x1  }
.Ltmp0:
0xe: {  	s0 =	sadd.s32 s7, s0;
	s7 =	sadd.s32 s9, s1;
	(pc) =	sbr.rel .LBB2_1-.Ltmp0, $4  }
0xf: {  	s9 =	sadd.s32 $0x3200, s7;
	s25 =	sadd.s32 $0x6400, s7;
	s26 =	sadd.s32 $0x9600, s7  }
0x10: {  	s11 =	sadd.s32 $0xC800, s7;
	s12 =	sadd.s32 $0xFA00, s7;
	[dreg:$0x3] =	wrdreg s9  }
0x11: {  	s13 =	sadd.s32 $0x12C00, s7;
	s15 =	sadd.s32 $0xEA200, s0;
	[dreg:$0x4] =	wrdreg s25  }
0x12: {  	v0 =	vimm.f32 $0.0e+00;
	[dreg:$0x5] =	wrdreg s26;
	s25 =	simm.s32 $0x4;
	s26 =	simm.s32 $0x2  }
.LBB2_12:
0x13: {  	s0 =	stileid.u32;
	s29 =	sadd.s32 $0x1, s29  }
0x14: {  	[bflag:$0x0] =	sbarrier.arrive $0xFFFF;
	s0 =	sshll.u32 s0, $0x6;
	p0 =	sne.s32 s29, s16  }
.Ltmp1:
0x15: {  	s2 =	sshrl.u32 s7, $0x3;
	s0 =	sor.u32 $0x1C07, s0;
	(pc) =	sbr.rel @!p0 .LBB2_13-.Ltmp1, $4  }
0x16: {  	[hbm:s15], [sflag:s0] =	dma.local [spmem:s2], $0x2710  }
0x17: {  	_ =	swait.ge [sflag:s17], $0x2710  }
0x18: {  	[sflag:s17] =	ssyncset.done $0x0  }
0x19: {  	[sflag:s17] =	ssyncadd.s32 $0xFFFFD8F0  }
.LBB2_1:
0x1a: {  	s0 =	simm.s32 $0x70;
	s2 =	simm.s32 $0x3C0  }
.LBB2_2:
0x1b: {  	p0 =	sne.s32 s2, $0xC7C0;
	[tilespmem:s0+$0x0] =	vst v0  }
0x1c: {  	[tilespmem:s0+$0xFFFFFF90] =	vst v0  }
0x1d: {  	[tilespmem:s0+$0xFFFFFFA0] =	vst v0  }
.Ltmp2:
0x1e: {  	[tilespmem:s0+$0xFFFFFFB0] =	vst v0;
	(pc) =	sbr.rel @p0 .LBB2_2-.Ltmp2, $4  }
0x1f: {  	[tilespmem:s0+$0xFFFFFFC0] =	vst v0  }
0x20: {  	[tilespmem:s0+$0xFFFFFFD0] =	vst v0  }
0x21: {  	[tilespmem:s0+$0xFFFFFFE0] =	vst v0  }
0x22: {  	[tilespmem:s0+$0xFFFFFFF0] =	vst v0;
	s0 =	sshra.s32 s2, $0x2;
	s2 =	sadd.s32 $0x200, s2  }
0x23: {  	[tilespmem:s0+$0x0] =	vst v0  }
0x24: {  	[tilespmem:s0+$0xFFFFFF90] =	vst v0  }
0x25: {  	[tilespmem:s0+$0xFFFFFFA0] =	vst v0  }
0x26: {  	[tilespmem:s0+$0xFFFFFFB0] =	vst v0  }
0x27: {  	[tilespmem:s0+$0xFFFFFFC0] =	vst v0  }
0x28: {  	[tilespmem:s0+$0xFFFFFFD0] =	vst v0  }
0x29: {  	[tilespmem:s0+$0xFFFFFFE0] =	vst v0  }
0x2a: {  	[tilespmem:s0+$0xFFFFFFF0] =	vst v0  }
0x2b: {  	[spmem:s7] =	stream.linear.scatter [tilespmem:s30], [sflag:$0x7], $0x3200, $0x38;
	[tilespmem:$0x1F480] =	vst v63  }
0x2c: {  	_ =	swait.ge [sflag:s17], $0x3200  }
0x2d: {  	[sflag:s17] =	ssyncset.done $0x0  }
0x2e: {  	s8 =	rddreg [dreg:$0x3];
	[sflag:s17] =	ssyncadd.s32 $0xFFFFCE00  }
0x2f: {  	[spmem:s8] =	stream.linear.scatter [tilespmem:s30], [sflag:$0x7], $0x3200, $0x38;
	[tilespmem:$0x1F480] =	vst v63  }
0x30: {  	_ =	swait.ge [sflag:s17], $0x3200  }
0x31: {  	[sflag:s17] =	ssyncset.done $0x0  }
0x32: {  	s9 =	rddreg [dreg:$0x4];
	[sflag:s17] =	ssyncadd.s32 $0xFFFFCE00  }
0x33: {  	[spmem:s9] =	stream.linear.scatter [tilespmem:s30], [sflag:$0x7], $0x3200, $0x38;
	[tilespmem:$0x1F480] =	vst v63  }
0x34: {  	_ =	swait.ge [sflag:s17], $0x3200  }
0x35: {  	[sflag:s17] =	ssyncset.done $0x0  }
0x36: {  	s10 =	rddreg [dreg:$0x5];
	[sflag:s17] =	ssyncadd.s32 $0xFFFFCE00  }
0x37: {  	[spmem:s10] =	stream.linear.scatter [tilespmem:s30], [sflag:$0x7], $0x3200, $0x38;
	[tilespmem:$0x1F480] =	vst v63  }
0x38: {  	_ =	swait.ge [sflag:s17], $0x3200  }
0x39: {  	[sflag:s17] =	ssyncset.done $0x0  }
0x3a: {  	[sflag:s17] =	ssyncadd.s32 $0xFFFFCE00  }
0x3b: {  	[spmem:s11] =	stream.linear.scatter [tilespmem:s30], [sflag:$0x7], $0x3200, $0x38;
	[tilespmem:$0x1F480] =	vst v63  }
0x3c: {  	_ =	swait.ge [sflag:s17], $0x3200  }
0x3d: {  	[sflag:s17] =	ssyncset.done $0x0  }
0x3e: {  	[sflag:s17] =	ssyncadd.s32 $0xFFFFCE00  }
0x3f: {  	[spmem:s12] =	stream.linear.scatter [tilespmem:s30], [sflag:$0x7], $0x3200, $0x38;
	[tilespmem:$0x1F480] =	vst v63  }
0x40: {  	_ =	swait.ge [sflag:s17], $0x3200  }
0x41: {  	[sflag:s17] =	ssyncset.done $0x0  }
0x42: {  	[sflag:s17] =	ssyncadd.s32 $0xFFFFCE00  }
0x43: {  	[spmem:s13] =	stream.linear.scatter [tilespmem:s30], [sflag:$0x7], $0xC80, $0x38;
	[tilespmem:$0x1F480] =	vst v63  }
.Ltmp3:
0x44: {  	_ =	swait.ge [sflag:s17], $0xC80;
	(pc) =	sbr.rel .LBB2_4-.Ltmp3, $4  }
0x45: {  	[sflag:s17] =	ssyncset.done $0x0  }
0x46: {  	[sflag:s17] =	ssyncadd.s32 $0xFFFFF380  }
0x47: {  	[bflag:$0x0] =	sbarrier.arrive $0xFFFF  }
0x48: {  	s31 =	simm.s32 $0x0  }
.LBB2_11:
0x49: {  	s31 =	sadd.s32 $0x1, s31  }
0x4a: {  	p0 =	sne.s32 s31, $0x4  }
.Ltmp4:
0x4b: {  	_ = 	snop;
	(pc) =	sbr.rel @!p0 .LBB2_12-.Ltmp4, $4  }
0x4c: {  	_ = 	snop  }
0x4d: {  	_ =	swait.ge [sflag:s25], $0x3200  }
0x4e: {  	[sflag:s25] =	ssyncset.done $0x0  }
0x4f: {  	[sflag:s25] =	ssyncadd.s32 $0xFFFFCE00  }
.LBB2_4:
0x50: {  	s0 =	sshll.u32 s31, $0x9  }
0x51: {  	s0 =	sadd.s32 s14, s0  }
0x52: {  	s2 =	sadd.s32 s5, s0  }
0x53: {  	[tilespmem:s18], [sflag:$0x7] =	stream.linear.gather [hbm4b:s2+s30], $0xC80, $0x38;
	[tilespmem:$0x1F480] =	vst v63  }
0x54: {  	_ =	swait.ge [sflag:s17], $0xC80  }
0x55: {  	[sflag:s17] =	ssyncset.done $0x0  }
0x56: {  	s10 =	sadd.s32 s6, s0;
	s0 =	simm.s32 $0xAC00;
	[sflag:s17] =	ssyncadd.s32 $0xFFFFF380  }
0x57: {  	[tilespmem:s0], [sflag:$0x7] =	stream.linear.gather [hbm4b:s10+s30], $0xC80, $0x38;
	[tilespmem:$0x1F480] =	vst v63  }
0x58: {  	_ =	swait.ge [sflag:s17], $0xC80  }
.Ltmp5:
0x59: {  	[sflag:s17] =	ssyncset.done $0x0;
	(pc) =	sbr.rel .LBB2_5-.Ltmp5, $4  }
0x5a: {  	[sflag:s17] =	ssyncadd.s32 $0xFFFFF380  }
0x5b: {  	[tilespmem:s30], [sflag:$0x1] =	stream.indirect.gather [hbm4b:s4+s19], $0x80, s18, s19, $0xb8;
	[tilespmem:$0x1F480] =	vst v63  }
0x5c: {  	s8 =	simm.s32 $0x0;
	s2 =	simm.s32 $0x9D00  }
0x5d: {  	[tilespmem:s21], [sflag:$0x2] =	stream.indirect.gather [hbm4b:s4+s19], $0x80, s20, s19, $0xb8;
	[tilespmem:$0x1F480] =	vst v63  }
.LBB2_9:
0x5e: {  	_ =	swait.ge [sflag:s22], $0x3200  }
0x5f: {  	[sflag:s22] =	ssyncset.done $0x0  }
0x60: {  	[sflag:s22] =	ssyncadd.s32 $0xFFFFCE00  }
0x61: {  	_ =	swait.ge [sflag:s23], $0x3200  }
0x62: {  	p0 =	sgt.u32 s8, $0x16;
	[sflag:s23] =	ssyncset.done $0x0  }
0x63: {  	s9 =	simm.s32 @!p0 $0x64;
	s10 =	simm.s32 @!p0 $0x3400;
	[sflag:s23] =	ssyncadd.s32 $0xFFFFCE00  }
0x64: {  	[tilespmem:s10], [sflag:$0x2] =	stream.indirect.gather @!p0 [hbm4b:s4+s9], $0x80, s2, s9, $0xb8;
	[tilespmem:$0x1F480] =	vst v63  }
0x65: {  	_ = 	snop  }
0x66: {  	[spmem:s1] =	stream.indirect.scatter.add.f32 [tilespmem:s24], [sflag:$0x6], $0x80, s0, s19, $0xb8;
	[tilespmem:$0x1F480] =	vst v63  }
.LBB2_10:
0x67: {  	s8 =	sadd.s32 $0x1, s8  }
0x68: {  	p0 =	sne.s32 s8, $0x19  }
.Ltmp6:
0x69: {  	_ = 	snop;
	(pc) =	sbr.rel @!p0 .LBB2_11-.Ltmp6, $2  }
0x6a: {  	_ =	sdelay $0x2  }
0x6b: {  	s0 =	sadd.s32 $0x80, s0;
	s2 =	sadd.s32 $0x80, s2  }
.LBB2_5:
0x6c: {  	s9 =	smul.u32 $0xAB, s8;
	_ =	sdelay $0x1  }
0x6d: {  	s9 =	sshrl.u32 s9, $0x9  }
0x6e: {  	s9 =	sand.u32 $0x7F, s9  }
0x6f: {  	s9 =	smul.u32 $0x3, s9;
	_ =	sdelay $0x1  }
0x70: {  	s9 =	ssub.s32 s8, s9  }
0x71: {  	s9 =	sand.u32 $0xFF, s9  }
0x72: {  	p0 =	seq.s32 s9, $0x2  }
.Ltmp7:
0x73: {  	_ = 	snop;
	(pc) =	sbr.rel @p0 .LBB2_9-.Ltmp7, $1  }
0x74: {  	_ =	sdelay $0x3  }
0x75: {  	p0 =	seq.s32 s9, $0x1  }
.Ltmp8:
0x76: {  	_ = 	snop;
	(pc) =	sbr.rel @!p0 .LBB2_7-.Ltmp8, $1  }
0x77: {  	_ =	sdelay $0x3  }
0x78: {  	_ =	swait.ge [sflag:s26], $0x3200  }
0x79: {  	[sflag:s26] =	ssyncset.done $0x0  }
0x7a: {  	[sflag:s26] =	ssyncadd.s32 $0xFFFFCE00  }
0x7b: {  	_ =	swait.ge [sflag:s25], $0x3200  }
.Ltmp9:
0x7c: {  	p0 =	sgt.u32 s8, $0x16;
	[sflag:s25] =	ssyncset.done $0x0;
	(pc) =	sbr.rel .LBB2_10-.Ltmp9, $4  }
0x7d: {  	s9 =	simm.s32 @!p0 $0x64;
	s10 =	simm.s32 @!p0 $0x0;
	[sflag:s25] =	ssyncadd.s32 $0xFFFFCE00  }
0x7e: {  	[tilespmem:s10], [sflag:$0x1] =	stream.indirect.gather @!p0 [hbm4b:s4+s9], $0x80, s2, s9, $0xb8;
	[tilespmem:$0x1F480] =	vst v63  }
0x7f: {  	_ = 	snop  }
0x80: {  	[spmem:s1] =	stream.indirect.scatter.add.f32 [tilespmem:s21], [sflag:$0x5], $0x80, s0, s19, $0xb8;
	[tilespmem:$0x1F480] =	vst v63  }
.LBB2_7:
0x81: {  	_ =	swait.ge [sflag:s28], $0x3200  }
0x82: {  	p0 =	seq.s32 s8, $0x0;
	[sflag:s28] =	ssyncset.done $0x0  }
0x83: {  	s9 =	simm.s32 @!p0 $0x6;
	[sflag:s28] =	ssyncadd.s32 $0xFFFFCE00  }
0x84: {  	_ =	swait.ge @!p0 [sflag:s9], $0x3200  }
.Ltmp10:
0x85: {  	p1 =	sgt.u32 @!p0 s8, $0x16;
	[sflag:s9] =	ssyncset.done @!p0 $0x0;
	(pc) =	sbr.rel .LBB2_10-.Ltmp10, $4  }
0x86: {  	p1 =	por p0, !p1;
	[sflag:s9] =	ssyncadd.s32 @!p0 $0xFFFFCE00  }
0x87: {  	[tilespmem:s24], [sflag:$0x3] =	stream.indirect.gather @p1 [hbm4b:s4+s19], $0x80, s2, s19, $0xb8;
	[tilespmem:$0x1F480] =	vst v63  }
0x88: {  	_ = 	snop  }
0x89: {  	[spmem:s1] =	stream.indirect.scatter.add.f32 [tilespmem:s3], [sflag:$0x4], $0x80, s0, s19, $0xb8;
	[tilespmem:$0x1F480] =	vst v63  }
.LBB2_13:
0x8a: {  	_ =	sfence.sel $0x180000  }
0x8b: {  	[bflag:$0x0] =	sbarrier.arrive $0xFFFF  }
0x8c: {  	_ =	strace $0x9000004D  }
0x8d: {  	s0 =	stileid.u32;
	[bflag:$0x2] =	sbarrier.arrive $0xFFFF  }
0x8e: {  	p0 =	sne.s32 s0, $0x0;
	s0 =	rddreg [dreg:$0x2]  }
0x8f: {  	s0 =	sadd.s32 @!p0 $0x100000, s0  }
0x90: {  	[sflag:s0] =	ssyncadd.tile.s32 @!p0 $0x1;
	_ =	shalt  }
.Lfunc_end2:
_tile_overlayer_lowered:
.L_overlay_start_2:
0x91: {  	(tag) =	ssettag $0x2  }
0x92: {  	s0 =	rddreg [dreg:$0x0];
	s2 =	stileid.u32  }
0x93: {  	s1 =	rddreg [dreg:$0x1];
	p0 =	sne.s32 s2, $0x0  }
0x94: {  	s3 =	rddreg [dreg:$0x2];
	[bflag:$0x3] =	sbarrier.arrive $0xFFFF;
	s2 =	simm.s32 @!p0 $0x1C07  }
0x95: {  	[timem:s3], [sflag:s2] =	dma.local @!p0 [hbm:s0], s1  }
0x96: {  	s0 =	simm.s32 @!p0 $0x7  }
0x97: {  	_ =	swait.ge @!p0 [sflag:s0], s1  }
0x98: {  	s1 =	ssub.s32 @!p0 $0x0, s1;
	[sflag:s0] =	ssyncset.done @!p0 $0x0  }
0x99: {  	[sflag:s0] =	ssyncadd.s32 @!p0 s1  }
0x9a: {  	[bflag:$0x3] =	sbarrier.arrive $0xFFFF  }
0x9b: {  	_ =	shalt  }

// kernel: kernel.7.cloned.1.call-start
scs
__scs_entry_jumppad:
0x0: {  	(pc) =	sbr.rel $0x88, $3  }
0x1: {  	(tag) =	ssettag $0x0;
	lr =	simm.s32 $0x1  }
0x2: {  	[smem:$0x3F94] =	sst lr;
	_ =	strace $0xD0000000  }
0x3: {  	_ = 	snop  }
0x4: {  	_ = 	snop  }
0x5: {  	_ = 	snop  }
0x6: {  	_ = 	snop  }
0x7: {  	_ = 	snop  }
__scs_overlays_trampoline_lowered:
0x8: {  	[smem:$0x3FA3] =	sst s0  }
0x9: {  	[smem:$0x3FA4] =	sst s1  }
0xa: {  	[smem:$0x3FA5] =	sst s2  }
0xb: {  	[smem:$0x3FA6] =	sst s3  }
0xc: {  	[smem:$0x3FA7] =	sst s4  }
0xd: {  	[smem:$0x3FA8] =	sst s5  }
0xe: {  	[smem:$0x3FA9] =	sst s6  }
0xf: {  	[smem:$0x3FAA] =	sst s7  }
0x10: {  	[smem:$0x3FAB] =	sst s8  }
0x11: {  	[smem:$0x3FAC] =	sst s9;
	s0 =	simm.s32 @!p0 $0x0  }
0x12: {  	s1 =	sld [smem:$0x3F92];
	s0 =	simm.s32 @p0 $0x1  }
0x13: {  	[smem:$0x3FAD] =	sst s0;
	s0 =	simm.s32 @!p1 $0x0  }
0x14: {  	s2 =	sld [smem:$0x3F91];
	s0 =	simm.s32 @p1 $0x1  }
0x15: {  	[smem:$0x3FAE] =	sst s0;
	s0 =	simm.s32 @!p2 $0x0  }
0x16: {  	s3 =	sld [smem:$0x3FDB];
	s0 =	simm.s32 @p2 $0x1  }
0x17: {  	s4 =	simm.s32 $0x1BF5;
	[smem:$0x3FB0] =	sst s0  }
0x18: {  	s0 =	sld [smem:$0x3F93];
	_ =	swait.ge [sflag:s4], $0x0  }
0x19: {  	s7 =	sld [smem:$0x3F94]  }
0x1a: {  	s8 =	sadd.s32 $0xFFFFE003, lr  }
0x1b: {  	s9 =	sadd.s32 $0xFFFFFEF7, lr;
	s5 =	simm.s32 $0xFFFFFFFF;
	p2 =	slt.u32 s8, $0xFFFFF086  }
0x1c: {  	p1 =	slt.u32 s9, $0xF7A;
	s5 =	simm.s32 @!p2 $0x0  }
0x1d: {  	s5 =	simm.s32 @p1 $0x1;
	p0 =	seq.s32 s7, s2  }
0x1e: {  	s7 =	smul.u32 @!p0 $0xF7A, s2;
	p2 =	seq.s32 @!p0 s5, $0x0  }
0x1f: {  	s9 =	smul.u32 $0xF7A, s1;
	s8 =	simm.s32 @!p0 $0x1BF5;
	p2 =	por !p2, p0  }
0x20: {  	[sflag:s8] =	ssyncset.s32 @!p0 $0xFFFFF086;
	s6 =	sadd.s32 @!p0 s3, s7;
	s7 =	simm.s32 @!p0 $0x108  }
0x21: {  	s3 =	sadd.s32 s3, s9;
	s6 =	sadd.s32 @!p0 $0x88, s6;
	s7 =	simm.s32 @p2 $0x1082  }
0x22: {  	[simem:s7], [sflag:s8] =	dma.local @!p0 [hbm:s6], $0xF7A  }
0x23: {  	s9 =	sor.u32 $0xD0000000, s2;
	s6 =	simm.s32 $0x108;
	_ =	swait.ge @!p0 [sflag:s8], $0x0  }
0x24: {  	s3 =	sadd.s32 $0x88, s3;
	s6 =	simm.s32 @!p1 $0x1082;
	[sflag:s4] =	ssyncset.s32 $0xFFFFF086  }
0x25: {  	[simem:s6], [sflag:s4] =	dma.local [hbm:s3], $0xF7A  }
0x26: {  	[smem:$0x3F94] =	sst s1;
	(tag) =	ssettag s2;
	_ =	strace s9  }
0x27: {  	s1 =	sld [smem:$0x3FA4]  }
0x28: {  	s2 =	sld [smem:$0x3FA5]  }
0x29: {  	s4 =	sld [smem:$0x3FA7]  }
0x2a: {  	p0 =	seq.s32 s5, $0x0;
	s5 =	sld [smem:$0x3FA8]  }
0x2b: {  	s6 =	sld [smem:$0x3FA9]  }
0x2c: {  	s7 =	sld [smem:$0x3FAA]  }
0x2d: {  	s3 =	simm.s32 $0x108;
	s8 =	sld [smem:$0x3FAB]  }
0x2e: {  	s3 =	simm.s32 @!p0 $0x1082;
	s9 =	sld [smem:$0x3FAC]  }
0x2f: {  	lr =	sadd.s32 s0, s3;
	s0 =	sld [smem:$0x3FA3]  }
0x30: {  	s3 =	sld [smem:$0x3FA6]  }
0x31: {  	[smem:$0x3FAF] =	sst s10  }
0x32: {  	s10 =	sld [smem:$0x3FAD];
	_ =	sdelay $0x3  }
0x33: {  	p0 =	seq.s32 s10, $0x1;
	s10 =	sld [smem:$0x3FAF];
	_ =	sdelay $0x3  }
0x34: {  	[smem:$0x3FAF] =	sst s10  }
0x35: {  	s10 =	sld [smem:$0x3FAE];
	_ =	sdelay $0x3  }
0x36: {  	p1 =	seq.s32 s10, $0x1;
	s10 =	sld [smem:$0x3FAF];
	_ =	sdelay $0x3  }
0x37: {  	[smem:$0x3FAF] =	sst s10  }
0x38: {  	s10 =	sld [smem:$0x3FB0]  }
0x39: {  	_ = 	snop;
	(pc) =	sbr.ind lr, $3  }
0x3a: {  	_ = 	snop  }
0x3b: {  	_ = 	snop  }
0x3c: {  	p2 =	seq.s32 s10, $0x1;
	s10 =	sld [smem:$0x3FAF]  }
0x3d: {  	_ =	shalt  }
0x3e: {  	_ =	shalt  }
0x3f: {  	_ =	shalt  }
0x40: {  	_ =	shalt  }
0x41: {  	_ =	shalt  }
0x42: {  	_ =	shalt  }
0x43: {  	_ =	shalt  }
0x44: {  	_ =	shalt  }
0x45: {  	_ =	shalt  }
0x46: {  	_ =	shalt  }
0x47: {  	_ =	shalt  }
0x48: {  	_ =	shalt  }
0x49: {  	_ =	shalt  }
0x4a: {  	_ =	shalt  }
0x4b: {  	_ =	shalt  }
0x4c: {  	_ =	shalt  }
0x4d: {  	_ =	shalt  }
0x4e: {  	_ =	shalt  }
0x4f: {  	_ =	shalt  }
0x50: {  	_ =	shalt  }
0x51: {  	_ =	shalt  }
0x52: {  	_ =	shalt  }
0x53: {  	_ =	shalt  }
0x54: {  	_ =	shalt  }
0x55: {  	_ =	shalt  }
0x56: {  	_ =	shalt  }
0x57: {  	_ =	shalt  }
0x58: {  	_ =	shalt  }
0x59: {  	_ =	shalt  }
0x5a: {  	_ =	shalt  }
0x5b: {  	_ =	shalt  }
0x5c: {  	_ =	shalt  }
0x5d: {  	_ =	shalt  }
0x5e: {  	_ =	shalt  }
0x5f: {  	_ =	shalt  }
0x60: {  	_ =	shalt  }
0x61: {  	_ =	shalt  }
0x62: {  	_ =	shalt  }
0x63: {  	_ =	shalt  }
0x64: {  	_ =	shalt  }
0x65: {  	_ =	shalt  }
0x66: {  	_ =	shalt  }
0x67: {  	_ =	shalt  }
0x68: {  	_ =	shalt  }
0x69: {  	_ =	shalt  }
0x6a: {  	_ =	shalt  }
0x6b: {  	_ =	shalt  }
0x6c: {  	_ =	shalt  }
0x6d: {  	_ =	shalt  }
0x6e: {  	_ =	shalt  }
0x6f: {  	_ =	shalt  }
0x70: {  	_ =	shalt  }
0x71: {  	_ =	shalt  }
0x72: {  	_ =	shalt  }
0x73: {  	_ =	shalt  }
0x74: {  	_ =	shalt  }
0x75: {  	_ =	shalt  }
0x76: {  	_ =	shalt  }
0x77: {  	_ =	shalt  }
0x78: {  	_ =	shalt  }
0x79: {  	_ =	shalt  }
0x7a: {  	_ =	shalt  }
0x7b: {  	_ =	shalt  }
0x7c: {  	_ =	shalt  }
0x7d: {  	_ =	shalt  }
0x7e: {  	_ =	shalt  }
0x7f: {  	_ =	shalt  }
0x80: {  	_ =	shalt  }
0x81: {  	_ =	shalt  }
0x82: {  	_ =	shalt  }
0x83: {  	_ =	shalt  }
0x84: {  	_ =	shalt  }
0x85: {  	_ =	shalt  }
0x86: {  	_ =	shalt  }
0x87: {  	_ =	shalt  }
.Lfunc_end0:
.L_simem_size_0:
called_computation_lowered:
.L_overlay_start_0:
0x88: {  	s2 =	sld [smem:$0x3FD9]  }
0x89: {  	s3 =	sld [smem:$0x3FFE];
	_ =	sdelay $0x1  }
0x8a: {  	s1 =	srdreg.scid  }
0x8b: {  	s0 =	sand.u32 $0x1, s1  }
0x8c: {  	s17 =	sshll.u32 s0, $0xA;
	s2 =	sadd.s32 s3, s2  }
0x8d: {  	s2 =	sadd.s32 s2, s17  }
0x8e: {  	[smem:$0x3FBB] =	sst s2  }
0x8f: {  	_ = 	snop  }
0x90: {  	(tm) =	ssettm $0x1  }
0x91: {  	s18 =	sld [smem:$0x3FFB];
	_ =	sdelay $0x3  }
0x92: {  	_ =	strace s18  }
0x93: {  	s2 =	sld [smem:$0x3FFC];
	_ =	sdelay $0x3  }
0x94: {  	_ =	strace s2  }
0x95: {  	s2 =	sld [smem:$0x3FFD];
	_ =	sdelay $0x3  }
0x96: {  	_ =	strace s2  }
0x97: {  	_ =	strace $0x8FFFFFFF  }
0x98: {  	s19 =	sld [smem:$0x3FDB];
	_ =	sdelay $0x1  }
0x99: {  	s20 =	simm.s32 $_scs_section_size  }
0x9a: {  	s4 =	simm.s32 $_size__tile_overlayer_lowered;
	s5 =	simm.s32 $_tile_overlayer_lowered  }
0x9b: {  	s6 =	simm.s32 $0x1BFF;
	s21 =	sshll.u32 s5, $0x1;
	s3 =	sadd.s32 s20, s19  }
0x9c: {  	s22 =	simm.s32 $0x0;
	s4 =	sshll.u32 s4, $0x1;
	s5 =	sadd.s32 s21, s3  }
0x9d: {  	[timem:s22], [sflag:s6] =	dma.local [hbm:s5], s4  }
0x9e: {  	_ =	swait.ge [sflag:s6], s4  }
0x9f: {  	s4 =	ssub.s32 $0x0, s4;
	[sflag:s6] =	ssyncset.done $0x0  }
0xa0: {  	[sflag:s6] =	ssyncadd.s32 s4;
	_ =	sdelay $0x1  }
0xa1: {  	s23 =	simm.s32 $0x1B8B  }
0xa2: {  	_ =	swait.ge [sflag:s23], $0x1  }
0xa3: {  	[sflag:s23] =	ssyncset.done $0x0  }
0xa4: {  	[sflag:s23] =	ssyncadd.s32 $0xFFFFFFFF  }
0xa5: {  	s4 =	sld [smem:$0x0]  }
0xa6: {  	s5 =	sand.u32 $0xFFFFFFFE, s1  }
0xa7: {  	p0 =	sne.s32 s1, s5  }
0xa8: {  	s5 =	sshll.u32 @p0 s5, $0xE  }
0xa9: {  	s5 =	sadd.s32 @p0 $0x11B8D, s5;
	s6 =	sshll.u32 @p0 s4, $0x11  }
0xaa: {  	s5 =	sor.u32 @p0 s6, s5  }
0xab: {  	[sflag:s5] =	ssyncadd.remote.s32 @p0 $0x1;
	_ =	sdelay $0x1  }
0xac: {  	s5 =	simm.s32 @p0 $0x1B8D  }
0xad: {  	_ =	swait.eq @p0 [sflag:s5], $0x1  }
0xae: {  	[sflag:s5] =	ssyncadd.s32 @p0 $0xFFFFFFFF  }
0xaf: {  	s6 =	sshll.u32 @!p0 s1, $0xE  }
0xb0: {  	s6 =	sor.u32 @!p0 $0x4000, s6;
	s5 =	simm.s32 @!p0 $0x1B8D  }
0xb1: {  	s4 =	sshll.u32 @!p0 s4, $0x11;
	s6 =	sadd.s32 @!p0 $0x11B8D, s6;
	_ =	swait.eq @!p0 [sflag:s5], $0x1  }
0xb2: {  	s4 =	sor.u32 @!p0 s4, s6;
	[sflag:s5] =	ssyncadd.s32 @!p0 $0xFFFFFFFF  }
0xb3: {  	s25 =	simm.s32 $0x1B8E;
	s24 =	sld [smem:$0x3FFE];
	[sflag:s4] =	ssyncadd.remote.s32 @!p0 $0x1  }
0xb4: {  	s26 =	simm.s32 $execute0_lowered;
	[smem:$0x3FD2] =	sst s25  }
0xb5: {  	s5 =	sshll.u32 s26, $0x1;
	_ =	strace $0x80000049;
	[dreg:$0x1] =	wrdreg $0xFFFFFFFF  }
0xb6: {  	s28 =	simm.s32 $_size_execute0_lowered;
	s3 =	sadd.s32 s3, s5;
	[dreg:$0x0] =	wrdreg $0x0  }
0xb7: {  	s5 =	sshll.u32 s28, $0x1;
	[dreg:$0x2] =	wrdreg s3  }
0xb8: {  	[dreg:$0x3] =	wrdreg s5  }
0xb9: {  	[dreg:$0x4] =	wrdreg $0xC0  }
0xba: {  	_ =	task [dreg:s22], $0x5FFFF  }
0xbb: {  	[dreg:$0x1] =	wrdreg $0xFFFFFFFF  }
0xbc: {  	[dreg:$0x0] =	wrdreg $0x60  }
0xbd: {  	[dreg:$0x2] =	wrdreg s24  }
0xbe: {  	[dreg:$0x3] =	wrdreg $0x44000  }
0xbf: {  	[dreg:$0x4] =	wrdreg $0x9  }
0xc0: {  	_ =	task.clear_ibuf [dreg:s22], $0x5FFFF;
	_ =	strace $0x90000049  }
0xc1: {  	s29 =	simm.s32 $0x9;
	_ =	strace $0x8000004B  }
0xc2: {  	_ =	swait.ge [sflag:s29], $0x1  }
0xc3: {  	[sflag:s29] =	ssyncadd.s32 $0xFFFFFFFF  }
0xc4: {  	_ =	strace $0x9000004B  }
0xc5: {  	_ =	sfence  }
0xc6: {  	s30 =	sld [smem:$0x0];
	_ =	sdelay $0x2  }
0xc7: {  	s31 =	sshll.u32 s1, $0xD;
	s1 =	sshrl.u32 s1, $0x2  }
0xc8: {  	s4 =	sand.u32 $0x4000, s31;
	s1 =	sadd.s32 s1, s30  }
0xc9: {  	s0 =	sor.u32 s4, s0;
	s1 =	sshll.u32 s1, $0x11  }
0xca: {  	s0 =	sor.u32 s1, s0  }
0xcb: {  	s0 =	sadd.s32 $0x8F2B, s0  }
0xcc: {  	[sflag:s0] =	ssyncadd.remote.s32 $0x1  }
0xcd: {  	_ =	sfence.sel $0xFFFF  }
0xce: {  	[dreg:$0x0] =	wrdreg $0xFFFFFFFF;
	(pc) =	sbr.abs _section_cstart, $3  }
0xcf: {  	[dreg:$0x1] =	wrdreg $0xFFFFFFFF  }
0xd0: {  	_ =	task.clear_ibuf [dreg:s22], $0x2FFFF;
	_ =	strace $0x9FFFFFFF  }
0xd1: {  	(tm) =	ssettm $0x7FFFFFFF  }
tec
execute0_lowered:
.L_overlay_start_1:
0x0: {  	(tag) =	ssettag $0x1  }
0x1: {  	s0 =	rddreg [dreg:$0x0];
	s1 =	srdreg.scid  }
0x2: {  	s2 =	rddreg [dreg:$0x1];
	s8 =	stileid.u32  }
0x3: {  	s3 =	simm.s32 $0x0;
	s25 =	simm.s32 $0x3480;
	s13 =	simm.s32 $0x2  }
0x4: {  	s26 =	simm.s32 $0x3500;
	s14 =	simm.s32 $0x3400;
	s15 =	simm.s32 $0x64  }
0x5: {  	s28 =	simm.s32 $0x3A80;
	s29 =	simm.s32 $0x3B00;
	s30 =	simm.s32 $0x3B80  }
0x6: {  	s31 =	simm.s32 $0x3C00;
	s9 =	simm.s32 $0x3F80;
	s10 =	simm.s32 $0x4000  }
0x7: {  	s11 =	simm.s32 $0x0;
	s1 =	sand.u32 $0x1, s1;
	s5 =	smul.u32 $0x13C00, s8  }
0x8: {  	[smem:$0x7FF] =	sst s3;
	s7 =	smul.u32 $0x4E200, s8;
	s21 =	sshll.u32 s8, $0xB  }
0x9: {  	s8 =	simm.s32 $0x3F00;
	s4 =	smul.u32 $0x13C000, s1;
	s6 =	sshll.u32 s1, $0xF  }
0xa: {  	_ =	strace $0x8000004A;
	s1 =	ssub.s32 $0x2, s1;
	[dreg:$0x4] =	wrdreg s25  }
0xb: {  	[dreg:$0x5] =	wrdreg s26;
	s25 =	simm.s32 $0x3980;
	s16 =	sshrl.u32 s7, $0x2  }
0xc: {  	s26 =	simm.s32 $0x3A00;
	s4 =	sadd.s32 s5, s4;
	s5 =	sadd.s32 s16, s2  }
0xd: {  	s6 =	sadd.s32 s6, s0;
	s18 =	sadd.s32 $0x3200, s5;
	[dreg:$0x6] =	wrdreg s5  }
0xe: {  	s17 =	sshrl.u32 s1, $0x1;
	s19 =	sadd.s32 $0x6400, s5;
	[dreg:$0x7] =	wrdreg s18  }
0xf: {  	s7 =	simm.s32 $0x3E80;
	s20 =	sadd.s32 $0x9600, s5;
	[dreg:$0x8] =	wrdreg s19  }
0x10: {  	s1 =	ssub.s32 s1, s17;
	s22 =	sadd.s32 $0xC800, s5;
	[dreg:$0x9] =	wrdreg s20  }
0x11: {  	s16 =	simm.s32 $0x3580;
	s23 =	sadd.s32 $0xFA00, s5;
	[dreg:$0xa] =	wrdreg s22  }
0x12: {  	s17 =	simm.s32 $0x1;
	s5 =	sadd.s32 $0x12C00, s5;
	[dreg:$0xb] =	wrdreg s23  }
0x13: {  	s4 =	sshrl.u32 s4, $0x3;
	s1 =	smax.u32 s1, $0x1;
	[dreg:$0xc] =	wrdreg s5  }
0x14: {  	s0 =	sadd.s32 s4, s0;
	s4 =	sadd.s32 s21, s6;
	[dreg:$0xe] =	wrdreg s1  }
0x15: {  	s18 =	simm.s32 $0x3600;
	s19 =	simm.s32 $0x3680;
	s20 =	simm.s32 $0x3700  }
0x16: {  	s21 =	simm.s32 $0x3780;
	s22 =	simm.s32 $0x3800;
	s23 =	simm.s32 $0x3880  }
0x17: {  	s1 =	simm.s32 $0x3D00;
	s5 =	simm.s32 $0x3D80;
	s0 =	sadd.s32 $0x74000, s0  }
0x18: {  	s6 =	simm.s32 $0x3E00;
	s24 =	sadd.s32 $0x15000, s4;
	[dreg:$0xd] =	wrdreg s0  }
0x19: {  	v0 =	vimm.f32 $0.0e+00;
	v1 =	vimm.f32 $1.000000000e+00;
	[dreg:$0x3] =	wrdreg s24;
	s24 =	simm.s32 $0x3900;
	s0 =	simm.s32 $0x3C80  }
.LBB2_1:
0x1a: {  	s12 =	simm.s32 $0x70;
	s4 =	simm.s32 $0x3C0  }
.LBB2_2:
0x1b: {  	p0 =	sne.s32 s4, $0xC7C0;
	[tilespmem:s12+$0x0] =	vst v0  }
0x1c: {  	[tilespmem:s12+$0xFFFFFF90] =	vst v0  }
0x1d: {  	[tilespmem:s12+$0xFFFFFFA0] =	vst v0  }
.Ltmp0:
0x1e: {  	[tilespmem:s12+$0xFFFFFFB0] =	vst v0;
	(pc) =	sbr.rel @p0 .LBB2_2-.Ltmp0, $4  }
0x1f: {  	[tilespmem:s12+$0xFFFFFFC0] =	vst v0  }
0x20: {  	[tilespmem:s12+$0xFFFFFFD0] =	vst v0  }
0x21: {  	[tilespmem:s12+$0xFFFFFFE0] =	vst v0  }
0x22: {  	[tilespmem:s12+$0xFFFFFFF0] =	vst v0;
	s12 =	sshra.s32 s4, $0x2;
	s4 =	sadd.s32 $0x200, s4  }
0x23: {  	[tilespmem:s12+$0x0] =	vst v0  }
0x24: {  	[tilespmem:s12+$0xFFFFFF90] =	vst v0  }
0x25: {  	[tilespmem:s12+$0xFFFFFFA0] =	vst v0  }
0x26: {  	[tilespmem:s12+$0xFFFFFFB0] =	vst v0  }
0x27: {  	[tilespmem:s12+$0xFFFFFFC0] =	vst v0  }
0x28: {  	[tilespmem:s12+$0xFFFFFFD0] =	vst v0  }
0x29: {  	[tilespmem:s12+$0xFFFFFFE0] =	vst v0  }
0x2a: {  	[tilespmem:s12+$0xFFFFFFF0] =	vst v0;
	s4 =	rddreg [dreg:$0x6]  }
0x2b: {  	[spmem:s4] =	stream.linear.scatter [tilespmem:s3], [sflag:$0x2], $0x3200, $0x38;
	[tilespmem:$0x17C80] =	vst v63  }
0x2c: {  	_ =	swait.ge [sflag:s13], $0x3200  }
0x2d: {  	[sflag:s13] =	ssyncset.done $0x0  }
0x2e: {  	s12 =	rddreg [dreg:$0x7];
	[sflag:s13] =	ssyncadd.s32 $0xFFFFCE00  }
0x2f: {  	[spmem:s12] =	stream.linear.scatter [tilespmem:s3], [sflag:$0x2], $0x3200, $0x38;
	[tilespmem:$0x17C80] =	vst v63  }
0x30: {  	_ =	swait.ge [sflag:s13], $0x3200  }
0x31: {  	[sflag:s13] =	ssyncset.done $0x0  }
0x32: {  	s12 =	rddreg [dreg:$0x8];
	[sflag:s13] =	ssyncadd.s32 $0xFFFFCE00  }
0x33: {  	[spmem:s12] =	stream.linear.scatter [tilespmem:s3], [sflag:$0x2], $0x3200, $0x38;
	[tilespmem:$0x17C80] =	vst v63  }
0x34: {  	_ =	swait.ge [sflag:s13], $0x3200  }
0x35: {  	[sflag:s13] =	ssyncset.done $0x0  }
0x36: {  	s12 =	rddreg [dreg:$0x9];
	[sflag:s13] =	ssyncadd.s32 $0xFFFFCE00  }
0x37: {  	[spmem:s12] =	stream.linear.scatter [tilespmem:s3], [sflag:$0x2], $0x3200, $0x38;
	[tilespmem:$0x17C80] =	vst v63  }
0x38: {  	_ =	swait.ge [sflag:s13], $0x3200  }
0x39: {  	[sflag:s13] =	ssyncset.done $0x0  }
0x3a: {  	s12 =	rddreg [dreg:$0xa];
	[sflag:s13] =	ssyncadd.s32 $0xFFFFCE00  }
0x3b: {  	[spmem:s12] =	stream.linear.scatter [tilespmem:s3], [sflag:$0x2], $0x3200, $0x38;
	[tilespmem:$0x17C80] =	vst v63  }
0x3c: {  	_ =	swait.ge [sflag:s13], $0x3200  }
0x3d: {  	[sflag:s13] =	ssyncset.done $0x0  }
0x3e: {  	s12 =	rddreg [dreg:$0xb];
	[sflag:s13] =	ssyncadd.s32 $0xFFFFCE00  }
0x3f: {  	[spmem:s12] =	stream.linear.scatter [tilespmem:s3], [sflag:$0x2], $0x3200, $0x38;
	[tilespmem:$0x17C80] =	vst v63  }
0x40: {  	_ =	swait.ge [sflag:s13], $0x3200  }
0x41: {  	[sflag:s13] =	ssyncset.done $0x0  }
0x42: {  	s12 =	rddreg [dreg:$0xc];
	[sflag:s13] =	ssyncadd.s32 $0xFFFFCE00  }
0x43: {  	[spmem:s12] =	stream.linear.scatter [tilespmem:s3], [sflag:$0x2], $0xC80, $0x38;
	[tilespmem:$0x17C80] =	vst v63  }
0x44: {  	_ =	swait.ge [sflag:s13], $0xC80  }
0x45: {  	[sflag:s13] =	ssyncset.done $0x0  }
0x46: {  	s4 =	simm.s32 $0x3C0;
	s12 =	simm.s32 $0x70;
	[sflag:s13] =	ssyncadd.s32 $0xFFFFF380  }
.LBB2_4:
0x47: {  	p0 =	sne.s32 s4, $0xC7C0;
	[tilespmem:s12+$0x0] =	vst v1  }
0x48: {  	[tilespmem:s12+$0xFFFFFF90] =	vst v1  }
0x49: {  	[tilespmem:s12+$0xFFFFFFA0] =	vst v1  }
.Ltmp1:
0x4a: {  	[tilespmem:s12+$0xFFFFFFB0] =	vst v1;
	(pc) =	sbr.rel @p0 .LBB2_4-.Ltmp1, $4  }
0x4b: {  	[tilespmem:s12+$0xFFFFFFC0] =	vst v1  }
0x4c: {  	[tilespmem:s12+$0xFFFFFFD0] =	vst v1  }
0x4d: {  	[tilespmem:s12+$0xFFFFFFE0] =	vst v1  }
0x4e: {  	[tilespmem:s12+$0xFFFFFFF0] =	vst v1;
	s12 =	sshra.s32 s4, $0x2;
	s4 =	sadd.s32 $0x200, s4  }
0x4f: {  	[tilespmem:s12+$0x0] =	vst v1  }
0x50: {  	[tilespmem:s12+$0xFFFFFF90] =	vst v1  }
0x51: {  	[tilespmem:s12+$0xFFFFFFA0] =	vst v1  }
0x52: {  	[tilespmem:s12+$0xFFFFFFB0] =	vst v1  }
0x53: {  	[tilespmem:s12+$0xFFFFFFC0] =	vst v1  }
0x54: {  	[tilespmem:s12+$0xFFFFFFD0] =	vst v1  }
0x55: {  	[tilespmem:s12+$0xFFFFFFE0] =	vst v1  }
0x56: {  	[dreg:$0xf] =	wrdreg s11;
	[tilespmem:s12+$0xFFFFFFF0] =	vst v1  }
0x57: {  	[bflag:$0x0] =	sbarrier.arrive $0xFFFF  }
0x58: {  	s4 =	rddreg [dreg:$0x3]  }
0x59: {  	s4 =	sadd.s32 $0x0, s4  }
0x5a: {  	[tilespmem:s14], [sflag:$0x2] =	stream.linear.gather [hbm4b:s4+s3], $0xC80, $0x38;
	[tilespmem:$0x17C80] =	vst v63  }
0x5b: {  	_ =	swait.ge [sflag:s13], $0xC80  }
0x5c: {  	[sflag:s13] =	ssyncset.done $0x0  }
0x5d: {  	[sflag:s13] =	ssyncadd.s32 $0xFFFFF380  }
0x5e: {  	[spmem:s2] =	stream.indirect.scatter.add.f32 [tilespmem:s3], [sflag:$0x1], $0x80, s14, s15, $0xb8;
	[tilespmem:$0x17C80] =	vst v63  }
0x5f: {  	s12 =	rddreg [dreg:$0x4]  }
0x60: {  	[spmem:s2] =	stream.indirect.scatter.add.f32 [tilespmem:s3], [sflag:$0x1], $0x80, s12, s15, $0xb8;
	[tilespmem:$0x17C80] =	vst v63  }
0x61: {  	s11 =	rddreg [dreg:$0x5]  }
0x62: {  	[spmem:s2] =	stream.indirect.scatter.add.f32 [tilespmem:s3], [sflag:$0x1], $0x80, s11, s15, $0xb8;
	[tilespmem:$0x17C80] =	vst v63  }
0x63: {  	_ = 	snop  }
0x64: {  	[spmem:s2] =	stream.indirect.scatter.add.f32 [tilespmem:s3], [sflag:$0x1], $0x80, s16, s15, $0xb8;
	[tilespmem:$0x17C80] =	vst v63  }
0x65: {  	_ =	swait.ge [sflag:s17], $0x3200  }
0x66: {  	[sflag:s17] =	ssyncset.done $0x0  }
0x67: {  	[sflag:s17] =	ssyncadd.s32 $0xFFFFCE00  }
0x68: {  	[spmem:s2] =	stream.indirect.scatter.add.f32 [tilespmem:s3], [sflag:$0x1], $0x80, s18, s15, $0xb8;
	[tilespmem:$0x17C80] =	vst v63  }
0x69: {  	_ =	swait.ge [sflag:s17], $0x3200  }
0x6a: {  	[sflag:s17] =	ssyncset.done $0x0  }
0x6b: {  	[sflag:s17] =	ssyncadd.s32 $0xFFFFCE00  }
0x6c: {  	[spmem:s2] =	stream.indirect.scatter.add.f32 [tilespmem:s3], [sflag:$0x1], $0x80, s19, s15, $0xb8;
	[tilespmem:$0x17C80] =	vst v63  }
0x6d: {  	_ =	swait.ge [sflag:s17], $0x3200  }
0x6e: {  	[sflag:s17] =	ssyncset.done $0x0  }
0x6f: {  	[sflag:s17] =	ssyncadd.s32 $0xFFFFCE00  }
0x70: {  	[spmem:s2] =	stream.indirect.scatter.add.f32 [tilespmem:s3], [sflag:$0x1], $0x80, s20, s15, $0xb8;
	[tilespmem:$0x17C80] =	vst v63  }
0x71: {  	_ =	swait.ge [sflag:s17], $0x3200  }
0x72: {  	[sflag:s17] =	ssyncset.done $0x0  }
0x73: {  	[sflag:s17] =	ssyncadd.s32 $0xFFFFCE00  }
0x74: {  	[spmem:s2] =	stream.indirect.scatter.add.f32 [tilespmem:s3], [sflag:$0x1], $0x80, s21, s15, $0xb8;
	[tilespmem:$0x17C80] =	vst v63  }
0x75: {  	_ =	swait.ge [sflag:s17], $0x3200  }
0x76: {  	[sflag:s17] =	ssyncset.done $0x0  }
0x77: {  	[sflag:s17] =	ssyncadd.s32 $0xFFFFCE00  }
0x78: {  	[spmem:s2] =	stream.indirect.scatter.add.f32 [tilespmem:s3], [sflag:$0x1], $0x80, s22, s15, $0xb8;
	[tilespmem:$0x17C80] =	vst v63  }
0x79: {  	_ =	swait.ge [sflag:s17], $0x3200  }
0x7a: {  	[sflag:s17] =	ssyncset.done $0x0  }
0x7b: {  	[sflag:s17] =	ssyncadd.s32 $0xFFFFCE00  }
0x7c: {  	[spmem:s2] =	stream.indirect.scatter.add.f32 [tilespmem:s3], [sflag:$0x1], $0x80, s23, s15, $0xb8;
	[tilespmem:$0x17C80] =	vst v63  }
0x7d: {  	_ =	swait.ge [sflag:s17], $0x3200  }
0x7e: {  	[sflag:s17] =	ssyncset.done $0x0  }
0x7f: {  	[sflag:s17] =	ssyncadd.s32 $0xFFFFCE00  }
0x80: {  	[spmem:s2] =	stream.indirect.scatter.add.f32 [tilespmem:s3], [sflag:$0x1], $0x80, s24, s15, $0xb8;
	[tilespmem:$0x17C80] =	vst v63  }
0x81: {  	_ =	swait.ge [sflag:s17], $0x3200  }
0x82: {  	[sflag:s17] =	ssyncset.done $0x0  }
0x83: {  	[sflag:s17] =	ssyncadd.s32 $0xFFFFCE00  }
0x84: {  	[spmem:s2] =	stream.indirect.scatter.add.f32 [tilespmem:s3], [sflag:$0x1], $0x80, s25, s15, $0xb8;
	[tilespmem:$0x17C80] =	vst v63  }
0x85: {  	_ =	swait.ge [sflag:s17], $0x3200  }
0x86: {  	[sflag:s17] =	ssyncset.done $0x0  }
0x87: {  	[sflag:s17] =	ssyncadd.s32 $0xFFFFCE00  }
0x88: {  	[spmem:s2] =	stream.indirect.scatter.add.f32 [tilespmem:s3], [sflag:$0x1], $0x80, s26, s15, $0xb8;
	[tilespmem:$0x17C80] =	vst v63  }
0x89: {  	_ =	swait.ge [sflag:s17], $0x3200  }
0x8a: {  	[sflag:s17] =	ssyncset.done $0x0  }
0x8b: {  	[sflag:s17] =	ssyncadd.s32 $0xFFFFCE00  }
0x8c: {  	[spmem:s2] =	stream.indirect.scatter.add.f32 [tilespmem:s3], [sflag:$0x1], $0x80, s28, s15, $0xb8;
	[tilespmem:$0x17C80] =	vst v63  }
0x8d: {  	_ =	swait.ge [sflag:s17], $0x3200  }
0x8e: {  	[sflag:s17] =	ssyncset.done $0x0  }
0x8f: {  	[sflag:s17] =	ssyncadd.s32 $0xFFFFCE00  }
0x90: {  	[spmem:s2] =	stream.indirect.scatter.add.f32 [tilespmem:s3], [sflag:$0x1], $0x80, s29, s15, $0xb8;
	[tilespmem:$0x17C80] =	vst v63  }
0x91: {  	_ =	swait.ge [sflag:s17], $0x3200  }
0x92: {  	[sflag:s17] =	ssyncset.done $0x0  }
0x93: {  	[sflag:s17] =	ssyncadd.s32 $0xFFFFCE00  }
0x94: {  	[spmem:s2] =	stream.indirect.scatter.add.f32 [tilespmem:s3], [sflag:$0x1], $0x80, s30, s15, $0xb8;
	[tilespmem:$0x17C80] =	vst v63  }
0x95: {  	_ =	swait.ge [sflag:s17], $0x3200  }
0x96: {  	[sflag:s17] =	ssyncset.done $0x0  }
0x97: {  	[sflag:s17] =	ssyncadd.s32 $0xFFFFCE00  }
0x98: {  	[spmem:s2] =	stream.indirect.scatter.add.f32 [tilespmem:s3], [sflag:$0x1], $0x80, s31, s15, $0xb8;
	[tilespmem:$0x17C80] =	vst v63  }
0x99: {  	_ =	swait.ge [sflag:s17], $0x3200  }
0x9a: {  	[sflag:s17] =	ssyncset.done $0x0  }
0x9b: {  	[sflag:s17] =	ssyncadd.s32 $0xFFFFCE00  }
0x9c: {  	[spmem:s2] =	stream.indirect.scatter.add.f32 [tilespmem:s3], [sflag:$0x1], $0x80, s0, s15, $0xb8;
	[tilespmem:$0x17C80] =	vst v63  }
0x9d: {  	_ =	swait.ge [sflag:s17], $0x3200  }
0x9e: {  	[sflag:s17] =	ssyncset.done $0x0  }
0x9f: {  	[sflag:s17] =	ssyncadd.s32 $0xFFFFCE00  }
0xa0: {  	[spmem:s2] =	stream.indirect.scatter.add.f32 [tilespmem:s3], [sflag:$0x1], $0x80, s1, s15, $0xb8;
	[tilespmem:$0x17C80] =	vst v63  }
0xa1: {  	_ =	swait.ge [sflag:s17], $0x3200  }
0xa2: {  	[sflag:s17] =	ssyncset.done $0x0  }
0xa3: {  	[sflag:s17] =	ssyncadd.s32 $0xFFFFCE00  }
0xa4: {  	[spmem:s2] =	stream.indirect.scatter.add.f32 [tilespmem:s3], [sflag:$0x1], $0x80, s5, s15, $0xb8;
	[tilespmem:$0x17C80] =	vst v63  }
0xa5: {  	_ =	swait.ge [sflag:s17], $0x3200  }
0xa6: {  	[sflag:s17] =	ssyncset.done $0x0  }
0xa7: {  	[sflag:s17] =	ssyncadd.s32 $0xFFFFCE00  }
0xa8: {  	[spmem:s2] =	stream.indirect.scatter.add.f32 [tilespmem:s3], [sflag:$0x1], $0x80, s6, s15, $0xb8;
	[tilespmem:$0x17C80] =	vst v63  }
0xa9: {  	_ =	swait.ge [sflag:s17], $0x3200  }
0xaa: {  	[sflag:s17] =	ssyncset.done $0x0  }
0xab: {  	[sflag:s17] =	ssyncadd.s32 $0xFFFFCE00  }
0xac: {  	[spmem:s2] =	stream.indirect.scatter.add.f32 [tilespmem:s3], [sflag:$0x1], $0x80, s7, s15, $0xb8;
	[tilespmem:$0x17C80] =	vst v63  }
0xad: {  	_ =	swait.ge [sflag:s17], $0x3200  }
0xae: {  	[sflag:s17] =	ssyncset.done $0x0  }
0xaf: {  	[sflag:s17] =	ssyncadd.s32 $0xFFFFCE00  }
0xb0: {  	[spmem:s2] =	stream.indirect.scatter.add.f32 [tilespmem:s3], [sflag:$0x1], $0x80, s8, s15, $0xb8;
	[tilespmem:$0x17C80] =	vst v63  }
0xb1: {  	_ =	swait.ge [sflag:s17], $0x3200  }
0xb2: {  	[sflag:s17] =	ssyncset.done $0x0  }
0xb3: {  	[sflag:s17] =	ssyncadd.s32 $0xFFFFCE00  }
0xb4: {  	[spmem:s2] =	stream.indirect.scatter.add.f32 [tilespmem:s3], [sflag:$0x1], $0x80, s9, s15, $0xb8;
	[tilespmem:$0x17C80] =	vst v63  }
0xb5: {  	_ =	swait.ge [sflag:s17], $0x3200  }
0xb6: {  	[sflag:s17] =	ssyncset.done $0x0  }
0xb7: {  	[sflag:s17] =	ssyncadd.s32 $0xFFFFCE00  }
0xb8: {  	[spmem:s2] =	stream.indirect.scatter.add.f32 [tilespmem:s3], [sflag:$0x1], $0x80, s10, s15, $0xb8;
	[tilespmem:$0x17C80] =	vst v63  }
0xb9: {  	_ =	swait.ge [sflag:s17], $0x3200  }
0xba: {  	[sflag:s17] =	ssyncset.done $0x0  }
0xbb: {  	[sflag:s17] =	ssyncadd.s32 $0xFFFFCE00  }
0xbc: {  	_ =	swait.ge [sflag:s17], $0x3200  }
0xbd: {  	[sflag:s17] =	ssyncset.done $0x0  }
0xbe: {  	[sflag:s17] =	ssyncadd.s32 $0xFFFFCE00  }
0xbf: {  	_ =	swait.ge [sflag:s17], $0x3200  }
0xc0: {  	[sflag:s17] =	ssyncset.done $0x0  }
0xc1: {  	[sflag:s17] =	ssyncadd.s32 $0xFFFFCE00  }
0xc2: {  	s12 =	simm.s32 $0x200;
	_ =	swait.ge [sflag:s17], $0x3200  }
.LBB2_6:
0xc3: {  	s4 =	rddreg [dreg:$0x3];
	s11 =	smov.u32 s12;
	[sflag:s17] =	ssyncset.done $0x0  }
0xc4: {  	s4 =	sadd.s32 s11, s4;
	[sflag:s17] =	ssyncadd.s32 $0xFFFFCE00  }
0xc5: {  	[tilespmem:s14], [sflag:$0x2] =	stream.linear.gather [hbm4b:s4+s3], $0xC80, $0x38;
	[tilespmem:$0x17C80] =	vst v63  }
0xc6: {  	_ =	swait.ge [sflag:s13], $0xC80  }
0xc7: {  	[sflag:s13] =	ssyncset.done $0x0  }
0xc8: {  	[sflag:s13] =	ssyncadd.s32 $0xFFFFF380  }
0xc9: {  	[spmem:s2] =	stream.indirect.scatter.add.f32 [tilespmem:s3], [sflag:$0x1], $0x80, s14, s15, $0xb8;
	[tilespmem:$0x17C80] =	vst v63  }
0xca: {  	s4 =	rddreg [dreg:$0x4]  }
0xcb: {  	[spmem:s2] =	stream.indirect.scatter.add.f32 [tilespmem:s3], [sflag:$0x1], $0x80, s4, s15, $0xb8;
	[tilespmem:$0x17C80] =	vst v63  }
0xcc: {  	s11 =	rddreg [dreg:$0x5]  }
0xcd: {  	[spmem:s2] =	stream.indirect.scatter.add.f32 [tilespmem:s3], [sflag:$0x1], $0x80, s11, s15, $0xb8;
	[tilespmem:$0x17C80] =	vst v63  }
0xce: {  	_ = 	snop  }
0xcf: {  	[spmem:s2] =	stream.indirect.scatter.add.f32 [tilespmem:s3], [sflag:$0x1], $0x80, s16, s15, $0xb8;
	[tilespmem:$0x17C80] =	vst v63  }
0xd0: {  	_ =	swait.ge [sflag:s17], $0x3200  }
0xd1: {  	[sflag:s17] =	ssyncset.done $0x0  }
0xd2: {  	[sflag:s17] =	ssyncadd.s32 $0xFFFFCE00  }
0xd3: {  	[spmem:s2] =	stream.indirect.scatter.add.f32 [tilespmem:s3], [sflag:$0x1], $0x80, s18, s15, $0xb8;
	[tilespmem:$0x17C80] =	vst v63  }
0xd4: {  	_ =	swait.ge [sflag:s17], $0x3200  }
0xd5: {  	[sflag:s17] =	ssyncset.done $0x0  }
0xd6: {  	[sflag:s17] =	ssyncadd.s32 $0xFFFFCE00  }
0xd7: {  	[spmem:s2] =	stream.indirect.scatter.add.f32 [tilespmem:s3], [sflag:$0x1], $0x80, s19, s15, $0xb8;
	[tilespmem:$0x17C80] =	vst v63  }
0xd8: {  	_ =	swait.ge [sflag:s17], $0x3200  }
0xd9: {  	[sflag:s17] =	ssyncset.done $0x0  }
0xda: {  	[sflag:s17] =	ssyncadd.s32 $0xFFFFCE00  }
0xdb: {  	[spmem:s2] =	stream.indirect.scatter.add.f32 [tilespmem:s3], [sflag:$0x1], $0x80, s20, s15, $0xb8;
	[tilespmem:$0x17C80] =	vst v63  }
0xdc: {  	_ =	swait.ge [sflag:s17], $0x3200  }
0xdd: {  	[sflag:s17] =	ssyncset.done $0x0  }
0xde: {  	[sflag:s17] =	ssyncadd.s32 $0xFFFFCE00  }
0xdf: {  	[spmem:s2] =	stream.indirect.scatter.add.f32 [tilespmem:s3], [sflag:$0x1], $0x80, s21, s15, $0xb8;
	[tilespmem:$0x17C80] =	vst v63  }
0xe0: {  	_ =	swait.ge [sflag:s17], $0x3200  }
0xe1: {  	[sflag:s17] =	ssyncset.done $0x0  }
0xe2: {  	[sflag:s17] =	ssyncadd.s32 $0xFFFFCE00  }
0xe3: {  	[spmem:s2] =	stream.indirect.scatter.add.f32 [tilespmem:s3], [sflag:$0x1], $0x80, s22, s15, $0xb8;
	[tilespmem:$0x17C80] =	vst v63  }
0xe4: {  	_ =	swait.ge [sflag:s17], $0x3200  }
0xe5: {  	[sflag:s17] =	ssyncset.done $0x0  }
0xe6: {  	[sflag:s17] =	ssyncadd.s32 $0xFFFFCE00  }
0xe7: {  	[spmem:s2] =	stream.indirect.scatter.add.f32 [tilespmem:s3], [sflag:$0x1], $0x80, s23, s15, $0xb8;
	[tilespmem:$0x17C80] =	vst v63  }
0xe8: {  	_ =	swait.ge [sflag:s17], $0x3200  }
0xe9: {  	[sflag:s17] =	ssyncset.done $0x0  }
0xea: {  	[sflag:s17] =	ssyncadd.s32 $0xFFFFCE00  }
0xeb: {  	[spmem:s2] =	stream.indirect.scatter.add.f32 [tilespmem:s3], [sflag:$0x1], $0x80, s24, s15, $0xb8;
	[tilespmem:$0x17C80] =	vst v63  }
0xec: {  	_ =	swait.ge [sflag:s17], $0x3200  }
0xed: {  	[sflag:s17] =	ssyncset.done $0x0  }
0xee: {  	[sflag:s17] =	ssyncadd.s32 $0xFFFFCE00  }
0xef: {  	[spmem:s2] =	stream.indirect.scatter.add.f32 [tilespmem:s3], [sflag:$0x1], $0x80, s25, s15, $0xb8;
	[tilespmem:$0x17C80] =	vst v63  }
0xf0: {  	_ =	swait.ge [sflag:s17], $0x3200  }
0xf1: {  	[sflag:s17] =	ssyncset.done $0x0  }
0xf2: {  	[sflag:s17] =	ssyncadd.s32 $0xFFFFCE00  }
0xf3: {  	[spmem:s2] =	stream.indirect.scatter.add.f32 [tilespmem:s3], [sflag:$0x1], $0x80, s26, s15, $0xb8;
	[tilespmem:$0x17C80] =	vst v63  }
0xf4: {  	_ =	swait.ge [sflag:s17], $0x3200  }
0xf5: {  	[sflag:s17] =	ssyncset.done $0x0  }
0xf6: {  	[sflag:s17] =	ssyncadd.s32 $0xFFFFCE00  }
0xf7: {  	[spmem:s2] =	stream.indirect.scatter.add.f32 [tilespmem:s3], [sflag:$0x1], $0x80, s28, s15, $0xb8;
	[tilespmem:$0x17C80] =	vst v63  }
0xf8: {  	_ =	swait.ge [sflag:s17], $0x3200  }
0xf9: {  	[sflag:s17] =	ssyncset.done $0x0  }
0xfa: {  	[sflag:s17] =	ssyncadd.s32 $0xFFFFCE00  }
0xfb: {  	[spmem:s2] =	stream.indirect.scatter.add.f32 [tilespmem:s3], [sflag:$0x1], $0x80, s29, s15, $0xb8;
	[tilespmem:$0x17C80] =	vst v63  }
0xfc: {  	_ =	swait.ge [sflag:s17], $0x3200  }
0xfd: {  	[sflag:s17] =	ssyncset.done $0x0  }
0xfe: {  	[sflag:s17] =	ssyncadd.s32 $0xFFFFCE00  }
0xff: {  	[spmem:s2] =	stream.indirect.scatter.add.f32 [tilespmem:s3], [sflag:$0x1], $0x80, s30, s15, $0xb8;
	[tilespmem:$0x17C80] =	vst v63  }
0x100: {  	_ =	swait.ge [sflag:s17], $0x3200  }
0x101: {  	[sflag:s17] =	ssyncset.done $0x0  }
0x102: {  	[sflag:s17] =	ssyncadd.s32 $0xFFFFCE00  }
0x103: {  	[spmem:s2] =	stream.indirect.scatter.add.f32 [tilespmem:s3], [sflag:$0x1], $0x80, s31, s15, $0xb8;
	[tilespmem:$0x17C80] =	vst v63  }
0x104: {  	_ =	swait.ge [sflag:s17], $0x3200  }
0x105: {  	[sflag:s17] =	ssyncset.done $0x0  }
0x106: {  	[sflag:s17] =	ssyncadd.s32 $0xFFFFCE00  }
0x107: {  	[spmem:s2] =	stream.indirect.scatter.add.f32 [tilespmem:s3], [sflag:$0x1], $0x80, s0, s15, $0xb8;
	[tilespmem:$0x17C80] =	vst v63  }
0x108: {  	_ =	swait.ge [sflag:s17], $0x3200  }
0x109: {  	[sflag:s17] =	ssyncset.done $0x0  }
0x10a: {  	[sflag:s17] =	ssyncadd.s32 $0xFFFFCE00  }
0x10b: {  	[spmem:s2] =	stream.indirect.scatter.add.f32 [tilespmem:s3], [sflag:$0x1], $0x80, s1, s15, $0xb8;
	[tilespmem:$0x17C80] =	vst v63  }
0x10c: {  	_ =	swait.ge [sflag:s17], $0x3200  }
0x10d: {  	[sflag:s17] =	ssyncset.done $0x0  }
0x10e: {  	[sflag:s17] =	ssyncadd.s32 $0xFFFFCE00  }
0x10f: {  	[spmem:s2] =	stream.indirect.scatter.add.f32 [tilespmem:s3], [sflag:$0x1], $0x80, s5, s15, $0xb8;
	[tilespmem:$0x17C80] =	vst v63  }
0x110: {  	_ =	swait.ge [sflag:s17], $0x3200  }
0x111: {  	[sflag:s17] =	ssyncset.done $0x0  }
0x112: {  	[sflag:s17] =	ssyncadd.s32 $0xFFFFCE00  }
0x113: {  	[spmem:s2] =	stream.indirect.scatter.add.f32 [tilespmem:s3], [sflag:$0x1], $0x80, s6, s15, $0xb8;
	[tilespmem:$0x17C80] =	vst v63  }
0x114: {  	_ =	swait.ge [sflag:s17], $0x3200  }
0x115: {  	[sflag:s17] =	ssyncset.done $0x0  }
0x116: {  	[sflag:s17] =	ssyncadd.s32 $0xFFFFCE00  }
0x117: {  	[spmem:s2] =	stream.indirect.scatter.add.f32 [tilespmem:s3], [sflag:$0x1], $0x80, s7, s15, $0xb8;
	[tilespmem:$0x17C80] =	vst v63  }
0x118: {  	_ =	swait.ge [sflag:s17], $0x3200  }
0x119: {  	[sflag:s17] =	ssyncset.done $0x0  }
0x11a: {  	[sflag:s17] =	ssyncadd.s32 $0xFFFFCE00  }
0x11b: {  	[spmem:s2] =	stream.indirect.scatter.add.f32 [tilespmem:s3], [sflag:$0x1], $0x80, s8, s15, $0xb8;
	[tilespmem:$0x17C80] =	vst v63  }
0x11c: {  	_ =	swait.ge [sflag:s17], $0x3200  }
0x11d: {  	[sflag:s17] =	ssyncset.done $0x0  }
0x11e: {  	[sflag:s17] =	ssyncadd.s32 $0xFFFFCE00  }
0x11f: {  	[spmem:s2] =	stream.indirect.scatter.add.f32 [tilespmem:s3], [sflag:$0x1], $0x80, s9, s15, $0xb8;
	[tilespmem:$0x17C80] =	vst v63  }
0x120: {  	_ =	swait.ge [sflag:s17], $0x3200  }
0x121: {  	[sflag:s17] =	ssyncset.done $0x0  }
0x122: {  	[sflag:s17] =	ssyncadd.s32 $0xFFFFCE00  }
0x123: {  	[spmem:s2] =	stream.indirect.scatter.add.f32 [tilespmem:s3], [sflag:$0x1], $0x80, s10, s15, $0xb8;
	[tilespmem:$0x17C80] =	vst v63  }
0x124: {  	_ =	swait.ge [sflag:s17], $0x3200  }
0x125: {  	[sflag:s17] =	ssyncset.done $0x0  }
0x126: {  	[sflag:s17] =	ssyncadd.s32 $0xFFFFCE00  }
0x127: {  	_ =	swait.ge [sflag:s17], $0x3200  }
0x128: {  	p0 =	sne.s32 s12, $0x600;
	[sflag:s17] =	ssyncset.done $0x0  }
.Ltmp2:
0x129: {  	[sflag:s17] =	ssyncadd.s32 $0xFFFFCE00;
	(pc) =	sbr.rel @p0 .LBB2_6-.Ltmp2, $4  }
0x12a: {  	_ =	swait.ge [sflag:s17], $0x3200  }
0x12b: {  	[sflag:s17] =	ssyncset.done $0x0  }
0x12c: {  	[sflag:s17] =	ssyncadd.s32 $0xFFFFCE00  }
0x12d: {  	s12 =	sadd.s32 $0x200, s12;
	_ =	swait.ge [sflag:s17], $0x3200  }
0x12e: {  	[sflag:s17] =	ssyncset.done $0x0  }
0x12f: {  	[sflag:s17] =	ssyncadd.s32 $0xFFFFCE00  }
0x130: {  	s4 =	stileid.u32;
	[bflag:$0x0] =	sbarrier.arrive $0xFFFF  }
0x131: {  	s4 =	sshll.u32 s4, $0x6;
	s11 =	rddreg [dreg:$0x6]  }
0x132: {  	s4 =	sor.u32 $0x1C02, s4;
	s12 =	rddreg [dreg:$0xd];
	s11 =	sshrl.u32 s11, $0x3  }
0x133: {  	[hbm:s12], [sflag:s4] =	dma.local [spmem:s11], $0x2710  }
0x134: {  	_ =	swait.ge [sflag:s13], $0x2710  }
0x135: {  	s4 =	rddreg [dreg:$0xf]  }
0x136: {  	s12 =	rddreg [dreg:$0xe];
	s11 =	sadd.s32 $0x1, s4  }
0x137: {  	p0 =	sne.s32 s11, s12  }
.Ltmp3:
0x138: {  	_ = 	snop;
	(pc) =	sbr.rel @p0 .LBB2_1-.Ltmp3, $3  }
0x139: {  	_ =	sdelay $0x1  }
0x13a: {  	[sflag:s13] =	ssyncset.done $0x0  }
0x13b: {  	[sflag:s13] =	ssyncadd.s32 $0xFFFFD8F0  }
0x13c: {  	_ =	sfence.sel $0x180000  }
0x13d: {  	[bflag:$0x0] =	sbarrier.arrive $0xFFFF  }
0x13e: {  	_ =	strace $0x9000004A  }
0x13f: {  	s0 =	stileid.u32;
	[bflag:$0x2] =	sbarrier.arrive $0xFFFF  }
0x140: {  	p0 =	sne.s32 s0, $0x0;
	s0 =	rddreg [dreg:$0x2]  }
0x141: {  	s0 =	sadd.s32 @!p0 $0x100000, s0  }
0x142: {  	[sflag:s0] =	ssyncadd.tile.s32 @!p0 $0x1;
	_ =	shalt  }
.Lfunc_end2:
_tile_overlayer_lowered:
.L_overlay_start_2:
0x143: {  	(tag) =	ssettag $0x2  }
0x144: {  	s0 =	rddreg [dreg:$0x0];
	s2 =	stileid.u32  }
0x145: {  	s1 =	rddreg [dreg:$0x1];
	p0 =	sne.s32 s2, $0x0  }
0x146: {  	s3 =	rddreg [dreg:$0x2];
	[bflag:$0x3] =	sbarrier.arrive $0xFFFF;
	s2 =	simm.s32 @!p0 $0x1C02  }
0x147: {  	[timem:s3], [sflag:s2] =	dma.local @!p0 [hbm:s0], s1  }
0x148: {  	s0 =	simm.s32 @!p0 $0x2  }
0x149: {  	_ =	swait.ge @!p0 [sflag:s0], s1  }
0x14a: {  	s1 =	ssub.s32 @!p0 $0x0, s1;
	[sflag:s0] =	ssyncset.done @!p0 $0x0  }
0x14b: {  	[sflag:s0] =	ssyncadd.s32 @!p0 s1  }
0x14c: {  	[bflag:$0x3] =	sbarrier.arrive $0xFFFF  }
0x14d: {  	_ =	shalt  }

</sc_bundles>
